<compile_context>
chip_gen: v7x
topology: tpu7x:2x2x1
jax: 0.10.2.dev20260603
libtpu: 0.0.44.dev20260713+nightly
codegen_flags: <defaults>
</compile_context>

<pallas_src>
import functools

import jax
import jax.numpy as jnp
from jax import lax
from jax.experimental import pallas as pl
from jax.experimental.pallas import tpu as pltpu
from jax.experimental.pallas import tpu_sc as plsc

B = 16384
S = 100
CW = 128
NCHUNK = B // CW
L = 16
NC = 2
NS = 16
NW = NC * NS
CPW = NCHUNK // NW
HW = 128
G = HW // L
RPW = CPW * CW

_mesh = plsc.VectorSubcoreMesh(core_axis_name="c", subcore_axis_name="s")


@functools.partial(
    pl.kernel,
    mesh=_mesh,
    out_type=(
        jax.ShapeDtypeStruct((B,), jnp.float32),
        jax.ShapeDtypeStruct((B,), jnp.float32),
        jax.ShapeDtypeStruct((B,), jnp.float32),
    ),
    scratch_types=[
        pltpu.VMEM((S * CW,), jnp.int32),
        pltpu.VMEM((S * CW,), jnp.int32),
        pltpu.VMEM((S * CW,), jnp.int32),
        pltpu.VMEM((S * CW,), jnp.int32),
        pltpu.VMEM((RPW,), jnp.float32),
        pltpu.VMEM((RPW,), jnp.float32),
        pltpu.VMEM((RPW,), jnp.float32),
        pltpu.VMEM((L,), jnp.float32),
        pltpu.SemaphoreType.DMA,
        pltpu.SemaphoreType.DMA,
        pltpu.SemaphoreType.DMA,
        pltpu.SemaphoreType.DMA,
    ],
)
def _sc_main(idx_hbm, pack_hbm, gb_hbm,
             pred_hbm, logits_hbm, craw_hbm,
             idx0_v, idx1_v, pv0_v, pv1_v,
             pred_v, logits_v, craw_v, gb_v,
             isem0, isem1, gsem0, gsem1):
    wid = lax.axis_index("s") * NC + lax.axis_index("c")
    pltpu.sync_copy(gb_hbm, gb_v)
    gb = gb_v[...]
    himask = jnp.full((L,), -65536, jnp.int32)

    idx_v = (idx0_v, idx1_v)
    pv_v = (pv0_v, pv1_v)
    isem = (isem0, isem1)
    gsem = (gsem0, gsem1)

    def idx_src(k):
        c = wid * CPW + k
        return idx_hbm.at[pl.ds(c * S * CW, S * CW)]

    pltpu.sync_copy(idx_src(0), idx_v[0])
    gathers = [pltpu.async_copy(pack_hbm.at[idx_v[0]], pv_v[0], gsem[0]), None]
    idx_copies = [None, pltpu.async_copy(idx_src(1), idx_v[1], isem[1])]

    for k in range(CPW):
        b = k % 2
        nb = (k + 1) % 2
        gathers[b].wait()
        if k + 1 < CPW:
            idx_copies[nb].wait()
            gathers[nb] = pltpu.async_copy(
                pack_hbm.at[idx_v[nb]], pv_v[nb], gsem[nb])
        if k + 2 < CPW:
            idx_copies[b] = pltpu.async_copy(idx_src(k + 2), idx_v[b], isem[b])

        pv = pv_v[b]

        for h in range(CW // HW):
            def body(j, accs, pv=pv, h=h):
                sa, ca = accs
                base = j * CW + h * HW
                new_sa, new_ca = [], []
                for g in range(G):
                    x = pv[pl.ds(base + g * L, L)]
                    s = lax.bitcast_convert_type(x & himask, jnp.float32)
                    cc = lax.bitcast_convert_type(x << 16, jnp.float32)
                    new_sa.append(sa[g] + s)
                    new_ca.append(ca[g] + cc)
                return (tuple(new_sa), tuple(new_ca))

            zero = jnp.zeros((L,), jnp.float32)
            sa, ca = lax.fori_loop(0, S, body, ((zero,) * G, (zero,) * G))

            for g in range(G):
                logits16 = sa[g] * jnp.float32(1.0 / S) + gb
                pred16 = 1.0 / (1.0 + jnp.exp(-logits16))
                craw16 = 1.0 / (1.0 + jnp.exp(-ca[g])) + jnp.float32(0.2)
                o = k * CW + h * HW + g * L
                logits_v[pl.ds(o, L)] = logits16
                pred_v[pl.ds(o, L)] = pred16
                craw_v[pl.ds(o, L)] = craw16

    base = wid * RPW
    pltpu.sync_copy(pred_v, pred_hbm.at[pl.ds(base, RPW)])
    pltpu.sync_copy(logits_v, logits_hbm.at[pl.ds(base, RPW)])
    pltpu.sync_copy(craw_v, craw_hbm.at[pl.ds(base, RPW)])


def _norm_body(raw_ref, out_ref):
    x = raw_ref[...]
    total = jnp.sum(x)
    out_ref[...] = x * (jnp.float32(B) / total)


_norm = pl.pallas_call(
    _norm_body,
    out_shape=jax.ShapeDtypeStruct((CW, NCHUNK), jnp.float32),
)


def kernel(slot_bias_fid_index, sparse_bias, certain_bias_table, global_bias):
    idx_flat = (slot_bias_fid_index.reshape(NCHUNK, CW, S)
                .transpose(0, 2, 1).reshape(NCHUNK * S * CW))
    rnd = jnp.uint32(0x8000)
    sb = (lax.bitcast_convert_type(sparse_bias, jnp.uint32) + rnd) \
        & jnp.uint32(0xFFFF0000)
    cb = (lax.bitcast_convert_type(certain_bias_table, jnp.uint32) + rnd) >> 16
    packed = lax.bitcast_convert_type(sb | cb, jnp.int32)
    gb16 = jnp.broadcast_to(global_bias, (L,))
    pred, logits, craw = _sc_main(idx_flat, packed, gb16)
    certainly = _norm(craw.reshape(CW, NCHUNK)).reshape(B)
    return pred, logits, certainly

# --- scband reference (transcript-rebuilt; emitter-appended) ---
"""Pipeline reference for scband-lrmodel-63196148793668 (READ-ONLY COPY).

The authoritative reference and input builder live on the scoring server;
editing this copy changes nothing except your own understanding.
"""

import jax, jax.numpy as jnp
import numpy as np

FID_NUM = 1000000
BATCH = 16384
SLOT_NUM = 100


def setup_inputs(seed: int = 0) -> dict:
    key = jax.random.key(seed)
    k1, k2, k3 = jax.random.split(key, 3)
    slot_bias_fid_index = jax.random.randint(k1, (BATCH, SLOT_NUM), 0, FID_NUM, dtype=jnp.int32)
    # tf.truncated_normal_initializer(mean=0.0, stddev=0.01) ~ approximated with scaled normal
    sparse_bias = 0.01 * jax.random.normal(k2, (FID_NUM,), dtype=jnp.float32)
    certain_bias_table = 0.01 * jax.random.normal(k3, (FID_NUM,), dtype=jnp.float32)
    global_bias = jnp.zeros((1,), dtype=jnp.float32)
    return {
        "slot_bias_fid_index": slot_bias_fid_index,
        "sparse_bias": sparse_bias,
        "certain_bias_table": certain_bias_table,
        "global_bias": global_bias,
    }


def reference(slot_bias_fid_index, sparse_bias, certain_bias_table, global_bias):
    # bias_input = tf.gather(self.sparse_bias, self.slot_bias_fid_index)
    bias_input = jnp.take(sparse_bias, slot_bias_fid_index, axis=0)  # [B, S]
    # bias_sum = tf.reduce_mean(bias_input, axis=1)
    bias_sum = jnp.mean(bias_input, axis=1)  # [B]
    # logits += bias_sum + self.global_bias
    logits = bias_sum + global_bias[0]
    # pred = tf.sigmoid(logits)
    pred = jax.nn.sigmoid(logits)
    # get_certrain_prob(): certain_bias = gather(certain_bias_table, slot_bias_fid_index)
    certain_bias = jnp.take(certain_bias_table, slot_bias_fid_index, axis=0)  # [B, S]
    certain_logits = jnp.sum(certain_bias, axis=1)  # [B]
    certainly_raw = jax.nn.sigmoid(certain_logits) + 0.2
    certainly = certainly_raw / jnp.mean(certainly_raw)
    return pred, logits, certainly

if __name__ == "__main__":
    import jax
    _d = setup_inputs()
    print(jax.jit(kernel)(*tuple(_d.values())))

</pallas_src>

<mosaic_0001>
#map = affine_map<(d0, d1) -> (0)>
module attributes {stable_mosaic.version = 14 : i64} {
  func.func @_sc_main(%arg0: i32, %arg1: i32, %arg2: memref<1638400xi32, #tpu.memory_space<hbm>>, %arg3: memref<1000000xi32, #tpu.memory_space<hbm>>, %arg4: memref<16xf32, #tpu.memory_space<hbm>>, %arg5: memref<16384xf32, #tpu.memory_space<hbm>>, %arg6: memref<16384xf32, #tpu.memory_space<hbm>>, %arg7: memref<16384xf32, #tpu.memory_space<hbm>>, %arg8: memref<12800xi32, #tpu.memory_space<vmem>>, %arg9: memref<12800xi32, #tpu.memory_space<vmem>>, %arg10: memref<12800xi32, #tpu.memory_space<vmem>>, %arg11: memref<12800xi32, #tpu.memory_space<vmem>>, %arg12: memref<512xf32, #tpu.memory_space<vmem>>, %arg13: memref<512xf32, #tpu.memory_space<vmem>>, %arg14: memref<512xf32, #tpu.memory_space<vmem>>, %arg15: memref<16xf32, #tpu.memory_space<vmem>>, %arg16: memref<!tpu.dma_semaphore, #tpu.memory_space<semaphore_mem>>, %arg17: memref<!tpu.dma_semaphore, #tpu.memory_space<semaphore_mem>>, %arg18: memref<!tpu.dma_semaphore, #tpu.memory_space<semaphore_mem>>, %arg19: memref<!tpu.dma_semaphore, #tpu.memory_space<semaphore_mem>>) attributes {dimension_semantics = [#tpu.dimension_semantics<core_parallel>, #tpu.dimension_semantics<subcore_parallel>], iteration_bounds = array<i64: 2, 16>, scalar_prefetch = 0 : i64, scratch_operands = 12 : i64, tpu.core_type = #tpu.core_type<sc_vector_subcore>, window_params = [{transform_indices = #map}, {transform_indices = #map}, {transform_indices = #map}, {transform_indices = #map}, {transform_indices = #map}, {transform_indices = #map}]} {
    %mul3A = arith.constant 2 : i32
    %mul3A_0 = arith.muli %arg1, %mul3A : i32
    %add3A = arith.addi %mul3A_0, %arg0 : i32
    "tpu.region"() ({
      %run_scoped3A = tpu.sem_alloc : memref<!tpu.dma_semaphore, #tpu.memory_space<semaphore_mem>>
      tpu.enqueue_dma source(%arg4 : memref<16xf32, #tpu.memory_space<hbm>>) target(%arg15 : memref<16xf32, #tpu.memory_space<vmem>>) target_semaphore(%run_scoped3A : memref<!tpu.dma_semaphore, #tpu.memory_space<semaphore_mem>>)
      tpu.wait_dma2 semaphore(%run_scoped3A : memref<!tpu.dma_semaphore, #tpu.memory_space<semaphore_mem>>) src(%arg4 : memref<16xf32, #tpu.memory_space<hbm>>) dst(%arg15 : memref<16xf32, #tpu.memory_space<vmem>>)
      tpu.yield
    }) : () -> ()
    %get3A = arith.constant 0 : index
    %get3A_1 = tpu.vector_load %arg15[%get3A] {strides = array<i32>} : memref<16xf32, #tpu.memory_space<vmem>>, vector<16xf32>,
    %get3A_2 = vector.shape_cast %get3A_1 : vector<16xf32> to vector<16xf32>
    %broadcast_in_dim3A = arith.constant -65536 : i32
    %broadcast_in_dim3A_3 = vector.broadcast %broadcast_in_dim3A : i32 to vector<16xi32>
    %mul3A_4 = arith.constant 4 : i32
    %mul3A_5 = arith.muli %add3A, %mul3A_4 : i32
    %add3A_6 = arith.constant 0 : i32
    %add3A_7 = arith.addi %mul3A_5, %add3A_6 : i32
    %mul3A_8 = arith.constant 100 : i32
    %mul3A_9 = arith.muli %add3A_7, %mul3A_8 : i32
    %mul3A_10 = arith.constant 128 : i32
    %mul3A_11 = arith.muli %mul3A_9, %mul3A_10 : i32
    "tpu.region"() ({
      %run_scoped3A = tpu.sem_alloc : memref<!tpu.dma_semaphore, #tpu.memory_space<semaphore_mem>>
      %dma_start3A_1339 = tpu.memref_slice %arg2[%mul3A_11] : memref<1638400xi32, #tpu.memory_space<hbm>> -> memref<12800xi32, #tpu.memory_space<hbm>>
      %dma_start3A_1340 = tpu.memref_slice %arg2[%mul3A_11] : memref<1638400xi32, #tpu.memory_space<hbm>> -> memref<12800xi32, #tpu.memory_space<hbm>>
      tpu.enqueue_dma source(%dma_start3A_1340 : memref<12800xi32, #tpu.memory_space<hbm>>) target(%arg8 : memref<12800xi32, #tpu.memory_space<vmem>>) target_semaphore(%run_scoped3A : memref<!tpu.dma_semaphore, #tpu.memory_space<semaphore_mem>>)
      %dma_wait3A_1341 = tpu.memref_slice %arg2[%mul3A_11] : memref<1638400xi32, #tpu.memory_space<hbm>> -> memref<12800xi32, #tpu.memory_space<hbm>>
      %dma_wait3A_1342 = tpu.memref_slice %arg2[%mul3A_11] : memref<1638400xi32, #tpu.memory_space<hbm>> -> memref<12800xi32, #tpu.memory_space<hbm>>
      tpu.wait_dma2 semaphore(%run_scoped3A : memref<!tpu.dma_semaphore, #tpu.memory_space<semaphore_mem>>) src(%dma_wait3A_1342 : memref<12800xi32, #tpu.memory_space<hbm>>) dst(%arg8 : memref<12800xi32, #tpu.memory_space<vmem>>)
      tpu.yield
    }) : () -> ()
    %dma_start3A = arith.constant 0 : i32
    %dma_start3A_12 = tpu.memref_slice %arg3[%dma_start3A] : memref<1000000xi32, #tpu.memory_space<hbm>> -> memref<1000000xi32, #tpu.memory_space<hbm>>
    tpu.enqueue_indirect_dma source(%dma_start3A_12 : memref<1000000xi32, #tpu.memory_space<hbm>>) target(%arg10 : memref<12800xi32, #tpu.memory_space<vmem>>) offsets(%arg8 : memref<12800xi32, #tpu.memory_space<vmem>>) semaphore(%arg18 : memref<!tpu.dma_semaphore, #tpu.memory_space<semaphore_mem>>)
    %mul3A_13 = arith.constant 4 : i32
    %mul3A_14 = arith.muli %add3A, %mul3A_13 : i32
    %add3A_15 = arith.constant 1 : i32
    %add3A_16 = arith.addi %mul3A_14, %add3A_15 : i32
    %mul3A_17 = arith.constant 100 : i32
    %mul3A_18 = arith.muli %add3A_16, %mul3A_17 : i32
    %mul3A_19 = arith.constant 128 : i32
    %mul3A_20 = arith.muli %mul3A_18, %mul3A_19 : i32
    %dma_start3A_21 = tpu.memref_slice %arg2[%mul3A_20] : memref<1638400xi32, #tpu.memory_space<hbm>> -> memref<12800xi32, #tpu.memory_space<hbm>>
    %dma_start3A_22 = tpu.memref_slice %arg2[%mul3A_20] : memref<1638400xi32, #tpu.memory_space<hbm>> -> memref<12800xi32, #tpu.memory_space<hbm>>
    tpu.enqueue_dma source(%dma_start3A_22 : memref<12800xi32, #tpu.memory_space<hbm>>) target(%arg9 : memref<12800xi32, #tpu.memory_space<vmem>>) target_semaphore(%arg17 : memref<!tpu.dma_semaphore, #tpu.memory_space<semaphore_mem>>)
    %dma_wait3A = arith.constant 0 : i32
    %dma_wait3A_23 = tpu.memref_slice %arg3[%dma_wait3A] : memref<1000000xi32, #tpu.memory_space<hbm>> -> memref<1000000xi32, #tpu.memory_space<hbm>>
    tpu.wait_indirect_dma semaphore(%arg18 : memref<!tpu.dma_semaphore, #tpu.memory_space<semaphore_mem>>) src(%dma_wait3A_23 : memref<1000000xi32, #tpu.memory_space<hbm>>) dst(%arg10 : memref<12800xi32, #tpu.memory_space<vmem>>)
    %dma_wait3A_24 = tpu.memref_slice %arg2[%mul3A_20] : memref<1638400xi32, #tpu.memory_space<hbm>> -> memref<12800xi32, #tpu.memory_space<hbm>>
    %dma_wait3A_25 = tpu.memref_slice %arg2[%mul3A_20] : memref<1638400xi32, #tpu.memory_space<hbm>> -> memref<12800xi32, #tpu.memory_space<hbm>>
    tpu.wait_dma2 semaphore(%arg17 : memref<!tpu.dma_semaphore, #tpu.memory_space<semaphore_mem>>) src(%dma_wait3A_25 : memref<12800xi32, #tpu.memory_space<hbm>>) dst(%arg9 : memref<12800xi32, #tpu.memory_space<vmem>>)
    %dma_start3A_26 = arith.constant 0 : i32
    %dma_start3A_27 = tpu.memref_slice %arg3[%dma_start3A_26] : memref<1000000xi32, #tpu.memory_space<hbm>> -> memref<1000000xi32, #tpu.memory_space<hbm>>
    tpu.enqueue_indirect_dma source(%dma_start3A_27 : memref<1000000xi32, #tpu.memory_space<hbm>>) target(%arg11 : memref<12800xi32, #tpu.memory_space<vmem>>) offsets(%arg9 : memref<12800xi32, #tpu.memory_space<vmem>>) semaphore(%arg19 : memref<!tpu.dma_semaphore, #tpu.memory_space<semaphore_mem>>)
    %mul3A_28 = arith.constant 4 : i32
    %mul3A_29 = arith.muli %add3A, %mul3A_28 : i32
    %add3A_30 = arith.constant 2 : i32
    %add3A_31 = arith.addi %mul3A_29, %add3A_30 : i32
    %mul3A_32 = arith.constant 100 : i32
    %mul3A_33 = arith.muli %add3A_31, %mul3A_32 : i32
    %mul3A_34 = arith.constant 128 : i32
    %mul3A_35 = arith.muli %mul3A_33, %mul3A_34 : i32
    %dma_start3A_36 = tpu.memref_slice %arg2[%mul3A_35] : memref<1638400xi32, #tpu.memory_space<hbm>> -> memref<12800xi32, #tpu.memory_space<hbm>>
    %dma_start3A_37 = tpu.memref_slice %arg2[%mul3A_35] : memref<1638400xi32, #tpu.memory_space<hbm>> -> memref<12800xi32, #tpu.memory_space<hbm>>
    tpu.enqueue_dma source(%dma_start3A_37 : memref<12800xi32, #tpu.memory_space<hbm>>) target(%arg8 : memref<12800xi32, #tpu.memory_space<vmem>>) target_semaphore(%arg16 : memref<!tpu.dma_semaphore, #tpu.memory_space<semaphore_mem>>)
    %broadcast_in_dim3A_38 = arith.constant 0.000000e+00 : f32
    %broadcast_in_dim3A_39 = vector.broadcast %broadcast_in_dim3A_38 : f32 to vector<16xf32>
    %scan3A = arith.constant 0 : i32
    %scan3A_40 = arith.constant 100 : i32
    %scan3A_41 = arith.addi %scan3A, %scan3A_40 : i32
    %scan3A_42 = arith.constant 1 : i32
    %scan3A_43:16 = scf.for %scan3A_1339 = %scan3A to %scan3A_41 step %scan3A_42 iter_args(%scan3A_1340 = %broadcast_in_dim3A_39, %scan3A_1341 = %broadcast_in_dim3A_39, %scan3A_1342 = %broadcast_in_dim3A_39, %scan3A_1343 = %broadcast_in_dim3A_39, %scan3A_1344 = %broadcast_in_dim3A_39, %scan3A_1345 = %broadcast_in_dim3A_39, %scan3A_1346 = %broadcast_in_dim3A_39, %scan3A_1347 = %broadcast_in_dim3A_39, %scan3A_1348 = %broadcast_in_dim3A_39, %scan3A_1349 = %broadcast_in_dim3A_39, %scan3A_1350 = %broadcast_in_dim3A_39, %scan3A_1351 = %broadcast_in_dim3A_39, %scan3A_1352 = %broadcast_in_dim3A_39, %scan3A_1353 = %broadcast_in_dim3A_39, %scan3A_1354 = %broadcast_in_dim3A_39, %scan3A_1355 = %broadcast_in_dim3A_39) -> (vector<16xf32>, vector<16xf32>, vector<16xf32>, vector<16xf32>, vector<16xf32>, vector<16xf32>, vector<16xf32>, vector<16xf32>, vector<16xf32>, vector<16xf32>, vector<16xf32>, vector<16xf32>, vector<16xf32>, vector<16xf32>, vector<16xf32>, vector<16xf32>)  : i32 {
      %mul3A_1356 = arith.constant 128 : i32
      %mul3A_1357 = arith.muli %scan3A_1339, %mul3A_1356 : i32
      %add3A_1358 = arith.constant 0 : i32
      %add3A_1359 = arith.addi %mul3A_1357, %add3A_1358 : i32
      %add3A_1360 = arith.constant 0 : i32
      %add3A_1361 = arith.addi %add3A_1359, %add3A_1360 : i32
      %get3A_1362 = arith.index_cast %add3A_1361 : i32 to index
      %get3A_1363 = tpu.vector_load %arg10[%get3A_1362] {strides = array<i32>} : memref<12800xi32, #tpu.memory_space<vmem>>, vector<16xi32>,
      %get3A_1364 = vector.shape_cast %get3A_1363 : vector<16xi32> to vector<16xi32>
      %and3A = arith.andi %get3A_1364, %broadcast_in_dim3A_3 : vector<16xi32>
      %bitcast_convert_type3A = tpu.bitcast %and3A : vector<16xi32> -> vector<16xf32>
      %shift_left3A = arith.constant 16 : i32
      %shift_left3A_1365 = vector.broadcast %shift_left3A : i32 to vector<16xi32>
      %shift_left3A_1366 = arith.shli %get3A_1364, %shift_left3A_1365 : vector<16xi32>
      %bitcast_convert_type3A_1367 = tpu.bitcast %shift_left3A_1366 : vector<16xi32> -> vector<16xf32>
      %add3A_1368 = arith.addf %scan3A_1340, %bitcast_convert_type3A : vector<16xf32>
      %add3A_1369 = arith.addf %scan3A_1348, %bitcast_convert_type3A_1367 : vector<16xf32>
      %add3A_1370 = arith.constant 16 : i32
      %add3A_1371 = arith.addi %add3A_1359, %add3A_1370 : i32
      %get3A_1372 = arith.index_cast %add3A_1371 : i32 to index
      %get3A_1373 = tpu.vector_load %arg10[%get3A_1372] {strides = array<i32>} : memref<12800xi32, #tpu.memory_space<vmem>>, vector<16xi32>,
      %get3A_1374 = vector.shape_cast %get3A_1373 : vector<16xi32> to vector<16xi32>
      %and3A_1375 = arith.andi %get3A_1374, %broadcast_in_dim3A_3 : vector<16xi32>
      %bitcast_convert_type3A_1376 = tpu.bitcast %and3A_1375 : vector<16xi32> -> vector<16xf32>
      %shift_left3A_1377 = arith.constant 16 : i32
      %shift_left3A_1378 = vector.broadcast %shift_left3A_1377 : i32 to vector<16xi32>
      %shift_left3A_1379 = arith.shli %get3A_1374, %shift_left3A_1378 : vector<16xi32>
      %bitcast_convert_type3A_1380 = tpu.bitcast %shift_left3A_1379 : vector<16xi32> -> vector<16xf32>
      %add3A_1381 = arith.addf %scan3A_1341, %bitcast_convert_type3A_1376 : vector<16xf32>
      %add3A_1382 = arith.addf %scan3A_1349, %bitcast_convert_type3A_1380 : vector<16xf32>
      %add3A_1383 = arith.constant 32 : i32
      %add3A_1384 = arith.addi %add3A_1359, %add3A_1383 : i32
      %get3A_1385 = arith.index_cast %add3A_1384 : i32 to index
      %get3A_1386 = tpu.vector_load %arg10[%get3A_1385] {strides = array<i32>} : memref<12800xi32, #tpu.memory_space<vmem>>, vector<16xi32>,
      %get3A_1387 = vector.shape_cast %get3A_1386 : vector<16xi32> to vector<16xi32>
      %and3A_1388 = arith.andi %get3A_1387, %broadcast_in_dim3A_3 : vector<16xi32>
      %bitcast_convert_type3A_1389 = tpu.bitcast %and3A_1388 : vector<16xi32> -> vector<16xf32>
      %shift_left3A_1390 = arith.constant 16 : i32
      %shift_left3A_1391 = vector.broadcast %shift_left3A_1390 : i32 to vector<16xi32>
      %shift_left3A_1392 = arith.shli %get3A_1387, %shift_left3A_1391 : vector<16xi32>
      %bitcast_convert_type3A_1393 = tpu.bitcast %shift_left3A_1392 : vector<16xi32> -> vector<16xf32>
      %add3A_1394 = arith.addf %scan3A_1342, %bitcast_convert_type3A_1389 : vector<16xf32>
      %add3A_1395 = arith.addf %scan3A_1350, %bitcast_convert_type3A_1393 : vector<16xf32>
      %add3A_1396 = arith.constant 48 : i32
      %add3A_1397 = arith.addi %add3A_1359, %add3A_1396 : i32
      %get3A_1398 = arith.index_cast %add3A_1397 : i32 to index
      %get3A_1399 = tpu.vector_load %arg10[%get3A_1398] {strides = array<i32>} : memref<12800xi32, #tpu.memory_space<vmem>>, vector<16xi32>,
      %get3A_1400 = vector.shape_cast %get3A_1399 : vector<16xi32> to vector<16xi32>
      %and3A_1401 = arith.andi %get3A_1400, %broadcast_in_dim3A_3 : vector<16xi32>
      %bitcast_convert_type3A_1402 = tpu.bitcast %and3A_1401 : vector<16xi32> -> vector<16xf32>
      %shift_left3A_1403 = arith.constant 16 : i32
      %shift_left3A_1404 = vector.broadcast %shift_left3A_1403 : i32 to vector<16xi32>
      %shift_left3A_1405 = arith.shli %get3A_1400, %shift_left3A_1404 : vector<16xi32>
      %bitcast_convert_type3A_1406 = tpu.bitcast %shift_left3A_1405 : vector<16xi32> -> vector<16xf32>
      %add3A_1407 = arith.addf %scan3A_1343, %bitcast_convert_type3A_1402 : vector<16xf32>
      %add3A_1408 = arith.addf %scan3A_1351, %bitcast_convert_type3A_1406 : vector<16xf32>
      %add3A_1409 = arith.constant 64 : i32
      %add3A_1410 = arith.addi %add3A_1359, %add3A_1409 : i32
      %get3A_1411 = arith.index_cast %add3A_1410 : i32 to index
      %get3A_1412 = tpu.vector_load %arg10[%get3A_1411] {strides = array<i32>} : memref<12800xi32, #tpu.memory_space<vmem>>, vector<16xi32>,
      %get3A_1413 = vector.shape_cast %get3A_1412 : vector<16xi32> to vector<16xi32>
      %and3A_1414 = arith.andi %get3A_1413, %broadcast_in_dim3A_3 : vector<16xi32>
      %bitcast_convert_type3A_1415 = tpu.bitcast %and3A_1414 : vector<16xi32> -> vector<16xf32>
      %shift_left3A_1416 = arith.constant 16 : i32
      %shift_left3A_1417 = vector.broadcast %shift_left3A_1416 : i32 to vector<16xi32>
      %shift_left3A_1418 = arith.shli %get3A_1413, %shift_left3A_1417 : vector<16xi32>
      %bitcast_convert_type3A_1419 = tpu.bitcast %shift_left3A_1418 : vector<16xi32> -> vector<16xf32>
      %add3A_1420 = arith.addf %scan3A_1344, %bitcast_convert_type3A_1415 : vector<16xf32>
      %add3A_1421 = arith.addf %scan3A_1352, %bitcast_convert_type3A_1419 : vector<16xf32>
      %add3A_1422 = arith.constant 80 : i32
      %add3A_1423 = arith.addi %add3A_1359, %add3A_1422 : i32
      %get3A_1424 = arith.index_cast %add3A_1423 : i32 to index
      %get3A_1425 = tpu.vector_load %arg10[%get3A_1424] {strides = array<i32>} : memref<12800xi32, #tpu.memory_space<vmem>>, vector<16xi32>,
      %get3A_1426 = vector.shape_cast %get3A_1425 : vector<16xi32> to vector<16xi32>
      %and3A_1427 = arith.andi %get3A_1426, %broadcast_in_dim3A_3 : vector<16xi32>
      %bitcast_convert_type3A_1428 = tpu.bitcast %and3A_1427 : vector<16xi32> -> vector<16xf32>
      %shift_left3A_1429 = arith.constant 16 : i32
      %shift_left3A_1430 = vector.broadcast %shift_left3A_1429 : i32 to vector<16xi32>
      %shift_left3A_1431 = arith.shli %get3A_1426, %shift_left3A_1430 : vector<16xi32>
      %bitcast_convert_type3A_1432 = tpu.bitcast %shift_left3A_1431 : vector<16xi32> -> vector<16xf32>
      %add3A_1433 = arith.addf %scan3A_1345, %bitcast_convert_type3A_1428 : vector<16xf32>
      %add3A_1434 = arith.addf %scan3A_1353, %bitcast_convert_type3A_1432 : vector<16xf32>
      %add3A_1435 = arith.constant 96 : i32
      %add3A_1436 = arith.addi %add3A_1359, %add3A_1435 : i32
      %get3A_1437 = arith.index_cast %add3A_1436 : i32 to index
      %get3A_1438 = tpu.vector_load %arg10[%get3A_1437] {strides = array<i32>} : memref<12800xi32, #tpu.memory_space<vmem>>, vector<16xi32>,
      %get3A_1439 = vector.shape_cast %get3A_1438 : vector<16xi32> to vector<16xi32>
      %and3A_1440 = arith.andi %get3A_1439, %broadcast_in_dim3A_3 : vector<16xi32>
      %bitcast_convert_type3A_1441 = tpu.bitcast %and3A_1440 : vector<16xi32> -> vector<16xf32>
      %shift_left3A_1442 = arith.constant 16 : i32
      %shift_left3A_1443 = vector.broadcast %shift_left3A_1442 : i32 to vector<16xi32>
      %shift_left3A_1444 = arith.shli %get3A_1439, %shift_left3A_1443 : vector<16xi32>
      %bitcast_convert_type3A_1445 = tpu.bitcast %shift_left3A_1444 : vector<16xi32> -> vector<16xf32>
      %add3A_1446 = arith.addf %scan3A_1346, %bitcast_convert_type3A_1441 : vector<16xf32>
      %add3A_1447 = arith.addf %scan3A_1354, %bitcast_convert_type3A_1445 : vector<16xf32>
      %add3A_1448 = arith.constant 112 : i32
      %add3A_1449 = arith.addi %add3A_1359, %add3A_1448 : i32
      %get3A_1450 = arith.index_cast %add3A_1449 : i32 to index
      %get3A_1451 = tpu.vector_load %arg10[%get3A_1450] {strides = array<i32>} : memref<12800xi32, #tpu.memory_space<vmem>>, vector<16xi32>,
      %get3A_1452 = vector.shape_cast %get3A_1451 : vector<16xi32> to vector<16xi32>
      %and3A_1453 = arith.andi %get3A_1452, %broadcast_in_dim3A_3 : vector<16xi32>
      %bitcast_convert_type3A_1454 = tpu.bitcast %and3A_1453 : vector<16xi32> -> vector<16xf32>
      %shift_left3A_1455 = arith.constant 16 : i32
      %shift_left3A_1456 = vector.broadcast %shift_left3A_1455 : i32 to vector<16xi32>
      %shift_left3A_1457 = arith.shli %get3A_1452, %shift_left3A_1456 : vector<16xi32>
      %bitcast_convert_type3A_1458 = tpu.bitcast %shift_left3A_1457 : vector<16xi32> -> vector<16xf32>
      %add3A_1459 = arith.addf %scan3A_1347, %bitcast_convert_type3A_1454 : vector<16xf32>
      %add3A_1460 = arith.addf %scan3A_1355, %bitcast_convert_type3A_1458 : vector<16xf32>
      scf.yield %add3A_1368, %add3A_1381, %add3A_1394, %add3A_1407, %add3A_1420, %add3A_1433, %add3A_1446, %add3A_1459, %add3A_1369, %add3A_1382, %add3A_1395, %add3A_1408, %add3A_1421, %add3A_1434, %add3A_1447, %add3A_1460 : vector<16xf32>, vector<16xf32>, vector<16xf32>, vector<16xf32>, vector<16xf32>, vector<16xf32>, vector<16xf32>, vector<16xf32>, vector<16xf32>, vector<16xf32>, vector<16xf32>, vector<16xf32>, vector<16xf32>, vector<16xf32>, vector<16xf32>, vector<16xf32>
    }
    %scan3A_44 = arith.constant 100 : i32
    %mul3A_45 = arith.constant 0.00999999977 : f32
    %mul3A_46 = vector.broadcast %mul3A_45 : f32 to vector<16xf32>
    %mul3A_47 = arith.mulf %scan3A_43#0, %mul3A_46 : vector<16xf32>
    %add3A_48 = arith.addf %mul3A_47, %get3A_2 : vector<16xf32>
    %neg3A = arith.constant 0.000000e+00 : f32
    %neg3A_49 = vector.broadcast %neg3A : f32 to vector<16xf32>
    %neg3A_50 = arith.subf %neg3A_49, %add3A_48 : vector<16xf32>
    %exp3A = math.exp %neg3A_50 : vector<16xf32>
    %add3A_51 = arith.constant 1.000000e+00 : f32
    %add3A_52 = vector.broadcast %add3A_51 : f32 to vector<16xf32>
    %add3A_53 = arith.addf %add3A_52, %exp3A : vector<16xf32>
    %div3A = arith.constant 1.000000e+00 : f32
    %div3A_54 = vector.broadcast %div3A : f32 to vector<16xf32>
    %div3A_55 = arith.divf %div3A_54, %add3A_53 : vector<16xf32>
    %neg3A_56 = arith.constant 0.000000e+00 : f32
    %neg3A_57 = vector.broadcast %neg3A_56 : f32 to vector<16xf32>
    %neg3A_58 = arith.subf %neg3A_57, %scan3A_43#8 : vector<16xf32>
    %exp3A_59 = math.exp %neg3A_58 : vector<16xf32>
    %add3A_60 = arith.constant 1.000000e+00 : f32
    %add3A_61 = vector.broadcast %add3A_60 : f32 to vector<16xf32>
    %add3A_62 = arith.addf %add3A_61, %exp3A_59 : vector<16xf32>
    %div3A_63 = arith.constant 1.000000e+00 : f32
    %div3A_64 = vector.broadcast %div3A_63 : f32 to vector<16xf32>
    %div3A_65 = arith.divf %div3A_64, %add3A_62 : vector<16xf32>
    %add3A_66 = arith.constant 2.000000e-01 : f32
    %add3A_67 = vector.broadcast %add3A_66 : f32 to vector<16xf32>
    %add3A_68 = arith.addf %div3A_65, %add3A_67 : vector<16xf32>
    %swap3A = arith.constant 0 : index
    %swap3A_69 = tpu.vector_load %arg13[%swap3A] {strides = array<i32>} : memref<512xf32, #tpu.memory_space<vmem>>, vector<16xf32>,
    %swap3A_70 = vector.shape_cast %swap3A_69 : vector<16xf32> to vector<16xf32>
    %swap3A_71 = vector.shape_cast %add3A_48 : vector<16xf32> to vector<16xf32>
    tpu.vector_store %arg13[%swap3A], %swap3A_71 {strides = array<i32>} : memref<512xf32, #tpu.memory_space<vmem>>, vector<16xf32>,
    %swap3A_72 = arith.constant 0 : index
    %swap3A_73 = tpu.vector_load %arg12[%swap3A_72] {strides = array<i32>} : memref<512xf32, #tpu.memory_space<vmem>>, vector<16xf32>,
    %swap3A_74 = vector.shape_cast %swap3A_73 : vector<16xf32> to vector<16xf32>
    %swap3A_75 = vector.shape_cast %div3A_55 : vector<16xf32> to vector<16xf32>
    tpu.vector_store %arg12[%swap3A_72], %swap3A_75 {strides = array<i32>} : memref<512xf32, #tpu.memory_space<vmem>>, vector<16xf32>,
    %swap3A_76 = arith.constant 0 : index
    %swap3A_77 = tpu.vector_load %arg14[%swap3A_76] {strides = array<i32>} : memref<512xf32, #tpu.memory_space<vmem>>, vector<16xf32>,
    %swap3A_78 = vector.shape_cast %swap3A_77 : vector<16xf32> to vector<16xf32>
    %swap3A_79 = vector.shape_cast %add3A_68 : vector<16xf32> to vector<16xf32>
    tpu.vector_store %arg14[%swap3A_76], %swap3A_79 {strides = array<i32>} : memref<512xf32, #tpu.memory_space<vmem>>, vector<16xf32>,
    %mul3A_80 = arith.constant 0.00999999977 : f32
    %mul3A_81 = vector.broadcast %mul3A_80 : f32 to vector<16xf32>
    %mul3A_82 = arith.mulf %scan3A_43#1, %mul3A_81 : vector<16xf32>
    %add3A_83 = arith.addf %mul3A_82, %get3A_2 : vector<16xf32>
    %neg3A_84 = arith.constant 0.000000e+00 : f32
    %neg3A_85 = vector.broadcast %neg3A_84 : f32 to vector<16xf32>
    %neg3A_86 = arith.subf %neg3A_85, %add3A_83 : vector<16xf32>
    %exp3A_87 = math.exp %neg3A_86 : vector<16xf32>
    %add3A_88 = arith.constant 1.000000e+00 : f32
    %add3A_89 = vector.broadcast %add3A_88 : f32 to vector<16xf32>
    %add3A_90 = arith.addf %add3A_89, %exp3A_87 : vector<16xf32>
    %div3A_91 = arith.constant 1.000000e+00 : f32
    %div3A_92 = vector.broadcast %div3A_91 : f32 to vector<16xf32>
    %div3A_93 = arith.divf %div3A_92, %add3A_90 : vector<16xf32>
    %neg3A_94 = arith.constant 0.000000e+00 : f32
    %neg3A_95 = vector.broadcast %neg3A_94 : f32 to vector<16xf32>
    %neg3A_96 = arith.subf %neg3A_95, %scan3A_43#9 : vector<16xf32>
    %exp3A_97 = math.exp %neg3A_96 : vector<16xf32>
    %add3A_98 = arith.constant 1.000000e+00 : f32
    %add3A_99 = vector.broadcast %add3A_98 : f32 to vector<16xf32>
    %add3A_100 = arith.addf %add3A_99, %exp3A_97 : vector<16xf32>
    %div3A_101 = arith.constant 1.000000e+00 : f32
    %div3A_102 = vector.broadcast %div3A_101 : f32 to vector<16xf32>
    %div3A_103 = arith.divf %div3A_102, %add3A_100 : vector<16xf32>
    %add3A_104 = arith.constant 2.000000e-01 : f32
    %add3A_105 = vector.broadcast %add3A_104 : f32 to vector<16xf32>
    %add3A_106 = arith.addf %div3A_103, %add3A_105 : vector<16xf32>
    %swap3A_107 = arith.constant 16 : index
    %swap3A_108 = tpu.vector_load %arg13[%swap3A_107] {strides = array<i32>} : memref<512xf32, #tpu.memory_space<vmem>>, vector<16xf32>,
    %swap3A_109 = vector.shape_cast %swap3A_108 : vector<16xf32> to vector<16xf32>
    %swap3A_110 = vector.shape_cast %add3A_83 : vector<16xf32> to vector<16xf32>
    tpu.vector_store %arg13[%swap3A_107], %swap3A_110 {strides = array<i32>} : memref<512xf32, #tpu.memory_space<vmem>>, vector<16xf32>,
    %swap3A_111 = arith.constant 16 : index
    %swap3A_112 = tpu.vector_load %arg12[%swap3A_111] {strides = array<i32>} : memref<512xf32, #tpu.memory_space<vmem>>, vector<16xf32>,
    %swap3A_113 = vector.shape_cast %swap3A_112 : vector<16xf32> to vector<16xf32>
    %swap3A_114 = vector.shape_cast %div3A_93 : vector<16xf32> to vector<16xf32>
    tpu.vector_store %arg12[%swap3A_111], %swap3A_114 {strides = array<i32>} : memref<512xf32, #tpu.memory_space<vmem>>, vector<16xf32>,
    %swap3A_115 = arith.constant 16 : index
    %swap3A_116 = tpu.vector_load %arg14[%swap3A_115] {strides = array<i32>} : memref<512xf32, #tpu.memory_space<vmem>>, vector<16xf32>,
    %swap3A_117 = vector.shape_cast %swap3A_116 : vector<16xf32> to vector<16xf32>
    %swap3A_118 = vector.shape_cast %add3A_106 : vector<16xf32> to vector<16xf32>
    tpu.vector_store %arg14[%swap3A_115], %swap3A_118 {strides = array<i32>} : memref<512xf32, #tpu.memory_space<vmem>>, vector<16xf32>,
    %mul3A_119 = arith.constant 0.00999999977 : f32
    %mul3A_120 = vector.broadcast %mul3A_119 : f32 to vector<16xf32>
    %mul3A_121 = arith.mulf %scan3A_43#2, %mul3A_120 : vector<16xf32>
    %add3A_122 = arith.addf %mul3A_121, %get3A_2 : vector<16xf32>
    %neg3A_123 = arith.constant 0.000000e+00 : f32
    %neg3A_124 = vector.broadcast %neg3A_123 : f32 to vector<16xf32>
    %neg3A_125 = arith.subf %neg3A_124, %add3A_122 : vector<16xf32>
    %exp3A_126 = math.exp %neg3A_125 : vector<16xf32>
    %add3A_127 = arith.constant 1.000000e+00 : f32
    %add3A_128 = vector.broadcast %add3A_127 : f32 to vector<16xf32>
    %add3A_129 = arith.addf %add3A_128, %exp3A_126 : vector<16xf32>
    %div3A_130 = arith.constant 1.000000e+00 : f32
    %div3A_131 = vector.broadcast %div3A_130 : f32 to vector<16xf32>
    %div3A_132 = arith.divf %div3A_131, %add3A_129 : vector<16xf32>
    %neg3A_133 = arith.constant 0.000000e+00 : f32
    %neg3A_134 = vector.broadcast %neg3A_133 : f32 to vector<16xf32>
    %neg3A_135 = arith.subf %neg3A_134, %scan3A_43#10 : vector<16xf32>
    %exp3A_136 = math.exp %neg3A_135 : vector<16xf32>
    %add3A_137 = arith.constant 1.000000e+00 : f32
    %add3A_138 = vector.broadcast %add3A_137 : f32 to vector<16xf32>
    %add3A_139 = arith.addf %add3A_138, %exp3A_136 : vector<16xf32>
    %div3A_140 = arith.constant 1.000000e+00 : f32
    %div3A_141 = vector.broadcast %div3A_140 : f32 to vector<16xf32>
    %div3A_142 = arith.divf %div3A_141, %add3A_139 : vector<16xf32>
    %add3A_143 = arith.constant 2.000000e-01 : f32
    %add3A_144 = vector.broadcast %add3A_143 : f32 to vector<16xf32>
    %add3A_145 = arith.addf %div3A_142, %add3A_144 : vector<16xf32>
    %swap3A_146 = arith.constant 32 : index
    %swap3A_147 = tpu.vector_load %arg13[%swap3A_146] {strides = array<i32>} : memref<512xf32, #tpu.memory_space<vmem>>, vector<16xf32>,
    %swap3A_148 = vector.shape_cast %swap3A_147 : vector<16xf32> to vector<16xf32>
    %swap3A_149 = vector.shape_cast %add3A_122 : vector<16xf32> to vector<16xf32>
    tpu.vector_store %arg13[%swap3A_146], %swap3A_149 {strides = array<i32>} : memref<512xf32, #tpu.memory_space<vmem>>, vector<16xf32>,
    %swap3A_150 = arith.constant 32 : index
    %swap3A_151 = tpu.vector_load %arg12[%swap3A_150] {strides = array<i32>} : memref<512xf32, #tpu.memory_space<vmem>>, vector<16xf32>,
    %swap3A_152 = vector.shape_cast %swap3A_151 : vector<16xf32> to vector<16xf32>
    %swap3A_153 = vector.shape_cast %div3A_132 : vector<16xf32> to vector<16xf32>
    tpu.vector_store %arg12[%swap3A_150], %swap3A_153 {strides = array<i32>} : memref<512xf32, #tpu.memory_space<vmem>>, vector<16xf32>,
    %swap3A_154 = arith.constant 32 : index
    %swap3A_155 = tpu.vector_load %arg14[%swap3A_154] {strides = array<i32>} : memref<512xf32, #tpu.memory_space<vmem>>, vector<16xf32>,
    %swap3A_156 = vector.shape_cast %swap3A_155 : vector<16xf32> to vector<16xf32>
    %swap3A_157 = vector.shape_cast %add3A_145 : vector<16xf32> to vector<16xf32>
    tpu.vector_store %arg14[%swap3A_154], %swap3A_157 {strides = array<i32>} : memref<512xf32, #tpu.memory_space<vmem>>, vector<16xf32>,
    %mul3A_158 = arith.constant 0.00999999977 : f32
    %mul3A_159 = vector.broadcast %mul3A_158 : f32 to vector<16xf32>
    %mul3A_160 = arith.mulf %scan3A_43#3, %mul3A_159 : vector<16xf32>
    %add3A_161 = arith.addf %mul3A_160, %get3A_2 : vector<16xf32>
    %neg3A_162 = arith.constant 0.000000e+00 : f32
    %neg3A_163 = vector.broadcast %neg3A_162 : f32 to vector<16xf32>
    %neg3A_164 = arith.subf %neg3A_163, %add3A_161 : vector<16xf32>
    %exp3A_165 = math.exp %neg3A_164 : vector<16xf32>
    %add3A_166 = arith.constant 1.000000e+00 : f32
    %add3A_167 = vector.broadcast %add3A_166 : f32 to vector<16xf32>
    %add3A_168 = arith.addf %add3A_167, %exp3A_165 : vector<16xf32>
    %div3A_169 = arith.constant 1.000000e+00 : f32
    %div3A_170 = vector.broadcast %div3A_169 : f32 to vector<16xf32>
    %div3A_171 = arith.divf %div3A_170, %add3A_168 : vector<16xf32>
    %neg3A_172 = arith.constant 0.000000e+00 : f32
    %neg3A_173 = vector.broadcast %neg3A_172 : f32 to vector<16xf32>
    %neg3A_174 = arith.subf %neg3A_173, %scan3A_43#11 : vector<16xf32>
    %exp3A_175 = math.exp %neg3A_174 : vector<16xf32>
    %add3A_176 = arith.constant 1.000000e+00 : f32
    %add3A_177 = vector.broadcast %add3A_176 : f32 to vector<16xf32>
    %add3A_178 = arith.addf %add3A_177, %exp3A_175 : vector<16xf32>
    %div3A_179 = arith.constant 1.000000e+00 : f32
    %div3A_180 = vector.broadcast %div3A_179 : f32 to vector<16xf32>
    %div3A_181 = arith.divf %div3A_180, %add3A_178 : vector<16xf32>
    %add3A_182 = arith.constant 2.000000e-01 : f32
    %add3A_183 = vector.broadcast %add3A_182 : f32 to vector<16xf32>
    %add3A_184 = arith.addf %div3A_181, %add3A_183 : vector<16xf32>
    %swap3A_185 = arith.constant 48 : index
    %swap3A_186 = tpu.vector_load %arg13[%swap3A_185] {strides = array<i32>} : memref<512xf32, #tpu.memory_space<vmem>>, vector<16xf32>,
    %swap3A_187 = vector.shape_cast %swap3A_186 : vector<16xf32> to vector<16xf32>
    %swap3A_188 = vector.shape_cast %add3A_161 : vector<16xf32> to vector<16xf32>
    tpu.vector_store %arg13[%swap3A_185], %swap3A_188 {strides = array<i32>} : memref<512xf32, #tpu.memory_space<vmem>>, vector<16xf32>,
    %swap3A_189 = arith.constant 48 : index
    %swap3A_190 = tpu.vector_load %arg12[%swap3A_189] {strides = array<i32>} : memref<512xf32, #tpu.memory_space<vmem>>, vector<16xf32>,
    %swap3A_191 = vector.shape_cast %swap3A_190 : vector<16xf32> to vector<16xf32>
    %swap3A_192 = vector.shape_cast %div3A_171 : vector<16xf32> to vector<16xf32>
    tpu.vector_store %arg12[%swap3A_189], %swap3A_192 {strides = array<i32>} : memref<512xf32, #tpu.memory_space<vmem>>, vector<16xf32>,
    %swap3A_193 = arith.constant 48 : index
    %swap3A_194 = tpu.vector_load %arg14[%swap3A_193] {strides = array<i32>} : memref<512xf32, #tpu.memory_space<vmem>>, vector<16xf32>,
    %swap3A_195 = vector.shape_cast %swap3A_194 : vector<16xf32> to vector<16xf32>
    %swap3A_196 = vector.shape_cast %add3A_184 : vector<16xf32> to vector<16xf32>
    tpu.vector_store %arg14[%swap3A_193], %swap3A_196 {strides = array<i32>} : memref<512xf32, #tpu.memory_space<vmem>>, vector<16xf32>,
    %mul3A_197 = arith.constant 0.00999999977 : f32
    %mul3A_198 = vector.broadcast %mul3A_197 : f32 to vector<16xf32>
    %mul3A_199 = arith.mulf %scan3A_43#4, %mul3A_198 : vector<16xf32>
    %add3A_200 = arith.addf %mul3A_199, %get3A_2 : vector<16xf32>
    %neg3A_201 = arith.constant 0.000000e+00 : f32
    %neg3A_202 = vector.broadcast %neg3A_201 : f32 to vector<16xf32>
    %neg3A_203 = arith.subf %neg3A_202, %add3A_200 : vector<16xf32>
    %exp3A_204 = math.exp %neg3A_203 : vector<16xf32>
    %add3A_205 = arith.constant 1.000000e+00 : f32
    %add3A_206 = vector.broadcast %add3A_205 : f32 to vector<16xf32>
    %add3A_207 = arith.addf %add3A_206, %exp3A_204 : vector<16xf32>
    %div3A_208 = arith.constant 1.000000e+00 : f32
    %div3A_209 = vector.broadcast %div3A_208 : f32 to vector<16xf32>
    %div3A_210 = arith.divf %div3A_209, %add3A_207 : vector<16xf32>
    %neg3A_211 = arith.constant 0.000000e+00 : f32
    %neg3A_212 = vector.broadcast %neg3A_211 : f32 to vector<16xf32>
    %neg3A_213 = arith.subf %neg3A_212, %scan3A_43#12 : vector<16xf32>
    %exp3A_214 = math.exp %neg3A_213 : vector<16xf32>
    %add3A_215 = arith.constant 1.000000e+00 : f32
    %add3A_216 = vector.broadcast %add3A_215 : f32 to vector<16xf32>
    %add3A_217 = arith.addf %add3A_216, %exp3A_214 : vector<16xf32>
    %div3A_218 = arith.constant 1.000000e+00 : f32
    %div3A_219 = vector.broadcast %div3A_218 : f32 to vector<16xf32>
    %div3A_220 = arith.divf %div3A_219, %add3A_217 : vector<16xf32>
    %add3A_221 = arith.constant 2.000000e-01 : f32
    %add3A_222 = vector.broadcast %add3A_221 : f32 to vector<16xf32>
    %add3A_223 = arith.addf %div3A_220, %add3A_222 : vector<16xf32>
    %swap3A_224 = arith.constant 64 : index
    %swap3A_225 = tpu.vector_load %arg13[%swap3A_224] {strides = array<i32>} : memref<512xf32, #tpu.memory_space<vmem>>, vector<16xf32>,
    %swap3A_226 = vector.shape_cast %swap3A_225 : vector<16xf32> to vector<16xf32>
    %swap3A_227 = vector.shape_cast %add3A_200 : vector<16xf32> to vector<16xf32>
    tpu.vector_store %arg13[%swap3A_224], %swap3A_227 {strides = array<i32>} : memref<512xf32, #tpu.memory_space<vmem>>, vector<16xf32>,
    %swap3A_228 = arith.constant 64 : index
    %swap3A_229 = tpu.vector_load %arg12[%swap3A_228] {strides = array<i32>} : memref<512xf32, #tpu.memory_space<vmem>>, vector<16xf32>,
    %swap3A_230 = vector.shape_cast %swap3A_229 : vector<16xf32> to vector<16xf32>
    %swap3A_231 = vector.shape_cast %div3A_210 : vector<16xf32> to vector<16xf32>
    tpu.vector_store %arg12[%swap3A_228], %swap3A_231 {strides = array<i32>} : memref<512xf32, #tpu.memory_space<vmem>>, vector<16xf32>,
    %swap3A_232 = arith.constant 64 : index
    %swap3A_233 = tpu.vector_load %arg14[%swap3A_232] {strides = array<i32>} : memref<512xf32, #tpu.memory_space<vmem>>, vector<16xf32>,
    %swap3A_234 = vector.shape_cast %swap3A_233 : vector<16xf32> to vector<16xf32>
    %swap3A_235 = vector.shape_cast %add3A_223 : vector<16xf32> to vector<16xf32>
    tpu.vector_store %arg14[%swap3A_232], %swap3A_235 {strides = array<i32>} : memref<512xf32, #tpu.memory_space<vmem>>, vector<16xf32>,
    %mul3A_236 = arith.constant 0.00999999977 : f32
    %mul3A_237 = vector.broadcast %mul3A_236 : f32 to vector<16xf32>
    %mul3A_238 = arith.mulf %scan3A_43#5, %mul3A_237 : vector<16xf32>
    %add3A_239 = arith.addf %mul3A_238, %get3A_2 : vector<16xf32>
    %neg3A_240 = arith.constant 0.000000e+00 : f32
    %neg3A_241 = vector.broadcast %neg3A_240 : f32 to vector<16xf32>
    %neg3A_242 = arith.subf %neg3A_241, %add3A_239 : vector<16xf32>
    %exp3A_243 = math.exp %neg3A_242 : vector<16xf32>
    %add3A_244 = arith.constant 1.000000e+00 : f32
    %add3A_245 = vector.broadcast %add3A_244 : f32 to vector<16xf32>
    %add3A_246 = arith.addf %add3A_245, %exp3A_243 : vector<16xf32>
    %div3A_247 = arith.constant 1.000000e+00 : f32
    %div3A_248 = vector.broadcast %div3A_247 : f32 to vector<16xf32>
    %div3A_249 = arith.divf %div3A_248, %add3A_246 : vector<16xf32>
    %neg3A_250 = arith.constant 0.000000e+00 : f32
    %neg3A_251 = vector.broadcast %neg3A_250 : f32 to vector<16xf32>
    %neg3A_252 = arith.subf %neg3A_251, %scan3A_43#13 : vector<16xf32>
    %exp3A_253 = math.exp %neg3A_252 : vector<16xf32>
    %add3A_254 = arith.constant 1.000000e+00 : f32
    %add3A_255 = vector.broadcast %add3A_254 : f32 to vector<16xf32>
    %add3A_256 = arith.addf %add3A_255, %exp3A_253 : vector<16xf32>
    %div3A_257 = arith.constant 1.000000e+00 : f32
    %div3A_258 = vector.broadcast %div3A_257 : f32 to vector<16xf32>
    %div3A_259 = arith.divf %div3A_258, %add3A_256 : vector<16xf32>
    %add3A_260 = arith.constant 2.000000e-01 : f32
    %add3A_261 = vector.broadcast %add3A_260 : f32 to vector<16xf32>
    %add3A_262 = arith.addf %div3A_259, %add3A_261 : vector<16xf32>
    %swap3A_263 = arith.constant 80 : index
    %swap3A_264 = tpu.vector_load %arg13[%swap3A_263] {strides = array<i32>} : memref<512xf32, #tpu.memory_space<vmem>>, vector<16xf32>,
    %swap3A_265 = vector.shape_cast %swap3A_264 : vector<16xf32> to vector<16xf32>
    %swap3A_266 = vector.shape_cast %add3A_239 : vector<16xf32> to vector<16xf32>
    tpu.vector_store %arg13[%swap3A_263], %swap3A_266 {strides = array<i32>} : memref<512xf32, #tpu.memory_space<vmem>>, vector<16xf32>,
    %swap3A_267 = arith.constant 80 : index
    %swap3A_268 = tpu.vector_load %arg12[%swap3A_267] {strides = array<i32>} : memref<512xf32, #tpu.memory_space<vmem>>, vector<16xf32>,
    %swap3A_269 = vector.shape_cast %swap3A_268 : vector<16xf32> to vector<16xf32>
    %swap3A_270 = vector.shape_cast %div3A_249 : vector<16xf32> to vector<16xf32>
    tpu.vector_store %arg12[%swap3A_267], %swap3A_270 {strides = array<i32>} : memref<512xf32, #tpu.memory_space<vmem>>, vector<16xf32>,
    %swap3A_271 = arith.constant 80 : index
    %swap3A_272 = tpu.vector_load %arg14[%swap3A_271] {strides = array<i32>} : memref<512xf32, #tpu.memory_space<vmem>>, vector<16xf32>,
    %swap3A_273 = vector.shape_cast %swap3A_272 : vector<16xf32> to vector<16xf32>
    %swap3A_274 = vector.shape_cast %add3A_262 : vector<16xf32> to vector<16xf32>
    tpu.vector_store %arg14[%swap3A_271], %swap3A_274 {strides = array<i32>} : memref<512xf32, #tpu.memory_space<vmem>>, vector<16xf32>,
    %mul3A_275 = arith.constant 0.00999999977 : f32
    %mul3A_276 = vector.broadcast %mul3A_275 : f32 to vector<16xf32>
    %mul3A_277 = arith.mulf %scan3A_43#6, %mul3A_276 : vector<16xf32>
    %add3A_278 = arith.addf %mul3A_277, %get3A_2 : vector<16xf32>
    %neg3A_279 = arith.constant 0.000000e+00 : f32
    %neg3A_280 = vector.broadcast %neg3A_279 : f32 to vector<16xf32>
    %neg3A_281 = arith.subf %neg3A_280, %add3A_278 : vector<16xf32>
    %exp3A_282 = math.exp %neg3A_281 : vector<16xf32>
    %add3A_283 = arith.constant 1.000000e+00 : f32
    %add3A_284 = vector.broadcast %add3A_283 : f32 to vector<16xf32>
    %add3A_285 = arith.addf %add3A_284, %exp3A_282 : vector<16xf32>
    %div3A_286 = arith.constant 1.000000e+00 : f32
    %div3A_287 = vector.broadcast %div3A_286 : f32 to vector<16xf32>
    %div3A_288 = arith.divf %div3A_287, %add3A_285 : vector<16xf32>
    %neg3A_289 = arith.constant 0.000000e+00 : f32
    %neg3A_290 = vector.broadcast %neg3A_289 : f32 to vector<16xf32>
    %neg3A_291 = arith.subf %neg3A_290, %scan3A_43#14 : vector<16xf32>
    %exp3A_292 = math.exp %neg3A_291 : vector<16xf32>
    %add3A_293 = arith.constant 1.000000e+00 : f32
    %add3A_294 = vector.broadcast %add3A_293 : f32 to vector<16xf32>
    %add3A_295 = arith.addf %add3A_294, %exp3A_292 : vector<16xf32>
    %div3A_296 = arith.constant 1.000000e+00 : f32
    %div3A_297 = vector.broadcast %div3A_296 : f32 to vector<16xf32>
    %div3A_298 = arith.divf %div3A_297, %add3A_295 : vector<16xf32>
    %add3A_299 = arith.constant 2.000000e-01 : f32
    %add3A_300 = vector.broadcast %add3A_299 : f32 to vector<16xf32>
    %add3A_301 = arith.addf %div3A_298, %add3A_300 : vector<16xf32>
    %swap3A_302 = arith.constant 96 : index
    %swap3A_303 = tpu.vector_load %arg13[%swap3A_302] {strides = array<i32>} : memref<512xf32, #tpu.memory_space<vmem>>, vector<16xf32>,
    %swap3A_304 = vector.shape_cast %swap3A_303 : vector<16xf32> to vector<16xf32>
    %swap3A_305 = vector.shape_cast %add3A_278 : vector<16xf32> to vector<16xf32>
    tpu.vector_store %arg13[%swap3A_302], %swap3A_305 {strides = array<i32>} : memref<512xf32, #tpu.memory_space<vmem>>, vector<16xf32>,
    %swap3A_306 = arith.constant 96 : index
    %swap3A_307 = tpu.vector_load %arg12[%swap3A_306] {strides = array<i32>} : memref<512xf32, #tpu.memory_space<vmem>>, vector<16xf32>,
    %swap3A_308 = vector.shape_cast %swap3A_307 : vector<16xf32> to vector<16xf32>
    %swap3A_309 = vector.shape_cast %div3A_288 : vector<16xf32> to vector<16xf32>
    tpu.vector_store %arg12[%swap3A_306], %swap3A_309 {strides = array<i32>} : memref<512xf32, #tpu.memory_space<vmem>>, vector<16xf32>,
    %swap3A_310 = arith.constant 96 : index
    %swap3A_311 = tpu.vector_load %arg14[%swap3A_310] {strides = array<i32>} : memref<512xf32, #tpu.memory_space<vmem>>, vector<16xf32>,
    %swap3A_312 = vector.shape_cast %swap3A_311 : vector<16xf32> to vector<16xf32>
    %swap3A_313 = vector.shape_cast %add3A_301 : vector<16xf32> to vector<16xf32>
    tpu.vector_store %arg14[%swap3A_310], %swap3A_313 {strides = array<i32>} : memref<512xf32, #tpu.memory_space<vmem>>, vector<16xf32>,
    %mul3A_314 = arith.constant 0.00999999977 : f32
    %mul3A_315 = vector.broadcast %mul3A_314 : f32 to vector<16xf32>
    %mul3A_316 = arith.mulf %scan3A_43#7, %mul3A_315 : vector<16xf32>
    %add3A_317 = arith.addf %mul3A_316, %get3A_2 : vector<16xf32>
    %neg3A_318 = arith.constant 0.000000e+00 : f32
    %neg3A_319 = vector.broadcast %neg3A_318 : f32 to vector<16xf32>
    %neg3A_320 = arith.subf %neg3A_319, %add3A_317 : vector<16xf32>
    %exp3A_321 = math.exp %neg3A_320 : vector<16xf32>
    %add3A_322 = arith.constant 1.000000e+00 : f32
    %add3A_323 = vector.broadcast %add3A_322 : f32 to vector<16xf32>
    %add3A_324 = arith.addf %add3A_323, %exp3A_321 : vector<16xf32>
    %div3A_325 = arith.constant 1.000000e+00 : f32
    %div3A_326 = vector.broadcast %div3A_325 : f32 to vector<16xf32>
    %div3A_327 = arith.divf %div3A_326, %add3A_324 : vector<16xf32>
    %neg3A_328 = arith.constant 0.000000e+00 : f32
    %neg3A_329 = vector.broadcast %neg3A_328 : f32 to vector<16xf32>
    %neg3A_330 = arith.subf %neg3A_329, %scan3A_43#15 : vector<16xf32>
    %exp3A_331 = math.exp %neg3A_330 : vector<16xf32>
    %add3A_332 = arith.constant 1.000000e+00 : f32
    %add3A_333 = vector.broadcast %add3A_332 : f32 to vector<16xf32>
    %add3A_334 = arith.addf %add3A_333, %exp3A_331 : vector<16xf32>
    %div3A_335 = arith.constant 1.000000e+00 : f32
    %div3A_336 = vector.broadcast %div3A_335 : f32 to vector<16xf32>
    %div3A_337 = arith.divf %div3A_336, %add3A_334 : vector<16xf32>
    %add3A_338 = arith.constant 2.000000e-01 : f32
    %add3A_339 = vector.broadcast %add3A_338 : f32 to vector<16xf32>
    %add3A_340 = arith.addf %div3A_337, %add3A_339 : vector<16xf32>
    %swap3A_341 = arith.constant 112 : index
    %swap3A_342 = tpu.vector_load %arg13[%swap3A_341] {strides = array<i32>} : memref<512xf32, #tpu.memory_space<vmem>>, vector<16xf32>,
    %swap3A_343 = vector.shape_cast %swap3A_342 : vector<16xf32> to vector<16xf32>
    %swap3A_344 = vector.shape_cast %add3A_317 : vector<16xf32> to vector<16xf32>
    tpu.vector_store %arg13[%swap3A_341], %swap3A_344 {strides = array<i32>} : memref<512xf32, #tpu.memory_space<vmem>>, vector<16xf32>,
    %swap3A_345 = arith.constant 112 : index
    %swap3A_346 = tpu.vector_load %arg12[%swap3A_345] {strides = array<i32>} : memref<512xf32, #tpu.memory_space<vmem>>, vector<16xf32>,
    %swap3A_347 = vector.shape_cast %swap3A_346 : vector<16xf32> to vector<16xf32>
    %swap3A_348 = vector.shape_cast %div3A_327 : vector<16xf32> to vector<16xf32>
    tpu.vector_store %arg12[%swap3A_345], %swap3A_348 {strides = array<i32>} : memref<512xf32, #tpu.memory_space<vmem>>, vector<16xf32>,
    %swap3A_349 = arith.constant 112 : index
    %swap3A_350 = tpu.vector_load %arg14[%swap3A_349] {strides = array<i32>} : memref<512xf32, #tpu.memory_space<vmem>>, vector<16xf32>,
    %swap3A_351 = vector.shape_cast %swap3A_350 : vector<16xf32> to vector<16xf32>
    %swap3A_352 = vector.shape_cast %add3A_340 : vector<16xf32> to vector<16xf32>
    tpu.vector_store %arg14[%swap3A_349], %swap3A_352 {strides = array<i32>} : memref<512xf32, #tpu.memory_space<vmem>>, vector<16xf32>,
    %dma_wait3A_353 = arith.constant 0 : i32
    %dma_wait3A_354 = tpu.memref_slice %arg3[%dma_wait3A_353] : memref<1000000xi32, #tpu.memory_space<hbm>> -> memref<1000000xi32, #tpu.memory_space<hbm>>
    tpu.wait_indirect_dma semaphore(%arg19 : memref<!tpu.dma_semaphore, #tpu.memory_space<semaphore_mem>>) src(%dma_wait3A_354 : memref<1000000xi32, #tpu.memory_space<hbm>>) dst(%arg11 : memref<12800xi32, #tpu.memory_space<vmem>>)
    %dma_wait3A_355 = tpu.memref_slice %arg2[%mul3A_35] : memref<1638400xi32, #tpu.memory_space<hbm>> -> memref<12800xi32, #tpu.memory_space<hbm>>
    %dma_wait3A_356 = tpu.memref_slice %arg2[%mul3A_35] : memref<1638400xi32, #tpu.memory_space<hbm>> -> memref<12800xi32, #tpu.memory_space<hbm>>
    tpu.wait_dma2 semaphore(%arg16 : memref<!tpu.dma_semaphore, #tpu.memory_space<semaphore_mem>>) src(%dma_wait3A_356 : memref<12800xi32, #tpu.memory_space<hbm>>) dst(%arg8 : memref<12800xi32, #tpu.memory_space<vmem>>)
    %dma_start3A_357 = arith.constant 0 : i32
    %dma_start3A_358 = tpu.memref_slice %arg3[%dma_start3A_357] : memref<1000000xi32, #tpu.memory_space<hbm>> -> memref<1000000xi32, #tpu.memory_space<hbm>>
    tpu.enqueue_indirect_dma source(%dma_start3A_358 : memref<1000000xi32, #tpu.memory_space<hbm>>) target(%arg10 : memref<12800xi32, #tpu.memory_space<vmem>>) offsets(%arg8 : memref<12800xi32, #tpu.memory_space<vmem>>) semaphore(%arg18 : memref<!tpu.dma_semaphore, #tpu.memory_space<semaphore_mem>>)
    %mul3A_359 = arith.constant 4 : i32
    %mul3A_360 = arith.muli %add3A, %mul3A_359 : i32
    %add3A_361 = arith.constant 3 : i32
    %add3A_362 = arith.addi %mul3A_360, %add3A_361 : i32
    %mul3A_363 = arith.constant 100 : i32
    %mul3A_364 = arith.muli %add3A_362, %mul3A_363 : i32
    %mul3A_365 = arith.constant 128 : i32
    %mul3A_366 = arith.muli %mul3A_364, %mul3A_365 : i32
    %dma_start3A_367 = tpu.memref_slice %arg2[%mul3A_366] : memref<1638400xi32, #tpu.memory_space<hbm>> -> memref<12800xi32, #tpu.memory_space<hbm>>
    %dma_start3A_368 = tpu.memref_slice %arg2[%mul3A_366] : memref<1638400xi32, #tpu.memory_space<hbm>> -> memref<12800xi32, #tpu.memory_space<hbm>>
    tpu.enqueue_dma source(%dma_start3A_368 : memref<12800xi32, #tpu.memory_space<hbm>>) target(%arg9 : memref<12800xi32, #tpu.memory_space<vmem>>) target_semaphore(%arg17 : memref<!tpu.dma_semaphore, #tpu.memory_space<semaphore_mem>>)
    %broadcast_in_dim3A_369 = arith.constant 0.000000e+00 : f32
    %broadcast_in_dim3A_370 = vector.broadcast %broadcast_in_dim3A_369 : f32 to vector<16xf32>
    %scan3A_371 = arith.constant 0 : i32
    %scan3A_372 = arith.constant 100 : i32
    %scan3A_373 = arith.addi %scan3A_371, %scan3A_372 : i32
    %scan3A_374 = arith.constant 1 : i32
    %scan3A_375:16 = scf.for %scan3A_1339 = %scan3A_371 to %scan3A_373 step %scan3A_374 iter_args(%scan3A_1340 = %broadcast_in_dim3A_370, %scan3A_1341 = %broadcast_in_dim3A_370, %scan3A_1342 = %broadcast_in_dim3A_370, %scan3A_1343 = %broadcast_in_dim3A_370, %scan3A_1344 = %broadcast_in_dim3A_370, %scan3A_1345 = %broadcast_in_dim3A_370, %scan3A_1346 = %broadcast_in_dim3A_370, %scan3A_1347 = %broadcast_in_dim3A_370, %scan3A_1348 = %broadcast_in_dim3A_370, %scan3A_1349 = %broadcast_in_dim3A_370, %scan3A_1350 = %broadcast_in_dim3A_370, %scan3A_1351 = %broadcast_in_dim3A_370, %scan3A_1352 = %broadcast_in_dim3A_370, %scan3A_1353 = %broadcast_in_dim3A_370, %scan3A_1354 = %broadcast_in_dim3A_370, %scan3A_1355 = %broadcast_in_dim3A_370) -> (vector<16xf32>, vector<16xf32>, vector<16xf32>, vector<16xf32>, vector<16xf32>, vector<16xf32>, vector<16xf32>, vector<16xf32>, vector<16xf32>, vector<16xf32>, vector<16xf32>, vector<16xf32>, vector<16xf32>, vector<16xf32>, vector<16xf32>, vector<16xf32>)  : i32 {
      %mul3A_1356 = arith.constant 128 : i32
      %mul3A_1357 = arith.muli %scan3A_1339, %mul3A_1356 : i32
      %add3A_1358 = arith.constant 0 : i32
      %add3A_1359 = arith.addi %mul3A_1357, %add3A_1358 : i32
      %add3A_1360 = arith.constant 0 : i32
      %add3A_1361 = arith.addi %add3A_1359, %add3A_1360 : i32
      %get3A_1362 = arith.index_cast %add3A_1361 : i32 to index
      %get3A_1363 = tpu.vector_load %arg11[%get3A_1362] {strides = array<i32>} : memref<12800xi32, #tpu.memory_space<vmem>>, vector<16xi32>,
      %get3A_1364 = vector.shape_cast %get3A_1363 : vector<16xi32> to vector<16xi32>
      %and3A = arith.andi %get3A_1364, %broadcast_in_dim3A_3 : vector<16xi32>
      %bitcast_convert_type3A = tpu.bitcast %and3A : vector<16xi32> -> vector<16xf32>
      %shift_left3A = arith.constant 16 : i32
      %shift_left3A_1365 = vector.broadcast %shift_left3A : i32 to vector<16xi32>
      %shift_left3A_1366 = arith.shli %get3A_1364, %shift_left3A_1365 : vector<16xi32>
      %bitcast_convert_type3A_1367 = tpu.bitcast %shift_left3A_1366 : vector<16xi32> -> vector<16xf32>
      %add3A_1368 = arith.addf %scan3A_1340, %bitcast_convert_type3A : vector<16xf32>
      %add3A_1369 = arith.addf %scan3A_1348, %bitcast_convert_type3A_1367 : vector<16xf32>
      %add3A_1370 = arith.constant 16 : i32
      %add3A_1371 = arith.addi %add3A_1359, %add3A_1370 : i32
      %get3A_1372 = arith.index_cast %add3A_1371 : i32 to index
      %get3A_1373 = tpu.vector_load %arg11[%get3A_1372] {strides = array<i32>} : memref<12800xi32, #tpu.memory_space<vmem>>, vector<16xi32>,
      %get3A_1374 = vector.shape_cast %get3A_1373 : vector<16xi32> to vector<16xi32>
      %and3A_1375 = arith.andi %get3A_1374, %broadcast_in_dim3A_3 : vector<16xi32>
      %bitcast_convert_type3A_1376 = tpu.bitcast %and3A_1375 : vector<16xi32> -> vector<16xf32>
      %shift_left3A_1377 = arith.constant 16 : i32
      %shift_left3A_1378 = vector.broadcast %shift_left3A_1377 : i32 to vector<16xi32>
      %shift_left3A_1379 = arith.shli %get3A_1374, %shift_left3A_1378 : vector<16xi32>
      %bitcast_convert_type3A_1380 = tpu.bitcast %shift_left3A_1379 : vector<16xi32> -> vector<16xf32>
      %add3A_1381 = arith.addf %scan3A_1341, %bitcast_convert_type3A_1376 : vector<16xf32>
      %add3A_1382 = arith.addf %scan3A_1349, %bitcast_convert_type3A_1380 : vector<16xf32>
      %add3A_1383 = arith.constant 32 : i32
      %add3A_1384 = arith.addi %add3A_1359, %add3A_1383 : i32
      %get3A_1385 = arith.index_cast %add3A_1384 : i32 to index
      %get3A_1386 = tpu.vector_load %arg11[%get3A_1385] {strides = array<i32>} : memref<12800xi32, #tpu.memory_space<vmem>>, vector<16xi32>,
      %get3A_1387 = vector.shape_cast %get3A_1386 : vector<16xi32> to vector<16xi32>
      %and3A_1388 = arith.andi %get3A_1387, %broadcast_in_dim3A_3 : vector<16xi32>
      %bitcast_convert_type3A_1389 = tpu.bitcast %and3A_1388 : vector<16xi32> -> vector<16xf32>
      %shift_left3A_1390 = arith.constant 16 : i32
      %shift_left3A_1391 = vector.broadcast %shift_left3A_1390 : i32 to vector<16xi32>
      %shift_left3A_1392 = arith.shli %get3A_1387, %shift_left3A_1391 : vector<16xi32>
      %bitcast_convert_type3A_1393 = tpu.bitcast %shift_left3A_1392 : vector<16xi32> -> vector<16xf32>
      %add3A_1394 = arith.addf %scan3A_1342, %bitcast_convert_type3A_1389 : vector<16xf32>
      %add3A_1395 = arith.addf %scan3A_1350, %bitcast_convert_type3A_1393 : vector<16xf32>
      %add3A_1396 = arith.constant 48 : i32
      %add3A_1397 = arith.addi %add3A_1359, %add3A_1396 : i32
      %get3A_1398 = arith.index_cast %add3A_1397 : i32 to index
      %get3A_1399 = tpu.vector_load %arg11[%get3A_1398] {strides = array<i32>} : memref<12800xi32, #tpu.memory_space<vmem>>, vector<16xi32>,
      %get3A_1400 = vector.shape_cast %get3A_1399 : vector<16xi32> to vector<16xi32>
      %and3A_1401 = arith.andi %get3A_1400, %broadcast_in_dim3A_3 : vector<16xi32>
      %bitcast_convert_type3A_1402 = tpu.bitcast %and3A_1401 : vector<16xi32> -> vector<16xf32>
      %shift_left3A_1403 = arith.constant 16 : i32
      %shift_left3A_1404 = vector.broadcast %shift_left3A_1403 : i32 to vector<16xi32>
      %shift_left3A_1405 = arith.shli %get3A_1400, %shift_left3A_1404 : vector<16xi32>
      %bitcast_convert_type3A_1406 = tpu.bitcast %shift_left3A_1405 : vector<16xi32> -> vector<16xf32>
      %add3A_1407 = arith.addf %scan3A_1343, %bitcast_convert_type3A_1402 : vector<16xf32>
      %add3A_1408 = arith.addf %scan3A_1351, %bitcast_convert_type3A_1406 : vector<16xf32>
      %add3A_1409 = arith.constant 64 : i32
      %add3A_1410 = arith.addi %add3A_1359, %add3A_1409 : i32
      %get3A_1411 = arith.index_cast %add3A_1410 : i32 to index
      %get3A_1412 = tpu.vector_load %arg11[%get3A_1411] {strides = array<i32>} : memref<12800xi32, #tpu.memory_space<vmem>>, vector<16xi32>,
      %get3A_1413 = vector.shape_cast %get3A_1412 : vector<16xi32> to vector<16xi32>
      %and3A_1414 = arith.andi %get3A_1413, %broadcast_in_dim3A_3 : vector<16xi32>
      %bitcast_convert_type3A_1415 = tpu.bitcast %and3A_1414 : vector<16xi32> -> vector<16xf32>
      %shift_left3A_1416 = arith.constant 16 : i32
      %shift_left3A_1417 = vector.broadcast %shift_left3A_1416 : i32 to vector<16xi32>
      %shift_left3A_1418 = arith.shli %get3A_1413, %shift_left3A_1417 : vector<16xi32>
      %bitcast_convert_type3A_1419 = tpu.bitcast %shift_left3A_1418 : vector<16xi32> -> vector<16xf32>
      %add3A_1420 = arith.addf %scan3A_1344, %bitcast_convert_type3A_1415 : vector<16xf32>
      %add3A_1421 = arith.addf %scan3A_1352, %bitcast_convert_type3A_1419 : vector<16xf32>
      %add3A_1422 = arith.constant 80 : i32
      %add3A_1423 = arith.addi %add3A_1359, %add3A_1422 : i32
      %get3A_1424 = arith.index_cast %add3A_1423 : i32 to index
      %get3A_1425 = tpu.vector_load %arg11[%get3A_1424] {strides = array<i32>} : memref<12800xi32, #tpu.memory_space<vmem>>, vector<16xi32>,
      %get3A_1426 = vector.shape_cast %get3A_1425 : vector<16xi32> to vector<16xi32>
      %and3A_1427 = arith.andi %get3A_1426, %broadcast_in_dim3A_3 : vector<16xi32>
      %bitcast_convert_type3A_1428 = tpu.bitcast %and3A_1427 : vector<16xi32> -> vector<16xf32>
      %shift_left3A_1429 = arith.constant 16 : i32
      %shift_left3A_1430 = vector.broadcast %shift_left3A_1429 : i32 to vector<16xi32>
      %shift_left3A_1431 = arith.shli %get3A_1426, %shift_left3A_1430 : vector<16xi32>
      %bitcast_convert_type3A_1432 = tpu.bitcast %shift_left3A_1431 : vector<16xi32> -> vector<16xf32>
      %add3A_1433 = arith.addf %scan3A_1345, %bitcast_convert_type3A_1428 : vector<16xf32>
      %add3A_1434 = arith.addf %scan3A_1353, %bitcast_convert_type3A_1432 : vector<16xf32>
      %add3A_1435 = arith.constant 96 : i32
      %add3A_1436 = arith.addi %add3A_1359, %add3A_1435 : i32
      %get3A_1437 = arith.index_cast %add3A_1436 : i32 to index
      %get3A_1438 = tpu.vector_load %arg11[%get3A_1437] {strides = array<i32>} : memref<12800xi32, #tpu.memory_space<vmem>>, vector<16xi32>,
      %get3A_1439 = vector.shape_cast %get3A_1438 : vector<16xi32> to vector<16xi32>
      %and3A_1440 = arith.andi %get3A_1439, %broadcast_in_dim3A_3 : vector<16xi32>
      %bitcast_convert_type3A_1441 = tpu.bitcast %and3A_1440 : vector<16xi32> -> vector<16xf32>
      %shift_left3A_1442 = arith.constant 16 : i32
      %shift_left3A_1443 = vector.broadcast %shift_left3A_1442 : i32 to vector<16xi32>
      %shift_left3A_1444 = arith.shli %get3A_1439, %shift_left3A_1443 : vector<16xi32>
      %bitcast_convert_type3A_1445 = tpu.bitcast %shift_left3A_1444 : vector<16xi32> -> vector<16xf32>
      %add3A_1446 = arith.addf %scan3A_1346, %bitcast_convert_type3A_1441 : vector<16xf32>
      %add3A_1447 = arith.addf %scan3A_1354, %bitcast_convert_type3A_1445 : vector<16xf32>
      %add3A_1448 = arith.constant 112 : i32
      %add3A_1449 = arith.addi %add3A_1359, %add3A_1448 : i32
      %get3A_1450 = arith.index_cast %add3A_1449 : i32 to index
      %get3A_1451 = tpu.vector_load %arg11[%get3A_1450] {strides = array<i32>} : memref<12800xi32, #tpu.memory_space<vmem>>, vector<16xi32>,
      %get3A_1452 = vector.shape_cast %get3A_1451 : vector<16xi32> to vector<16xi32>
      %and3A_1453 = arith.andi %get3A_1452, %broadcast_in_dim3A_3 : vector<16xi32>
      %bitcast_convert_type3A_1454 = tpu.bitcast %and3A_1453 : vector<16xi32> -> vector<16xf32>
      %shift_left3A_1455 = arith.constant 16 : i32
      %shift_left3A_1456 = vector.broadcast %shift_left3A_1455 : i32 to vector<16xi32>
      %shift_left3A_1457 = arith.shli %get3A_1452, %shift_left3A_1456 : vector<16xi32>
      %bitcast_convert_type3A_1458 = tpu.bitcast %shift_left3A_1457 : vector<16xi32> -> vector<16xf32>
      %add3A_1459 = arith.addf %scan3A_1347, %bitcast_convert_type3A_1454 : vector<16xf32>
      %add3A_1460 = arith.addf %scan3A_1355, %bitcast_convert_type3A_1458 : vector<16xf32>
      scf.yield %add3A_1368, %add3A_1381, %add3A_1394, %add3A_1407, %add3A_1420, %add3A_1433, %add3A_1446, %add3A_1459, %add3A_1369, %add3A_1382, %add3A_1395, %add3A_1408, %add3A_1421, %add3A_1434, %add3A_1447, %add3A_1460 : vector<16xf32>, vector<16xf32>, vector<16xf32>, vector<16xf32>, vector<16xf32>, vector<16xf32>, vector<16xf32>, vector<16xf32>, vector<16xf32>, vector<16xf32>, vector<16xf32>, vector<16xf32>, vector<16xf32>, vector<16xf32>, vector<16xf32>, vector<16xf32>
    }
    %scan3A_376 = arith.constant 100 : i32
    %mul3A_377 = arith.constant 0.00999999977 : f32
    %mul3A_378 = vector.broadcast %mul3A_377 : f32 to vector<16xf32>
    %mul3A_379 = arith.mulf %scan3A_375#0, %mul3A_378 : vector<16xf32>
    %add3A_380 = arith.addf %mul3A_379, %get3A_2 : vector<16xf32>
    %neg3A_381 = arith.constant 0.000000e+00 : f32
    %neg3A_382 = vector.broadcast %neg3A_381 : f32 to vector<16xf32>
    %neg3A_383 = arith.subf %neg3A_382, %add3A_380 : vector<16xf32>
    %exp3A_384 = math.exp %neg3A_383 : vector<16xf32>
    %add3A_385 = arith.constant 1.000000e+00 : f32
    %add3A_386 = vector.broadcast %add3A_385 : f32 to vector<16xf32>
    %add3A_387 = arith.addf %add3A_386, %exp3A_384 : vector<16xf32>
    %div3A_388 = arith.constant 1.000000e+00 : f32
    %div3A_389 = vector.broadcast %div3A_388 : f32 to vector<16xf32>
    %div3A_390 = arith.divf %div3A_389, %add3A_387 : vector<16xf32>
    %neg3A_391 = arith.constant 0.000000e+00 : f32
    %neg3A_392 = vector.broadcast %neg3A_391 : f32 to vector<16xf32>
    %neg3A_393 = arith.subf %neg3A_392, %scan3A_375#8 : vector<16xf32>
    %exp3A_394 = math.exp %neg3A_393 : vector<16xf32>
    %add3A_395 = arith.constant 1.000000e+00 : f32
    %add3A_396 = vector.broadcast %add3A_395 : f32 to vector<16xf32>
    %add3A_397 = arith.addf %add3A_396, %exp3A_394 : vector<16xf32>
    %div3A_398 = arith.constant 1.000000e+00 : f32
    %div3A_399 = vector.broadcast %div3A_398 : f32 to vector<16xf32>
    %div3A_400 = arith.divf %div3A_399, %add3A_397 : vector<16xf32>
    %add3A_401 = arith.constant 2.000000e-01 : f32
    %add3A_402 = vector.broadcast %add3A_401 : f32 to vector<16xf32>
    %add3A_403 = arith.addf %div3A_400, %add3A_402 : vector<16xf32>
    %swap3A_404 = arith.constant 128 : index
    %swap3A_405 = tpu.vector_load %arg13[%swap3A_404] {strides = array<i32>} : memref<512xf32, #tpu.memory_space<vmem>>, vector<16xf32>,
    %swap3A_406 = vector.shape_cast %swap3A_405 : vector<16xf32> to vector<16xf32>
    %swap3A_407 = vector.shape_cast %add3A_380 : vector<16xf32> to vector<16xf32>
    tpu.vector_store %arg13[%swap3A_404], %swap3A_407 {strides = array<i32>} : memref<512xf32, #tpu.memory_space<vmem>>, vector<16xf32>,
    %swap3A_408 = arith.constant 128 : index
    %swap3A_409 = tpu.vector_load %arg12[%swap3A_408] {strides = array<i32>} : memref<512xf32, #tpu.memory_space<vmem>>, vector<16xf32>,
    %swap3A_410 = vector.shape_cast %swap3A_409 : vector<16xf32> to vector<16xf32>
    %swap3A_411 = vector.shape_cast %div3A_390 : vector<16xf32> to vector<16xf32>
    tpu.vector_store %arg12[%swap3A_408], %swap3A_411 {strides = array<i32>} : memref<512xf32, #tpu.memory_space<vmem>>, vector<16xf32>,
    %swap3A_412 = arith.constant 128 : index
    %swap3A_413 = tpu.vector_load %arg14[%swap3A_412] {strides = array<i32>} : memref<512xf32, #tpu.memory_space<vmem>>, vector<16xf32>,
    %swap3A_414 = vector.shape_cast %swap3A_413 : vector<16xf32> to vector<16xf32>
    %swap3A_415 = vector.shape_cast %add3A_403 : vector<16xf32> to vector<16xf32>
    tpu.vector_store %arg14[%swap3A_412], %swap3A_415 {strides = array<i32>} : memref<512xf32, #tpu.memory_space<vmem>>, vector<16xf32>,
    %mul3A_416 = arith.constant 0.00999999977 : f32
    %mul3A_417 = vector.broadcast %mul3A_416 : f32 to vector<16xf32>
    %mul3A_418 = arith.mulf %scan3A_375#1, %mul3A_417 : vector<16xf32>
    %add3A_419 = arith.addf %mul3A_418, %get3A_2 : vector<16xf32>
    %neg3A_420 = arith.constant 0.000000e+00 : f32
    %neg3A_421 = vector.broadcast %neg3A_420 : f32 to vector<16xf32>
    %neg3A_422 = arith.subf %neg3A_421, %add3A_419 : vector<16xf32>
    %exp3A_423 = math.exp %neg3A_422 : vector<16xf32>
    %add3A_424 = arith.constant 1.000000e+00 : f32
    %add3A_425 = vector.broadcast %add3A_424 : f32 to vector<16xf32>
    %add3A_426 = arith.addf %add3A_425, %exp3A_423 : vector<16xf32>
    %div3A_427 = arith.constant 1.000000e+00 : f32
    %div3A_428 = vector.broadcast %div3A_427 : f32 to vector<16xf32>
    %div3A_429 = arith.divf %div3A_428, %add3A_426 : vector<16xf32>
    %neg3A_430 = arith.constant 0.000000e+00 : f32
    %neg3A_431 = vector.broadcast %neg3A_430 : f32 to vector<16xf32>
    %neg3A_432 = arith.subf %neg3A_431, %scan3A_375#9 : vector<16xf32>
    %exp3A_433 = math.exp %neg3A_432 : vector<16xf32>
    %add3A_434 = arith.constant 1.000000e+00 : f32
    %add3A_435 = vector.broadcast %add3A_434 : f32 to vector<16xf32>
    %add3A_436 = arith.addf %add3A_435, %exp3A_433 : vector<16xf32>
    %div3A_437 = arith.constant 1.000000e+00 : f32
    %div3A_438 = vector.broadcast %div3A_437 : f32 to vector<16xf32>
    %div3A_439 = arith.divf %div3A_438, %add3A_436 : vector<16xf32>
    %add3A_440 = arith.constant 2.000000e-01 : f32
    %add3A_441 = vector.broadcast %add3A_440 : f32 to vector<16xf32>
    %add3A_442 = arith.addf %div3A_439, %add3A_441 : vector<16xf32>
    %swap3A_443 = arith.constant 144 : index
    %swap3A_444 = tpu.vector_load %arg13[%swap3A_443] {strides = array<i32>} : memref<512xf32, #tpu.memory_space<vmem>>, vector<16xf32>,
    %swap3A_445 = vector.shape_cast %swap3A_444 : vector<16xf32> to vector<16xf32>
    %swap3A_446 = vector.shape_cast %add3A_419 : vector<16xf32> to vector<16xf32>
    tpu.vector_store %arg13[%swap3A_443], %swap3A_446 {strides = array<i32>} : memref<512xf32, #tpu.memory_space<vmem>>, vector<16xf32>,
    %swap3A_447 = arith.constant 144 : index
    %swap3A_448 = tpu.vector_load %arg12[%swap3A_447] {strides = array<i32>} : memref<512xf32, #tpu.memory_space<vmem>>, vector<16xf32>,
    %swap3A_449 = vector.shape_cast %swap3A_448 : vector<16xf32> to vector<16xf32>
    %swap3A_450 = vector.shape_cast %div3A_429 : vector<16xf32> to vector<16xf32>
    tpu.vector_store %arg12[%swap3A_447], %swap3A_450 {strides = array<i32>} : memref<512xf32, #tpu.memory_space<vmem>>, vector<16xf32>,
    %swap3A_451 = arith.constant 144 : index
    %swap3A_452 = tpu.vector_load %arg14[%swap3A_451] {strides = array<i32>} : memref<512xf32, #tpu.memory_space<vmem>>, vector<16xf32>,
    %swap3A_453 = vector.shape_cast %swap3A_452 : vector<16xf32> to vector<16xf32>
    %swap3A_454 = vector.shape_cast %add3A_442 : vector<16xf32> to vector<16xf32>
    tpu.vector_store %arg14[%swap3A_451], %swap3A_454 {strides = array<i32>} : memref<512xf32, #tpu.memory_space<vmem>>, vector<16xf32>,
    %mul3A_455 = arith.constant 0.00999999977 : f32
    %mul3A_456 = vector.broadcast %mul3A_455 : f32 to vector<16xf32>
    %mul3A_457 = arith.mulf %scan3A_375#2, %mul3A_456 : vector<16xf32>
    %add3A_458 = arith.addf %mul3A_457, %get3A_2 : vector<16xf32>
    %neg3A_459 = arith.constant 0.000000e+00 : f32
    %neg3A_460 = vector.broadcast %neg3A_459 : f32 to vector<16xf32>
    %neg3A_461 = arith.subf %neg3A_460, %add3A_458 : vector<16xf32>
    %exp3A_462 = math.exp %neg3A_461 : vector<16xf32>
    %add3A_463 = arith.constant 1.000000e+00 : f32
    %add3A_464 = vector.broadcast %add3A_463 : f32 to vector<16xf32>
    %add3A_465 = arith.addf %add3A_464, %exp3A_462 : vector<16xf32>
    %div3A_466 = arith.constant 1.000000e+00 : f32
    %div3A_467 = vector.broadcast %div3A_466 : f32 to vector<16xf32>
    %div3A_468 = arith.divf %div3A_467, %add3A_465 : vector<16xf32>
    %neg3A_469 = arith.constant 0.000000e+00 : f32
    %neg3A_470 = vector.broadcast %neg3A_469 : f32 to vector<16xf32>
    %neg3A_471 = arith.subf %neg3A_470, %scan3A_375#10 : vector<16xf32>
    %exp3A_472 = math.exp %neg3A_471 : vector<16xf32>
    %add3A_473 = arith.constant 1.000000e+00 : f32
    %add3A_474 = vector.broadcast %add3A_473 : f32 to vector<16xf32>
    %add3A_475 = arith.addf %add3A_474, %exp3A_472 : vector<16xf32>
    %div3A_476 = arith.constant 1.000000e+00 : f32
    %div3A_477 = vector.broadcast %div3A_476 : f32 to vector<16xf32>
    %div3A_478 = arith.divf %div3A_477, %add3A_475 : vector<16xf32>
    %add3A_479 = arith.constant 2.000000e-01 : f32
    %add3A_480 = vector.broadcast %add3A_479 : f32 to vector<16xf32>
    %add3A_481 = arith.addf %div3A_478, %add3A_480 : vector<16xf32>
    %swap3A_482 = arith.constant 160 : index
    %swap3A_483 = tpu.vector_load %arg13[%swap3A_482] {strides = array<i32>} : memref<512xf32, #tpu.memory_space<vmem>>, vector<16xf32>,
    %swap3A_484 = vector.shape_cast %swap3A_483 : vector<16xf32> to vector<16xf32>
    %swap3A_485 = vector.shape_cast %add3A_458 : vector<16xf32> to vector<16xf32>
    tpu.vector_store %arg13[%swap3A_482], %swap3A_485 {strides = array<i32>} : memref<512xf32, #tpu.memory_space<vmem>>, vector<16xf32>,
    %swap3A_486 = arith.constant 160 : index
    %swap3A_487 = tpu.vector_load %arg12[%swap3A_486] {strides = array<i32>} : memref<512xf32, #tpu.memory_space<vmem>>, vector<16xf32>,
    %swap3A_488 = vector.shape_cast %swap3A_487 : vector<16xf32> to vector<16xf32>
    %swap3A_489 = vector.shape_cast %div3A_468 : vector<16xf32> to vector<16xf32>
    tpu.vector_store %arg12[%swap3A_486], %swap3A_489 {strides = array<i32>} : memref<512xf32, #tpu.memory_space<vmem>>, vector<16xf32>,
    %swap3A_490 = arith.constant 160 : index
    %swap3A_491 = tpu.vector_load %arg14[%swap3A_490] {strides = array<i32>} : memref<512xf32, #tpu.memory_space<vmem>>, vector<16xf32>,
    %swap3A_492 = vector.shape_cast %swap3A_491 : vector<16xf32> to vector<16xf32>
    %swap3A_493 = vector.shape_cast %add3A_481 : vector<16xf32> to vector<16xf32>
    tpu.vector_store %arg14[%swap3A_490], %swap3A_493 {strides = array<i32>} : memref<512xf32, #tpu.memory_space<vmem>>, vector<16xf32>,
    %mul3A_494 = arith.constant 0.00999999977 : f32
    %mul3A_495 = vector.broadcast %mul3A_494 : f32 to vector<16xf32>
    %mul3A_496 = arith.mulf %scan3A_375#3, %mul3A_495 : vector<16xf32>
    %add3A_497 = arith.addf %mul3A_496, %get3A_2 : vector<16xf32>
    %neg3A_498 = arith.constant 0.000000e+00 : f32
    %neg3A_499 = vector.broadcast %neg3A_498 : f32 to vector<16xf32>
    %neg3A_500 = arith.subf %neg3A_499, %add3A_497 : vector<16xf32>
    %exp3A_501 = math.exp %neg3A_500 : vector<16xf32>
    %add3A_502 = arith.constant 1.000000e+00 : f32
    %add3A_503 = vector.broadcast %add3A_502 : f32 to vector<16xf32>
    %add3A_504 = arith.addf %add3A_503, %exp3A_501 : vector<16xf32>
    %div3A_505 = arith.constant 1.000000e+00 : f32
    %div3A_506 = vector.broadcast %div3A_505 : f32 to vector<16xf32>
    %div3A_507 = arith.divf %div3A_506, %add3A_504 : vector<16xf32>
    %neg3A_508 = arith.constant 0.000000e+00 : f32
    %neg3A_509 = vector.broadcast %neg3A_508 : f32 to vector<16xf32>
    %neg3A_510 = arith.subf %neg3A_509, %scan3A_375#11 : vector<16xf32>
    %exp3A_511 = math.exp %neg3A_510 : vector<16xf32>
    %add3A_512 = arith.constant 1.000000e+00 : f32
    %add3A_513 = vector.broadcast %add3A_512 : f32 to vector<16xf32>
    %add3A_514 = arith.addf %add3A_513, %exp3A_511 : vector<16xf32>
    %div3A_515 = arith.constant 1.000000e+00 : f32
    %div3A_516 = vector.broadcast %div3A_515 : f32 to vector<16xf32>
    %div3A_517 = arith.divf %div3A_516, %add3A_514 : vector<16xf32>
    %add3A_518 = arith.constant 2.000000e-01 : f32
    %add3A_519 = vector.broadcast %add3A_518 : f32 to vector<16xf32>
    %add3A_520 = arith.addf %div3A_517, %add3A_519 : vector<16xf32>
    %swap3A_521 = arith.constant 176 : index
    %swap3A_522 = tpu.vector_load %arg13[%swap3A_521] {strides = array<i32>} : memref<512xf32, #tpu.memory_space<vmem>>, vector<16xf32>,
    %swap3A_523 = vector.shape_cast %swap3A_522 : vector<16xf32> to vector<16xf32>
    %swap3A_524 = vector.shape_cast %add3A_497 : vector<16xf32> to vector<16xf32>
    tpu.vector_store %arg13[%swap3A_521], %swap3A_524 {strides = array<i32>} : memref<512xf32, #tpu.memory_space<vmem>>, vector<16xf32>,
    %swap3A_525 = arith.constant 176 : index
    %swap3A_526 = tpu.vector_load %arg12[%swap3A_525] {strides = array<i32>} : memref<512xf32, #tpu.memory_space<vmem>>, vector<16xf32>,
    %swap3A_527 = vector.shape_cast %swap3A_526 : vector<16xf32> to vector<16xf32>
    %swap3A_528 = vector.shape_cast %div3A_507 : vector<16xf32> to vector<16xf32>
    tpu.vector_store %arg12[%swap3A_525], %swap3A_528 {strides = array<i32>} : memref<512xf32, #tpu.memory_space<vmem>>, vector<16xf32>,
    %swap3A_529 = arith.constant 176 : index
    %swap3A_530 = tpu.vector_load %arg14[%swap3A_529] {strides = array<i32>} : memref<512xf32, #tpu.memory_space<vmem>>, vector<16xf32>,
    %swap3A_531 = vector.shape_cast %swap3A_530 : vector<16xf32> to vector<16xf32>
    %swap3A_532 = vector.shape_cast %add3A_520 : vector<16xf32> to vector<16xf32>
    tpu.vector_store %arg14[%swap3A_529], %swap3A_532 {strides = array<i32>} : memref<512xf32, #tpu.memory_space<vmem>>, vector<16xf32>,
    %mul3A_533 = arith.constant 0.00999999977 : f32
    %mul3A_534 = vector.broadcast %mul3A_533 : f32 to vector<16xf32>
    %mul3A_535 = arith.mulf %scan3A_375#4, %mul3A_534 : vector<16xf32>
    %add3A_536 = arith.addf %mul3A_535, %get3A_2 : vector<16xf32>
    %neg3A_537 = arith.constant 0.000000e+00 : f32
    %neg3A_538 = vector.broadcast %neg3A_537 : f32 to vector<16xf32>
    %neg3A_539 = arith.subf %neg3A_538, %add3A_536 : vector<16xf32>
    %exp3A_540 = math.exp %neg3A_539 : vector<16xf32>
    %add3A_541 = arith.constant 1.000000e+00 : f32
    %add3A_542 = vector.broadcast %add3A_541 : f32 to vector<16xf32>
    %add3A_543 = arith.addf %add3A_542, %exp3A_540 : vector<16xf32>
    %div3A_544 = arith.constant 1.000000e+00 : f32
    %div3A_545 = vector.broadcast %div3A_544 : f32 to vector<16xf32>
    %div3A_546 = arith.divf %div3A_545, %add3A_543 : vector<16xf32>
    %neg3A_547 = arith.constant 0.000000e+00 : f32
    %neg3A_548 = vector.broadcast %neg3A_547 : f32 to vector<16xf32>
    %neg3A_549 = arith.subf %neg3A_548, %scan3A_375#12 : vector<16xf32>
    %exp3A_550 = math.exp %neg3A_549 : vector<16xf32>
    %add3A_551 = arith.constant 1.000000e+00 : f32
    %add3A_552 = vector.broadcast %add3A_551 : f32 to vector<16xf32>
    %add3A_553 = arith.addf %add3A_552, %exp3A_550 : vector<16xf32>
    %div3A_554 = arith.constant 1.000000e+00 : f32
    %div3A_555 = vector.broadcast %div3A_554 : f32 to vector<16xf32>
    %div3A_556 = arith.divf %div3A_555, %add3A_553 : vector<16xf32>
    %add3A_557 = arith.constant 2.000000e-01 : f32
    %add3A_558 = vector.broadcast %add3A_557 : f32 to vector<16xf32>
    %add3A_559 = arith.addf %div3A_556, %add3A_558 : vector<16xf32>
    %swap3A_560 = arith.constant 192 : index
    %swap3A_561 = tpu.vector_load %arg13[%swap3A_560] {strides = array<i32>} : memref<512xf32, #tpu.memory_space<vmem>>, vector<16xf32>,
    %swap3A_562 = vector.shape_cast %swap3A_561 : vector<16xf32> to vector<16xf32>
    %swap3A_563 = vector.shape_cast %add3A_536 : vector<16xf32> to vector<16xf32>
    tpu.vector_store %arg13[%swap3A_560], %swap3A_563 {strides = array<i32>} : memref<512xf32, #tpu.memory_space<vmem>>, vector<16xf32>,
    %swap3A_564 = arith.constant 192 : index
    %swap3A_565 = tpu.vector_load %arg12[%swap3A_564] {strides = array<i32>} : memref<512xf32, #tpu.memory_space<vmem>>, vector<16xf32>,
    %swap3A_566 = vector.shape_cast %swap3A_565 : vector<16xf32> to vector<16xf32>
    %swap3A_567 = vector.shape_cast %div3A_546 : vector<16xf32> to vector<16xf32>
    tpu.vector_store %arg12[%swap3A_564], %swap3A_567 {strides = array<i32>} : memref<512xf32, #tpu.memory_space<vmem>>, vector<16xf32>,
    %swap3A_568 = arith.constant 192 : index
    %swap3A_569 = tpu.vector_load %arg14[%swap3A_568] {strides = array<i32>} : memref<512xf32, #tpu.memory_space<vmem>>, vector<16xf32>,
    %swap3A_570 = vector.shape_cast %swap3A_569 : vector<16xf32> to vector<16xf32>
    %swap3A_571 = vector.shape_cast %add3A_559 : vector<16xf32> to vector<16xf32>
    tpu.vector_store %arg14[%swap3A_568], %swap3A_571 {strides = array<i32>} : memref<512xf32, #tpu.memory_space<vmem>>, vector<16xf32>,
    %mul3A_572 = arith.constant 0.00999999977 : f32
    %mul3A_573 = vector.broadcast %mul3A_572 : f32 to vector<16xf32>
    %mul3A_574 = arith.mulf %scan3A_375#5, %mul3A_573 : vector<16xf32>
    %add3A_575 = arith.addf %mul3A_574, %get3A_2 : vector<16xf32>
    %neg3A_576 = arith.constant 0.000000e+00 : f32
    %neg3A_577 = vector.broadcast %neg3A_576 : f32 to vector<16xf32>
    %neg3A_578 = arith.subf %neg3A_577, %add3A_575 : vector<16xf32>
    %exp3A_579 = math.exp %neg3A_578 : vector<16xf32>
    %add3A_580 = arith.constant 1.000000e+00 : f32
    %add3A_581 = vector.broadcast %add3A_580 : f32 to vector<16xf32>
    %add3A_582 = arith.addf %add3A_581, %exp3A_579 : vector<16xf32>
    %div3A_583 = arith.constant 1.000000e+00 : f32
    %div3A_584 = vector.broadcast %div3A_583 : f32 to vector<16xf32>
    %div3A_585 = arith.divf %div3A_584, %add3A_582 : vector<16xf32>
    %neg3A_586 = arith.constant 0.000000e+00 : f32
    %neg3A_587 = vector.broadcast %neg3A_586 : f32 to vector<16xf32>
    %neg3A_588 = arith.subf %neg3A_587, %scan3A_375#13 : vector<16xf32>
    %exp3A_589 = math.exp %neg3A_588 : vector<16xf32>
    %add3A_590 = arith.constant 1.000000e+00 : f32
    %add3A_591 = vector.broadcast %add3A_590 : f32 to vector<16xf32>
    %add3A_592 = arith.addf %add3A_591, %exp3A_589 : vector<16xf32>
    %div3A_593 = arith.constant 1.000000e+00 : f32
    %div3A_594 = vector.broadcast %div3A_593 : f32 to vector<16xf32>
    %div3A_595 = arith.divf %div3A_594, %add3A_592 : vector<16xf32>
    %add3A_596 = arith.constant 2.000000e-01 : f32
    %add3A_597 = vector.broadcast %add3A_596 : f32 to vector<16xf32>
    %add3A_598 = arith.addf %div3A_595, %add3A_597 : vector<16xf32>
    %swap3A_599 = arith.constant 208 : index
    %swap3A_600 = tpu.vector_load %arg13[%swap3A_599] {strides = array<i32>} : memref<512xf32, #tpu.memory_space<vmem>>, vector<16xf32>,
    %swap3A_601 = vector.shape_cast %swap3A_600 : vector<16xf32> to vector<16xf32>
    %swap3A_602 = vector.shape_cast %add3A_575 : vector<16xf32> to vector<16xf32>
    tpu.vector_store %arg13[%swap3A_599], %swap3A_602 {strides = array<i32>} : memref<512xf32, #tpu.memory_space<vmem>>, vector<16xf32>,
    %swap3A_603 = arith.constant 208 : index
    %swap3A_604 = tpu.vector_load %arg12[%swap3A_603] {strides = array<i32>} : memref<512xf32, #tpu.memory_space<vmem>>, vector<16xf32>,
    %swap3A_605 = vector.shape_cast %swap3A_604 : vector<16xf32> to vector<16xf32>
    %swap3A_606 = vector.shape_cast %div3A_585 : vector<16xf32> to vector<16xf32>
    tpu.vector_store %arg12[%swap3A_603], %swap3A_606 {strides = array<i32>} : memref<512xf32, #tpu.memory_space<vmem>>, vector<16xf32>,
    %swap3A_607 = arith.constant 208 : index
    %swap3A_608 = tpu.vector_load %arg14[%swap3A_607] {strides = array<i32>} : memref<512xf32, #tpu.memory_space<vmem>>, vector<16xf32>,
    %swap3A_609 = vector.shape_cast %swap3A_608 : vector<16xf32> to vector<16xf32>
    %swap3A_610 = vector.shape_cast %add3A_598 : vector<16xf32> to vector<16xf32>
    tpu.vector_store %arg14[%swap3A_607], %swap3A_610 {strides = array<i32>} : memref<512xf32, #tpu.memory_space<vmem>>, vector<16xf32>,
    %mul3A_611 = arith.constant 0.00999999977 : f32
    %mul3A_612 = vector.broadcast %mul3A_611 : f32 to vector<16xf32>
    %mul3A_613 = arith.mulf %scan3A_375#6, %mul3A_612 : vector<16xf32>
    %add3A_614 = arith.addf %mul3A_613, %get3A_2 : vector<16xf32>
    %neg3A_615 = arith.constant 0.000000e+00 : f32
    %neg3A_616 = vector.broadcast %neg3A_615 : f32 to vector<16xf32>
    %neg3A_617 = arith.subf %neg3A_616, %add3A_614 : vector<16xf32>
    %exp3A_618 = math.exp %neg3A_617 : vector<16xf32>
    %add3A_619 = arith.constant 1.000000e+00 : f32
    %add3A_620 = vector.broadcast %add3A_619 : f32 to vector<16xf32>
    %add3A_621 = arith.addf %add3A_620, %exp3A_618 : vector<16xf32>
    %div3A_622 = arith.constant 1.000000e+00 : f32
    %div3A_623 = vector.broadcast %div3A_622 : f32 to vector<16xf32>
    %div3A_624 = arith.divf %div3A_623, %add3A_621 : vector<16xf32>
    %neg3A_625 = arith.constant 0.000000e+00 : f32
    %neg3A_626 = vector.broadcast %neg3A_625 : f32 to vector<16xf32>
    %neg3A_627 = arith.subf %neg3A_626, %scan3A_375#14 : vector<16xf32>
    %exp3A_628 = math.exp %neg3A_627 : vector<16xf32>
    %add3A_629 = arith.constant 1.000000e+00 : f32
    %add3A_630 = vector.broadcast %add3A_629 : f32 to vector<16xf32>
    %add3A_631 = arith.addf %add3A_630, %exp3A_628 : vector<16xf32>
    %div3A_632 = arith.constant 1.000000e+00 : f32
    %div3A_633 = vector.broadcast %div3A_632 : f32 to vector<16xf32>
    %div3A_634 = arith.divf %div3A_633, %add3A_631 : vector<16xf32>
    %add3A_635 = arith.constant 2.000000e-01 : f32
    %add3A_636 = vector.broadcast %add3A_635 : f32 to vector<16xf32>
    %add3A_637 = arith.addf %div3A_634, %add3A_636 : vector<16xf32>
    %swap3A_638 = arith.constant 224 : index
    %swap3A_639 = tpu.vector_load %arg13[%swap3A_638] {strides = array<i32>} : memref<512xf32, #tpu.memory_space<vmem>>, vector<16xf32>,
    %swap3A_640 = vector.shape_cast %swap3A_639 : vector<16xf32> to vector<16xf32>
    %swap3A_641 = vector.shape_cast %add3A_614 : vector<16xf32> to vector<16xf32>
    tpu.vector_store %arg13[%swap3A_638], %swap3A_641 {strides = array<i32>} : memref<512xf32, #tpu.memory_space<vmem>>, vector<16xf32>,
    %swap3A_642 = arith.constant 224 : index
    %swap3A_643 = tpu.vector_load %arg12[%swap3A_642] {strides = array<i32>} : memref<512xf32, #tpu.memory_space<vmem>>, vector<16xf32>,
    %swap3A_644 = vector.shape_cast %swap3A_643 : vector<16xf32> to vector<16xf32>
    %swap3A_645 = vector.shape_cast %div3A_624 : vector<16xf32> to vector<16xf32>
    tpu.vector_store %arg12[%swap3A_642], %swap3A_645 {strides = array<i32>} : memref<512xf32, #tpu.memory_space<vmem>>, vector<16xf32>,
    %swap3A_646 = arith.constant 224 : index
    %swap3A_647 = tpu.vector_load %arg14[%swap3A_646] {strides = array<i32>} : memref<512xf32, #tpu.memory_space<vmem>>, vector<16xf32>,
    %swap3A_648 = vector.shape_cast %swap3A_647 : vector<16xf32> to vector<16xf32>
    %swap3A_649 = vector.shape_cast %add3A_637 : vector<16xf32> to vector<16xf32>
    tpu.vector_store %arg14[%swap3A_646], %swap3A_649 {strides = array<i32>} : memref<512xf32, #tpu.memory_space<vmem>>, vector<16xf32>,
    %mul3A_650 = arith.constant 0.00999999977 : f32
    %mul3A_651 = vector.broadcast %mul3A_650 : f32 to vector<16xf32>
    %mul3A_652 = arith.mulf %scan3A_375#7, %mul3A_651 : vector<16xf32>
    %add3A_653 = arith.addf %mul3A_652, %get3A_2 : vector<16xf32>
    %neg3A_654 = arith.constant 0.000000e+00 : f32
    %neg3A_655 = vector.broadcast %neg3A_654 : f32 to vector<16xf32>
    %neg3A_656 = arith.subf %neg3A_655, %add3A_653 : vector<16xf32>
    %exp3A_657 = math.exp %neg3A_656 : vector<16xf32>
    %add3A_658 = arith.constant 1.000000e+00 : f32
    %add3A_659 = vector.broadcast %add3A_658 : f32 to vector<16xf32>
    %add3A_660 = arith.addf %add3A_659, %exp3A_657 : vector<16xf32>
    %div3A_661 = arith.constant 1.000000e+00 : f32
    %div3A_662 = vector.broadcast %div3A_661 : f32 to vector<16xf32>
    %div3A_663 = arith.divf %div3A_662, %add3A_660 : vector<16xf32>
    %neg3A_664 = arith.constant 0.000000e+00 : f32
    %neg3A_665 = vector.broadcast %neg3A_664 : f32 to vector<16xf32>
    %neg3A_666 = arith.subf %neg3A_665, %scan3A_375#15 : vector<16xf32>
    %exp3A_667 = math.exp %neg3A_666 : vector<16xf32>
    %add3A_668 = arith.constant 1.000000e+00 : f32
    %add3A_669 = vector.broadcast %add3A_668 : f32 to vector<16xf32>
    %add3A_670 = arith.addf %add3A_669, %exp3A_667 : vector<16xf32>
    %div3A_671 = arith.constant 1.000000e+00 : f32
    %div3A_672 = vector.broadcast %div3A_671 : f32 to vector<16xf32>
    %div3A_673 = arith.divf %div3A_672, %add3A_670 : vector<16xf32>
    %add3A_674 = arith.constant 2.000000e-01 : f32
    %add3A_675 = vector.broadcast %add3A_674 : f32 to vector<16xf32>
    %add3A_676 = arith.addf %div3A_673, %add3A_675 : vector<16xf32>
    %swap3A_677 = arith.constant 240 : index
    %swap3A_678 = tpu.vector_load %arg13[%swap3A_677] {strides = array<i32>} : memref<512xf32, #tpu.memory_space<vmem>>, vector<16xf32>,
    %swap3A_679 = vector.shape_cast %swap3A_678 : vector<16xf32> to vector<16xf32>
    %swap3A_680 = vector.shape_cast %add3A_653 : vector<16xf32> to vector<16xf32>
    tpu.vector_store %arg13[%swap3A_677], %swap3A_680 {strides = array<i32>} : memref<512xf32, #tpu.memory_space<vmem>>, vector<16xf32>,
    %swap3A_681 = arith.constant 240 : index
    %swap3A_682 = tpu.vector_load %arg12[%swap3A_681] {strides = array<i32>} : memref<512xf32, #tpu.memory_space<vmem>>, vector<16xf32>,
    %swap3A_683 = vector.shape_cast %swap3A_682 : vector<16xf32> to vector<16xf32>
    %swap3A_684 = vector.shape_cast %div3A_663 : vector<16xf32> to vector<16xf32>
    tpu.vector_store %arg12[%swap3A_681], %swap3A_684 {strides = array<i32>} : memref<512xf32, #tpu.memory_space<vmem>>, vector<16xf32>,
    %swap3A_685 = arith.constant 240 : index
    %swap3A_686 = tpu.vector_load %arg14[%swap3A_685] {strides = array<i32>} : memref<512xf32, #tpu.memory_space<vmem>>, vector<16xf32>,
    %swap3A_687 = vector.shape_cast %swap3A_686 : vector<16xf32> to vector<16xf32>
    %swap3A_688 = vector.shape_cast %add3A_676 : vector<16xf32> to vector<16xf32>
    tpu.vector_store %arg14[%swap3A_685], %swap3A_688 {strides = array<i32>} : memref<512xf32, #tpu.memory_space<vmem>>, vector<16xf32>,
    %dma_wait3A_689 = arith.constant 0 : i32
    %dma_wait3A_690 = tpu.memref_slice %arg3[%dma_wait3A_689] : memref<1000000xi32, #tpu.memory_space<hbm>> -> memref<1000000xi32, #tpu.memory_space<hbm>>
    tpu.wait_indirect_dma semaphore(%arg18 : memref<!tpu.dma_semaphore, #tpu.memory_space<semaphore_mem>>) src(%dma_wait3A_690 : memref<1000000xi32, #tpu.memory_space<hbm>>) dst(%arg10 : memref<12800xi32, #tpu.memory_space<vmem>>)
    %dma_wait3A_691 = tpu.memref_slice %arg2[%mul3A_366] : memref<1638400xi32, #tpu.memory_space<hbm>> -> memref<12800xi32, #tpu.memory_space<hbm>>
    %dma_wait3A_692 = tpu.memref_slice %arg2[%mul3A_366] : memref<1638400xi32, #tpu.memory_space<hbm>> -> memref<12800xi32, #tpu.memory_space<hbm>>
    tpu.wait_dma2 semaphore(%arg17 : memref<!tpu.dma_semaphore, #tpu.memory_space<semaphore_mem>>) src(%dma_wait3A_692 : memref<12800xi32, #tpu.memory_space<hbm>>) dst(%arg9 : memref<12800xi32, #tpu.memory_space<vmem>>)
    %dma_start3A_693 = arith.constant 0 : i32
    %dma_start3A_694 = tpu.memref_slice %arg3[%dma_start3A_693] : memref<1000000xi32, #tpu.memory_space<hbm>> -> memref<1000000xi32, #tpu.memory_space<hbm>>
    tpu.enqueue_indirect_dma source(%dma_start3A_694 : memref<1000000xi32, #tpu.memory_space<hbm>>) target(%arg11 : memref<12800xi32, #tpu.memory_space<vmem>>) offsets(%arg9 : memref<12800xi32, #tpu.memory_space<vmem>>) semaphore(%arg19 : memref<!tpu.dma_semaphore, #tpu.memory_space<semaphore_mem>>)
    %broadcast_in_dim3A_695 = arith.constant 0.000000e+00 : f32
    %broadcast_in_dim3A_696 = vector.broadcast %broadcast_in_dim3A_695 : f32 to vector<16xf32>
    %scan3A_697 = arith.constant 0 : i32
    %scan3A_698 = arith.constant 100 : i32
    %scan3A_699 = arith.addi %scan3A_697, %scan3A_698 : i32
    %scan3A_700 = arith.constant 1 : i32
    %scan3A_701:16 = scf.for %scan3A_1339 = %scan3A_697 to %scan3A_699 step %scan3A_700 iter_args(%scan3A_1340 = %broadcast_in_dim3A_696, %scan3A_1341 = %broadcast_in_dim3A_696, %scan3A_1342 = %broadcast_in_dim3A_696, %scan3A_1343 = %broadcast_in_dim3A_696, %scan3A_1344 = %broadcast_in_dim3A_696, %scan3A_1345 = %broadcast_in_dim3A_696, %scan3A_1346 = %broadcast_in_dim3A_696, %scan3A_1347 = %broadcast_in_dim3A_696, %scan3A_1348 = %broadcast_in_dim3A_696, %scan3A_1349 = %broadcast_in_dim3A_696, %scan3A_1350 = %broadcast_in_dim3A_696, %scan3A_1351 = %broadcast_in_dim3A_696, %scan3A_1352 = %broadcast_in_dim3A_696, %scan3A_1353 = %broadcast_in_dim3A_696, %scan3A_1354 = %broadcast_in_dim3A_696, %scan3A_1355 = %broadcast_in_dim3A_696) -> (vector<16xf32>, vector<16xf32>, vector<16xf32>, vector<16xf32>, vector<16xf32>, vector<16xf32>, vector<16xf32>, vector<16xf32>, vector<16xf32>, vector<16xf32>, vector<16xf32>, vector<16xf32>, vector<16xf32>, vector<16xf32>, vector<16xf32>, vector<16xf32>)  : i32 {
      %mul3A_1356 = arith.constant 128 : i32
      %mul3A_1357 = arith.muli %scan3A_1339, %mul3A_1356 : i32
      %add3A_1358 = arith.constant 0 : i32
      %add3A_1359 = arith.addi %mul3A_1357, %add3A_1358 : i32
      %add3A_1360 = arith.constant 0 : i32
      %add3A_1361 = arith.addi %add3A_1359, %add3A_1360 : i32
      %get3A_1362 = arith.index_cast %add3A_1361 : i32 to index
      %get3A_1363 = tpu.vector_load %arg10[%get3A_1362] {strides = array<i32>} : memref<12800xi32, #tpu.memory_space<vmem>>, vector<16xi32>,
      %get3A_1364 = vector.shape_cast %get3A_1363 : vector<16xi32> to vector<16xi32>
      %and3A = arith.andi %get3A_1364, %broadcast_in_dim3A_3 : vector<16xi32>
      %bitcast_convert_type3A = tpu.bitcast %and3A : vector<16xi32> -> vector<16xf32>
      %shift_left3A = arith.constant 16 : i32
      %shift_left3A_1365 = vector.broadcast %shift_left3A : i32 to vector<16xi32>
      %shift_left3A_1366 = arith.shli %get3A_1364, %shift_left3A_1365 : vector<16xi32>
      %bitcast_convert_type3A_1367 = tpu.bitcast %shift_left3A_1366 : vector<16xi32> -> vector<16xf32>
      %add3A_1368 = arith.addf %scan3A_1340, %bitcast_convert_type3A : vector<16xf32>
      %add3A_1369 = arith.addf %scan3A_1348, %bitcast_convert_type3A_1367 : vector<16xf32>
      %add3A_1370 = arith.constant 16 : i32
      %add3A_1371 = arith.addi %add3A_1359, %add3A_1370 : i32
      %get3A_1372 = arith.index_cast %add3A_1371 : i32 to index
      %get3A_1373 = tpu.vector_load %arg10[%get3A_1372] {strides = array<i32>} : memref<12800xi32, #tpu.memory_space<vmem>>, vector<16xi32>,
      %get3A_1374 = vector.shape_cast %get3A_1373 : vector<16xi32> to vector<16xi32>
      %and3A_1375 = arith.andi %get3A_1374, %broadcast_in_dim3A_3 : vector<16xi32>
      %bitcast_convert_type3A_1376 = tpu.bitcast %and3A_1375 : vector<16xi32> -> vector<16xf32>
      %shift_left3A_1377 = arith.constant 16 : i32
      %shift_left3A_1378 = vector.broadcast %shift_left3A_1377 : i32 to vector<16xi32>
      %shift_left3A_1379 = arith.shli %get3A_1374, %shift_left3A_1378 : vector<16xi32>
      %bitcast_convert_type3A_1380 = tpu.bitcast %shift_left3A_1379 : vector<16xi32> -> vector<16xf32>
      %add3A_1381 = arith.addf %scan3A_1341, %bitcast_convert_type3A_1376 : vector<16xf32>
      %add3A_1382 = arith.addf %scan3A_1349, %bitcast_convert_type3A_1380 : vector<16xf32>
      %add3A_1383 = arith.constant 32 : i32
      %add3A_1384 = arith.addi %add3A_1359, %add3A_1383 : i32
      %get3A_1385 = arith.index_cast %add3A_1384 : i32 to index
      %get3A_1386 = tpu.vector_load %arg10[%get3A_1385] {strides = array<i32>} : memref<12800xi32, #tpu.memory_space<vmem>>, vector<16xi32>,
      %get3A_1387 = vector.shape_cast %get3A_1386 : vector<16xi32> to vector<16xi32>
      %and3A_1388 = arith.andi %get3A_1387, %broadcast_in_dim3A_3 : vector<16xi32>
      %bitcast_convert_type3A_1389 = tpu.bitcast %and3A_1388 : vector<16xi32> -> vector<16xf32>
      %shift_left3A_1390 = arith.constant 16 : i32
      %shift_left3A_1391 = vector.broadcast %shift_left3A_1390 : i32 to vector<16xi32>
      %shift_left3A_1392 = arith.shli %get3A_1387, %shift_left3A_1391 : vector<16xi32>
      %bitcast_convert_type3A_1393 = tpu.bitcast %shift_left3A_1392 : vector<16xi32> -> vector<16xf32>
      %add3A_1394 = arith.addf %scan3A_1342, %bitcast_convert_type3A_1389 : vector<16xf32>
      %add3A_1395 = arith.addf %scan3A_1350, %bitcast_convert_type3A_1393 : vector<16xf32>
      %add3A_1396 = arith.constant 48 : i32
      %add3A_1397 = arith.addi %add3A_1359, %add3A_1396 : i32
      %get3A_1398 = arith.index_cast %add3A_1397 : i32 to index
      %get3A_1399 = tpu.vector_load %arg10[%get3A_1398] {strides = array<i32>} : memref<12800xi32, #tpu.memory_space<vmem>>, vector<16xi32>,
      %get3A_1400 = vector.shape_cast %get3A_1399 : vector<16xi32> to vector<16xi32>
      %and3A_1401 = arith.andi %get3A_1400, %broadcast_in_dim3A_3 : vector<16xi32>
      %bitcast_convert_type3A_1402 = tpu.bitcast %and3A_1401 : vector<16xi32> -> vector<16xf32>
      %shift_left3A_1403 = arith.constant 16 : i32
      %shift_left3A_1404 = vector.broadcast %shift_left3A_1403 : i32 to vector<16xi32>
      %shift_left3A_1405 = arith.shli %get3A_1400, %shift_left3A_1404 : vector<16xi32>
      %bitcast_convert_type3A_1406 = tpu.bitcast %shift_left3A_1405 : vector<16xi32> -> vector<16xf32>
      %add3A_1407 = arith.addf %scan3A_1343, %bitcast_convert_type3A_1402 : vector<16xf32>
      %add3A_1408 = arith.addf %scan3A_1351, %bitcast_convert_type3A_1406 : vector<16xf32>
      %add3A_1409 = arith.constant 64 : i32
      %add3A_1410 = arith.addi %add3A_1359, %add3A_1409 : i32
      %get3A_1411 = arith.index_cast %add3A_1410 : i32 to index
      %get3A_1412 = tpu.vector_load %arg10[%get3A_1411] {strides = array<i32>} : memref<12800xi32, #tpu.memory_space<vmem>>, vector<16xi32>,
      %get3A_1413 = vector.shape_cast %get3A_1412 : vector<16xi32> to vector<16xi32>
      %and3A_1414 = arith.andi %get3A_1413, %broadcast_in_dim3A_3 : vector<16xi32>
      %bitcast_convert_type3A_1415 = tpu.bitcast %and3A_1414 : vector<16xi32> -> vector<16xf32>
      %shift_left3A_1416 = arith.constant 16 : i32
      %shift_left3A_1417 = vector.broadcast %shift_left3A_1416 : i32 to vector<16xi32>
      %shift_left3A_1418 = arith.shli %get3A_1413, %shift_left3A_1417 : vector<16xi32>
      %bitcast_convert_type3A_1419 = tpu.bitcast %shift_left3A_1418 : vector<16xi32> -> vector<16xf32>
      %add3A_1420 = arith.addf %scan3A_1344, %bitcast_convert_type3A_1415 : vector<16xf32>
      %add3A_1421 = arith.addf %scan3A_1352, %bitcast_convert_type3A_1419 : vector<16xf32>
      %add3A_1422 = arith.constant 80 : i32
      %add3A_1423 = arith.addi %add3A_1359, %add3A_1422 : i32
      %get3A_1424 = arith.index_cast %add3A_1423 : i32 to index
      %get3A_1425 = tpu.vector_load %arg10[%get3A_1424] {strides = array<i32>} : memref<12800xi32, #tpu.memory_space<vmem>>, vector<16xi32>,
      %get3A_1426 = vector.shape_cast %get3A_1425 : vector<16xi32> to vector<16xi32>
      %and3A_1427 = arith.andi %get3A_1426, %broadcast_in_dim3A_3 : vector<16xi32>
      %bitcast_convert_type3A_1428 = tpu.bitcast %and3A_1427 : vector<16xi32> -> vector<16xf32>
      %shift_left3A_1429 = arith.constant 16 : i32
      %shift_left3A_1430 = vector.broadcast %shift_left3A_1429 : i32 to vector<16xi32>
      %shift_left3A_1431 = arith.shli %get3A_1426, %shift_left3A_1430 : vector<16xi32>
      %bitcast_convert_type3A_1432 = tpu.bitcast %shift_left3A_1431 : vector<16xi32> -> vector<16xf32>
      %add3A_1433 = arith.addf %scan3A_1345, %bitcast_convert_type3A_1428 : vector<16xf32>
      %add3A_1434 = arith.addf %scan3A_1353, %bitcast_convert_type3A_1432 : vector<16xf32>
      %add3A_1435 = arith.constant 96 : i32
      %add3A_1436 = arith.addi %add3A_1359, %add3A_1435 : i32
      %get3A_1437 = arith.index_cast %add3A_1436 : i32 to index
      %get3A_1438 = tpu.vector_load %arg10[%get3A_1437] {strides = array<i32>} : memref<12800xi32, #tpu.memory_space<vmem>>, vector<16xi32>,
      %get3A_1439 = vector.shape_cast %get3A_1438 : vector<16xi32> to vector<16xi32>
      %and3A_1440 = arith.andi %get3A_1439, %broadcast_in_dim3A_3 : vector<16xi32>
      %bitcast_convert_type3A_1441 = tpu.bitcast %and3A_1440 : vector<16xi32> -> vector<16xf32>
      %shift_left3A_1442 = arith.constant 16 : i32
      %shift_left3A_1443 = vector.broadcast %shift_left3A_1442 : i32 to vector<16xi32>
      %shift_left3A_1444 = arith.shli %get3A_1439, %shift_left3A_1443 : vector<16xi32>
      %bitcast_convert_type3A_1445 = tpu.bitcast %shift_left3A_1444 : vector<16xi32> -> vector<16xf32>
      %add3A_1446 = arith.addf %scan3A_1346, %bitcast_convert_type3A_1441 : vector<16xf32>
      %add3A_1447 = arith.addf %scan3A_1354, %bitcast_convert_type3A_1445 : vector<16xf32>
      %add3A_1448 = arith.constant 112 : i32
      %add3A_1449 = arith.addi %add3A_1359, %add3A_1448 : i32
      %get3A_1450 = arith.index_cast %add3A_1449 : i32 to index
      %get3A_1451 = tpu.vector_load %arg10[%get3A_1450] {strides = array<i32>} : memref<12800xi32, #tpu.memory_space<vmem>>, vector<16xi32>,
      %get3A_1452 = vector.shape_cast %get3A_1451 : vector<16xi32> to vector<16xi32>
      %and3A_1453 = arith.andi %get3A_1452, %broadcast_in_dim3A_3 : vector<16xi32>
      %bitcast_convert_type3A_1454 = tpu.bitcast %and3A_1453 : vector<16xi32> -> vector<16xf32>
      %shift_left3A_1455 = arith.constant 16 : i32
      %shift_left3A_1456 = vector.broadcast %shift_left3A_1455 : i32 to vector<16xi32>
      %shift_left3A_1457 = arith.shli %get3A_1452, %shift_left3A_1456 : vector<16xi32>
      %bitcast_convert_type3A_1458 = tpu.bitcast %shift_left3A_1457 : vector<16xi32> -> vector<16xf32>
      %add3A_1459 = arith.addf %scan3A_1347, %bitcast_convert_type3A_1454 : vector<16xf32>
      %add3A_1460 = arith.addf %scan3A_1355, %bitcast_convert_type3A_1458 : vector<16xf32>
      scf.yield %add3A_1368, %add3A_1381, %add3A_1394, %add3A_1407, %add3A_1420, %add3A_1433, %add3A_1446, %add3A_1459, %add3A_1369, %add3A_1382, %add3A_1395, %add3A_1408, %add3A_1421, %add3A_1434, %add3A_1447, %add3A_1460 : vector<16xf32>, vector<16xf32>, vector<16xf32>, vector<16xf32>, vector<16xf32>, vector<16xf32>, vector<16xf32>, vector<16xf32>, vector<16xf32>, vector<16xf32>, vector<16xf32>, vector<16xf32>, vector<16xf32>, vector<16xf32>, vector<16xf32>, vector<16xf32>
    }
    %scan3A_702 = arith.constant 100 : i32
    %mul3A_703 = arith.constant 0.00999999977 : f32
    %mul3A_704 = vector.broadcast %mul3A_703 : f32 to vector<16xf32>
    %mul3A_705 = arith.mulf %scan3A_701#0, %mul3A_704 : vector<16xf32>
    %add3A_706 = arith.addf %mul3A_705, %get3A_2 : vector<16xf32>
    %neg3A_707 = arith.constant 0.000000e+00 : f32
    %neg3A_708 = vector.broadcast %neg3A_707 : f32 to vector<16xf32>
    %neg3A_709 = arith.subf %neg3A_708, %add3A_706 : vector<16xf32>
    %exp3A_710 = math.exp %neg3A_709 : vector<16xf32>
    %add3A_711 = arith.constant 1.000000e+00 : f32
    %add3A_712 = vector.broadcast %add3A_711 : f32 to vector<16xf32>
    %add3A_713 = arith.addf %add3A_712, %exp3A_710 : vector<16xf32>
    %div3A_714 = arith.constant 1.000000e+00 : f32
    %div3A_715 = vector.broadcast %div3A_714 : f32 to vector<16xf32>
    %div3A_716 = arith.divf %div3A_715, %add3A_713 : vector<16xf32>
    %neg3A_717 = arith.constant 0.000000e+00 : f32
    %neg3A_718 = vector.broadcast %neg3A_717 : f32 to vector<16xf32>
    %neg3A_719 = arith.subf %neg3A_718, %scan3A_701#8 : vector<16xf32>
    %exp3A_720 = math.exp %neg3A_719 : vector<16xf32>
    %add3A_721 = arith.constant 1.000000e+00 : f32
    %add3A_722 = vector.broadcast %add3A_721 : f32 to vector<16xf32>
    %add3A_723 = arith.addf %add3A_722, %exp3A_720 : vector<16xf32>
    %div3A_724 = arith.constant 1.000000e+00 : f32
    %div3A_725 = vector.broadcast %div3A_724 : f32 to vector<16xf32>
    %div3A_726 = arith.divf %div3A_725, %add3A_723 : vector<16xf32>
    %add3A_727 = arith.constant 2.000000e-01 : f32
    %add3A_728 = vector.broadcast %add3A_727 : f32 to vector<16xf32>
    %add3A_729 = arith.addf %div3A_726, %add3A_728 : vector<16xf32>
    %swap3A_730 = arith.constant 256 : index
    %swap3A_731 = tpu.vector_load %arg13[%swap3A_730] {strides = array<i32>} : memref<512xf32, #tpu.memory_space<vmem>>, vector<16xf32>,
    %swap3A_732 = vector.shape_cast %swap3A_731 : vector<16xf32> to vector<16xf32>
    %swap3A_733 = vector.shape_cast %add3A_706 : vector<16xf32> to vector<16xf32>
    tpu.vector_store %arg13[%swap3A_730], %swap3A_733 {strides = array<i32>} : memref<512xf32, #tpu.memory_space<vmem>>, vector<16xf32>,
    %swap3A_734 = arith.constant 256 : index
    %swap3A_735 = tpu.vector_load %arg12[%swap3A_734] {strides = array<i32>} : memref<512xf32, #tpu.memory_space<vmem>>, vector<16xf32>,
    %swap3A_736 = vector.shape_cast %swap3A_735 : vector<16xf32> to vector<16xf32>
    %swap3A_737 = vector.shape_cast %div3A_716 : vector<16xf32> to vector<16xf32>
    tpu.vector_store %arg12[%swap3A_734], %swap3A_737 {strides = array<i32>} : memref<512xf32, #tpu.memory_space<vmem>>, vector<16xf32>,
    %swap3A_738 = arith.constant 256 : index
    %swap3A_739 = tpu.vector_load %arg14[%swap3A_738] {strides = array<i32>} : memref<512xf32, #tpu.memory_space<vmem>>, vector<16xf32>,
    %swap3A_740 = vector.shape_cast %swap3A_739 : vector<16xf32> to vector<16xf32>
    %swap3A_741 = vector.shape_cast %add3A_729 : vector<16xf32> to vector<16xf32>
    tpu.vector_store %arg14[%swap3A_738], %swap3A_741 {strides = array<i32>} : memref<512xf32, #tpu.memory_space<vmem>>, vector<16xf32>,
    %mul3A_742 = arith.constant 0.00999999977 : f32
    %mul3A_743 = vector.broadcast %mul3A_742 : f32 to vector<16xf32>
    %mul3A_744 = arith.mulf %scan3A_701#1, %mul3A_743 : vector<16xf32>
    %add3A_745 = arith.addf %mul3A_744, %get3A_2 : vector<16xf32>
    %neg3A_746 = arith.constant 0.000000e+00 : f32
    %neg3A_747 = vector.broadcast %neg3A_746 : f32 to vector<16xf32>
    %neg3A_748 = arith.subf %neg3A_747, %add3A_745 : vector<16xf32>
    %exp3A_749 = math.exp %neg3A_748 : vector<16xf32>
    %add3A_750 = arith.constant 1.000000e+00 : f32
    %add3A_751 = vector.broadcast %add3A_750 : f32 to vector<16xf32>
    %add3A_752 = arith.addf %add3A_751, %exp3A_749 : vector<16xf32>
    %div3A_753 = arith.constant 1.000000e+00 : f32
    %div3A_754 = vector.broadcast %div3A_753 : f32 to vector<16xf32>
    %div3A_755 = arith.divf %div3A_754, %add3A_752 : vector<16xf32>
    %neg3A_756 = arith.constant 0.000000e+00 : f32
    %neg3A_757 = vector.broadcast %neg3A_756 : f32 to vector<16xf32>
    %neg3A_758 = arith.subf %neg3A_757, %scan3A_701#9 : vector<16xf32>
    %exp3A_759 = math.exp %neg3A_758 : vector<16xf32>
    %add3A_760 = arith.constant 1.000000e+00 : f32
    %add3A_761 = vector.broadcast %add3A_760 : f32 to vector<16xf32>
    %add3A_762 = arith.addf %add3A_761, %exp3A_759 : vector<16xf32>
    %div3A_763 = arith.constant 1.000000e+00 : f32
    %div3A_764 = vector.broadcast %div3A_763 : f32 to vector<16xf32>
    %div3A_765 = arith.divf %div3A_764, %add3A_762 : vector<16xf32>
    %add3A_766 = arith.constant 2.000000e-01 : f32
    %add3A_767 = vector.broadcast %add3A_766 : f32 to vector<16xf32>
    %add3A_768 = arith.addf %div3A_765, %add3A_767 : vector<16xf32>
    %swap3A_769 = arith.constant 272 : index
    %swap3A_770 = tpu.vector_load %arg13[%swap3A_769] {strides = array<i32>} : memref<512xf32, #tpu.memory_space<vmem>>, vector<16xf32>,
    %swap3A_771 = vector.shape_cast %swap3A_770 : vector<16xf32> to vector<16xf32>
    %swap3A_772 = vector.shape_cast %add3A_745 : vector<16xf32> to vector<16xf32>
    tpu.vector_store %arg13[%swap3A_769], %swap3A_772 {strides = array<i32>} : memref<512xf32, #tpu.memory_space<vmem>>, vector<16xf32>,
    %swap3A_773 = arith.constant 272 : index
    %swap3A_774 = tpu.vector_load %arg12[%swap3A_773] {strides = array<i32>} : memref<512xf32, #tpu.memory_space<vmem>>, vector<16xf32>,
    %swap3A_775 = vector.shape_cast %swap3A_774 : vector<16xf32> to vector<16xf32>
    %swap3A_776 = vector.shape_cast %div3A_755 : vector<16xf32> to vector<16xf32>
    tpu.vector_store %arg12[%swap3A_773], %swap3A_776 {strides = array<i32>} : memref<512xf32, #tpu.memory_space<vmem>>, vector<16xf32>,
    %swap3A_777 = arith.constant 272 : index
    %swap3A_778 = tpu.vector_load %arg14[%swap3A_777] {strides = array<i32>} : memref<512xf32, #tpu.memory_space<vmem>>, vector<16xf32>,
    %swap3A_779 = vector.shape_cast %swap3A_778 : vector<16xf32> to vector<16xf32>
    %swap3A_780 = vector.shape_cast %add3A_768 : vector<16xf32> to vector<16xf32>
    tpu.vector_store %arg14[%swap3A_777], %swap3A_780 {strides = array<i32>} : memref<512xf32, #tpu.memory_space<vmem>>, vector<16xf32>,
    %mul3A_781 = arith.constant 0.00999999977 : f32
    %mul3A_782 = vector.broadcast %mul3A_781 : f32 to vector<16xf32>
    %mul3A_783 = arith.mulf %scan3A_701#2, %mul3A_782 : vector<16xf32>
    %add3A_784 = arith.addf %mul3A_783, %get3A_2 : vector<16xf32>
    %neg3A_785 = arith.constant 0.000000e+00 : f32
    %neg3A_786 = vector.broadcast %neg3A_785 : f32 to vector<16xf32>
    %neg3A_787 = arith.subf %neg3A_786, %add3A_784 : vector<16xf32>
    %exp3A_788 = math.exp %neg3A_787 : vector<16xf32>
    %add3A_789 = arith.constant 1.000000e+00 : f32
    %add3A_790 = vector.broadcast %add3A_789 : f32 to vector<16xf32>
    %add3A_791 = arith.addf %add3A_790, %exp3A_788 : vector<16xf32>
    %div3A_792 = arith.constant 1.000000e+00 : f32
    %div3A_793 = vector.broadcast %div3A_792 : f32 to vector<16xf32>
    %div3A_794 = arith.divf %div3A_793, %add3A_791 : vector<16xf32>
    %neg3A_795 = arith.constant 0.000000e+00 : f32
    %neg3A_796 = vector.broadcast %neg3A_795 : f32 to vector<16xf32>
    %neg3A_797 = arith.subf %neg3A_796, %scan3A_701#10 : vector<16xf32>
    %exp3A_798 = math.exp %neg3A_797 : vector<16xf32>
    %add3A_799 = arith.constant 1.000000e+00 : f32
    %add3A_800 = vector.broadcast %add3A_799 : f32 to vector<16xf32>
    %add3A_801 = arith.addf %add3A_800, %exp3A_798 : vector<16xf32>
    %div3A_802 = arith.constant 1.000000e+00 : f32
    %div3A_803 = vector.broadcast %div3A_802 : f32 to vector<16xf32>
    %div3A_804 = arith.divf %div3A_803, %add3A_801 : vector<16xf32>
    %add3A_805 = arith.constant 2.000000e-01 : f32
    %add3A_806 = vector.broadcast %add3A_805 : f32 to vector<16xf32>
    %add3A_807 = arith.addf %div3A_804, %add3A_806 : vector<16xf32>
    %swap3A_808 = arith.constant 288 : index
    %swap3A_809 = tpu.vector_load %arg13[%swap3A_808] {strides = array<i32>} : memref<512xf32, #tpu.memory_space<vmem>>, vector<16xf32>,
    %swap3A_810 = vector.shape_cast %swap3A_809 : vector<16xf32> to vector<16xf32>
    %swap3A_811 = vector.shape_cast %add3A_784 : vector<16xf32> to vector<16xf32>
    tpu.vector_store %arg13[%swap3A_808], %swap3A_811 {strides = array<i32>} : memref<512xf32, #tpu.memory_space<vmem>>, vector<16xf32>,
    %swap3A_812 = arith.constant 288 : index
    %swap3A_813 = tpu.vector_load %arg12[%swap3A_812] {strides = array<i32>} : memref<512xf32, #tpu.memory_space<vmem>>, vector<16xf32>,
    %swap3A_814 = vector.shape_cast %swap3A_813 : vector<16xf32> to vector<16xf32>
    %swap3A_815 = vector.shape_cast %div3A_794 : vector<16xf32> to vector<16xf32>
    tpu.vector_store %arg12[%swap3A_812], %swap3A_815 {strides = array<i32>} : memref<512xf32, #tpu.memory_space<vmem>>, vector<16xf32>,
    %swap3A_816 = arith.constant 288 : index
    %swap3A_817 = tpu.vector_load %arg14[%swap3A_816] {strides = array<i32>} : memref<512xf32, #tpu.memory_space<vmem>>, vector<16xf32>,
    %swap3A_818 = vector.shape_cast %swap3A_817 : vector<16xf32> to vector<16xf32>
    %swap3A_819 = vector.shape_cast %add3A_807 : vector<16xf32> to vector<16xf32>
    tpu.vector_store %arg14[%swap3A_816], %swap3A_819 {strides = array<i32>} : memref<512xf32, #tpu.memory_space<vmem>>, vector<16xf32>,
    %mul3A_820 = arith.constant 0.00999999977 : f32
    %mul3A_821 = vector.broadcast %mul3A_820 : f32 to vector<16xf32>
    %mul3A_822 = arith.mulf %scan3A_701#3, %mul3A_821 : vector<16xf32>
    %add3A_823 = arith.addf %mul3A_822, %get3A_2 : vector<16xf32>
    %neg3A_824 = arith.constant 0.000000e+00 : f32
    %neg3A_825 = vector.broadcast %neg3A_824 : f32 to vector<16xf32>
    %neg3A_826 = arith.subf %neg3A_825, %add3A_823 : vector<16xf32>
    %exp3A_827 = math.exp %neg3A_826 : vector<16xf32>
    %add3A_828 = arith.constant 1.000000e+00 : f32
    %add3A_829 = vector.broadcast %add3A_828 : f32 to vector<16xf32>
    %add3A_830 = arith.addf %add3A_829, %exp3A_827 : vector<16xf32>
    %div3A_831 = arith.constant 1.000000e+00 : f32
    %div3A_832 = vector.broadcast %div3A_831 : f32 to vector<16xf32>
    %div3A_833 = arith.divf %div3A_832, %add3A_830 : vector<16xf32>
    %neg3A_834 = arith.constant 0.000000e+00 : f32
    %neg3A_835 = vector.broadcast %neg3A_834 : f32 to vector<16xf32>
    %neg3A_836 = arith.subf %neg3A_835, %scan3A_701#11 : vector<16xf32>
    %exp3A_837 = math.exp %neg3A_836 : vector<16xf32>
    %add3A_838 = arith.constant 1.000000e+00 : f32
    %add3A_839 = vector.broadcast %add3A_838 : f32 to vector<16xf32>
    %add3A_840 = arith.addf %add3A_839, %exp3A_837 : vector<16xf32>
    %div3A_841 = arith.constant 1.000000e+00 : f32
    %div3A_842 = vector.broadcast %div3A_841 : f32 to vector<16xf32>
    %div3A_843 = arith.divf %div3A_842, %add3A_840 : vector<16xf32>
    %add3A_844 = arith.constant 2.000000e-01 : f32
    %add3A_845 = vector.broadcast %add3A_844 : f32 to vector<16xf32>
    %add3A_846 = arith.addf %div3A_843, %add3A_845 : vector<16xf32>
    %swap3A_847 = arith.constant 304 : index
    %swap3A_848 = tpu.vector_load %arg13[%swap3A_847] {strides = array<i32>} : memref<512xf32, #tpu.memory_space<vmem>>, vector<16xf32>,
    %swap3A_849 = vector.shape_cast %swap3A_848 : vector<16xf32> to vector<16xf32>
    %swap3A_850 = vector.shape_cast %add3A_823 : vector<16xf32> to vector<16xf32>
    tpu.vector_store %arg13[%swap3A_847], %swap3A_850 {strides = array<i32>} : memref<512xf32, #tpu.memory_space<vmem>>, vector<16xf32>,
    %swap3A_851 = arith.constant 304 : index
    %swap3A_852 = tpu.vector_load %arg12[%swap3A_851] {strides = array<i32>} : memref<512xf32, #tpu.memory_space<vmem>>, vector<16xf32>,
    %swap3A_853 = vector.shape_cast %swap3A_852 : vector<16xf32> to vector<16xf32>
    %swap3A_854 = vector.shape_cast %div3A_833 : vector<16xf32> to vector<16xf32>
    tpu.vector_store %arg12[%swap3A_851], %swap3A_854 {strides = array<i32>} : memref<512xf32, #tpu.memory_space<vmem>>, vector<16xf32>,
    %swap3A_855 = arith.constant 304 : index
    %swap3A_856 = tpu.vector_load %arg14[%swap3A_855] {strides = array<i32>} : memref<512xf32, #tpu.memory_space<vmem>>, vector<16xf32>,
    %swap3A_857 = vector.shape_cast %swap3A_856 : vector<16xf32> to vector<16xf32>
    %swap3A_858 = vector.shape_cast %add3A_846 : vector<16xf32> to vector<16xf32>
    tpu.vector_store %arg14[%swap3A_855], %swap3A_858 {strides = array<i32>} : memref<512xf32, #tpu.memory_space<vmem>>, vector<16xf32>,
    %mul3A_859 = arith.constant 0.00999999977 : f32
    %mul3A_860 = vector.broadcast %mul3A_859 : f32 to vector<16xf32>
    %mul3A_861 = arith.mulf %scan3A_701#4, %mul3A_860 : vector<16xf32>
    %add3A_862 = arith.addf %mul3A_861, %get3A_2 : vector<16xf32>
    %neg3A_863 = arith.constant 0.000000e+00 : f32
    %neg3A_864 = vector.broadcast %neg3A_863 : f32 to vector<16xf32>
    %neg3A_865 = arith.subf %neg3A_864, %add3A_862 : vector<16xf32>
    %exp3A_866 = math.exp %neg3A_865 : vector<16xf32>
    %add3A_867 = arith.constant 1.000000e+00 : f32
    %add3A_868 = vector.broadcast %add3A_867 : f32 to vector<16xf32>
    %add3A_869 = arith.addf %add3A_868, %exp3A_866 : vector<16xf32>
    %div3A_870 = arith.constant 1.000000e+00 : f32
    %div3A_871 = vector.broadcast %div3A_870 : f32 to vector<16xf32>
    %div3A_872 = arith.divf %div3A_871, %add3A_869 : vector<16xf32>
    %neg3A_873 = arith.constant 0.000000e+00 : f32
    %neg3A_874 = vector.broadcast %neg3A_873 : f32 to vector<16xf32>
    %neg3A_875 = arith.subf %neg3A_874, %scan3A_701#12 : vector<16xf32>
    %exp3A_876 = math.exp %neg3A_875 : vector<16xf32>
    %add3A_877 = arith.constant 1.000000e+00 : f32
    %add3A_878 = vector.broadcast %add3A_877 : f32 to vector<16xf32>
    %add3A_879 = arith.addf %add3A_878, %exp3A_876 : vector<16xf32>
    %div3A_880 = arith.constant 1.000000e+00 : f32
    %div3A_881 = vector.broadcast %div3A_880 : f32 to vector<16xf32>
    %div3A_882 = arith.divf %div3A_881, %add3A_879 : vector<16xf32>
    %add3A_883 = arith.constant 2.000000e-01 : f32
    %add3A_884 = vector.broadcast %add3A_883 : f32 to vector<16xf32>
    %add3A_885 = arith.addf %div3A_882, %add3A_884 : vector<16xf32>
    %swap3A_886 = arith.constant 320 : index
    %swap3A_887 = tpu.vector_load %arg13[%swap3A_886] {strides = array<i32>} : memref<512xf32, #tpu.memory_space<vmem>>, vector<16xf32>,
    %swap3A_888 = vector.shape_cast %swap3A_887 : vector<16xf32> to vector<16xf32>
    %swap3A_889 = vector.shape_cast %add3A_862 : vector<16xf32> to vector<16xf32>
    tpu.vector_store %arg13[%swap3A_886], %swap3A_889 {strides = array<i32>} : memref<512xf32, #tpu.memory_space<vmem>>, vector<16xf32>,
    %swap3A_890 = arith.constant 320 : index
    %swap3A_891 = tpu.vector_load %arg12[%swap3A_890] {strides = array<i32>} : memref<512xf32, #tpu.memory_space<vmem>>, vector<16xf32>,
    %swap3A_892 = vector.shape_cast %swap3A_891 : vector<16xf32> to vector<16xf32>
    %swap3A_893 = vector.shape_cast %div3A_872 : vector<16xf32> to vector<16xf32>
    tpu.vector_store %arg12[%swap3A_890], %swap3A_893 {strides = array<i32>} : memref<512xf32, #tpu.memory_space<vmem>>, vector<16xf32>,
    %swap3A_894 = arith.constant 320 : index
    %swap3A_895 = tpu.vector_load %arg14[%swap3A_894] {strides = array<i32>} : memref<512xf32, #tpu.memory_space<vmem>>, vector<16xf32>,
    %swap3A_896 = vector.shape_cast %swap3A_895 : vector<16xf32> to vector<16xf32>
    %swap3A_897 = vector.shape_cast %add3A_885 : vector<16xf32> to vector<16xf32>
    tpu.vector_store %arg14[%swap3A_894], %swap3A_897 {strides = array<i32>} : memref<512xf32, #tpu.memory_space<vmem>>, vector<16xf32>,
    %mul3A_898 = arith.constant 0.00999999977 : f32
    %mul3A_899 = vector.broadcast %mul3A_898 : f32 to vector<16xf32>
    %mul3A_900 = arith.mulf %scan3A_701#5, %mul3A_899 : vector<16xf32>
    %add3A_901 = arith.addf %mul3A_900, %get3A_2 : vector<16xf32>
    %neg3A_902 = arith.constant 0.000000e+00 : f32
    %neg3A_903 = vector.broadcast %neg3A_902 : f32 to vector<16xf32>
    %neg3A_904 = arith.subf %neg3A_903, %add3A_901 : vector<16xf32>
    %exp3A_905 = math.exp %neg3A_904 : vector<16xf32>
    %add3A_906 = arith.constant 1.000000e+00 : f32
    %add3A_907 = vector.broadcast %add3A_906 : f32 to vector<16xf32>
    %add3A_908 = arith.addf %add3A_907, %exp3A_905 : vector<16xf32>
    %div3A_909 = arith.constant 1.000000e+00 : f32
    %div3A_910 = vector.broadcast %div3A_909 : f32 to vector<16xf32>
    %div3A_911 = arith.divf %div3A_910, %add3A_908 : vector<16xf32>
    %neg3A_912 = arith.constant 0.000000e+00 : f32
    %neg3A_913 = vector.broadcast %neg3A_912 : f32 to vector<16xf32>
    %neg3A_914 = arith.subf %neg3A_913, %scan3A_701#13 : vector<16xf32>
    %exp3A_915 = math.exp %neg3A_914 : vector<16xf32>
    %add3A_916 = arith.constant 1.000000e+00 : f32
    %add3A_917 = vector.broadcast %add3A_916 : f32 to vector<16xf32>
    %add3A_918 = arith.addf %add3A_917, %exp3A_915 : vector<16xf32>
    %div3A_919 = arith.constant 1.000000e+00 : f32
    %div3A_920 = vector.broadcast %div3A_919 : f32 to vector<16xf32>
    %div3A_921 = arith.divf %div3A_920, %add3A_918 : vector<16xf32>
    %add3A_922 = arith.constant 2.000000e-01 : f32
    %add3A_923 = vector.broadcast %add3A_922 : f32 to vector<16xf32>
    %add3A_924 = arith.addf %div3A_921, %add3A_923 : vector<16xf32>
    %swap3A_925 = arith.constant 336 : index
    %swap3A_926 = tpu.vector_load %arg13[%swap3A_925] {strides = array<i32>} : memref<512xf32, #tpu.memory_space<vmem>>, vector<16xf32>,
    %swap3A_927 = vector.shape_cast %swap3A_926 : vector<16xf32> to vector<16xf32>
    %swap3A_928 = vector.shape_cast %add3A_901 : vector<16xf32> to vector<16xf32>
    tpu.vector_store %arg13[%swap3A_925], %swap3A_928 {strides = array<i32>} : memref<512xf32, #tpu.memory_space<vmem>>, vector<16xf32>,
    %swap3A_929 = arith.constant 336 : index
    %swap3A_930 = tpu.vector_load %arg12[%swap3A_929] {strides = array<i32>} : memref<512xf32, #tpu.memory_space<vmem>>, vector<16xf32>,
    %swap3A_931 = vector.shape_cast %swap3A_930 : vector<16xf32> to vector<16xf32>
    %swap3A_932 = vector.shape_cast %div3A_911 : vector<16xf32> to vector<16xf32>
    tpu.vector_store %arg12[%swap3A_929], %swap3A_932 {strides = array<i32>} : memref<512xf32, #tpu.memory_space<vmem>>, vector<16xf32>,
    %swap3A_933 = arith.constant 336 : index
    %swap3A_934 = tpu.vector_load %arg14[%swap3A_933] {strides = array<i32>} : memref<512xf32, #tpu.memory_space<vmem>>, vector<16xf32>,
    %swap3A_935 = vector.shape_cast %swap3A_934 : vector<16xf32> to vector<16xf32>
    %swap3A_936 = vector.shape_cast %add3A_924 : vector<16xf32> to vector<16xf32>
    tpu.vector_store %arg14[%swap3A_933], %swap3A_936 {strides = array<i32>} : memref<512xf32, #tpu.memory_space<vmem>>, vector<16xf32>,
    %mul3A_937 = arith.constant 0.00999999977 : f32
    %mul3A_938 = vector.broadcast %mul3A_937 : f32 to vector<16xf32>
    %mul3A_939 = arith.mulf %scan3A_701#6, %mul3A_938 : vector<16xf32>
    %add3A_940 = arith.addf %mul3A_939, %get3A_2 : vector<16xf32>
    %neg3A_941 = arith.constant 0.000000e+00 : f32
    %neg3A_942 = vector.broadcast %neg3A_941 : f32 to vector<16xf32>
    %neg3A_943 = arith.subf %neg3A_942, %add3A_940 : vector<16xf32>
    %exp3A_944 = math.exp %neg3A_943 : vector<16xf32>
    %add3A_945 = arith.constant 1.000000e+00 : f32
    %add3A_946 = vector.broadcast %add3A_945 : f32 to vector<16xf32>
    %add3A_947 = arith.addf %add3A_946, %exp3A_944 : vector<16xf32>
    %div3A_948 = arith.constant 1.000000e+00 : f32
    %div3A_949 = vector.broadcast %div3A_948 : f32 to vector<16xf32>
    %div3A_950 = arith.divf %div3A_949, %add3A_947 : vector<16xf32>
    %neg3A_951 = arith.constant 0.000000e+00 : f32
    %neg3A_952 = vector.broadcast %neg3A_951 : f32 to vector<16xf32>
    %neg3A_953 = arith.subf %neg3A_952, %scan3A_701#14 : vector<16xf32>
    %exp3A_954 = math.exp %neg3A_953 : vector<16xf32>
    %add3A_955 = arith.constant 1.000000e+00 : f32
    %add3A_956 = vector.broadcast %add3A_955 : f32 to vector<16xf32>
    %add3A_957 = arith.addf %add3A_956, %exp3A_954 : vector<16xf32>
    %div3A_958 = arith.constant 1.000000e+00 : f32
    %div3A_959 = vector.broadcast %div3A_958 : f32 to vector<16xf32>
    %div3A_960 = arith.divf %div3A_959, %add3A_957 : vector<16xf32>
    %add3A_961 = arith.constant 2.000000e-01 : f32
    %add3A_962 = vector.broadcast %add3A_961 : f32 to vector<16xf32>
    %add3A_963 = arith.addf %div3A_960, %add3A_962 : vector<16xf32>
    %swap3A_964 = arith.constant 352 : index
    %swap3A_965 = tpu.vector_load %arg13[%swap3A_964] {strides = array<i32>} : memref<512xf32, #tpu.memory_space<vmem>>, vector<16xf32>,
    %swap3A_966 = vector.shape_cast %swap3A_965 : vector<16xf32> to vector<16xf32>
    %swap3A_967 = vector.shape_cast %add3A_940 : vector<16xf32> to vector<16xf32>
    tpu.vector_store %arg13[%swap3A_964], %swap3A_967 {strides = array<i32>} : memref<512xf32, #tpu.memory_space<vmem>>, vector<16xf32>,
    %swap3A_968 = arith.constant 352 : index
    %swap3A_969 = tpu.vector_load %arg12[%swap3A_968] {strides = array<i32>} : memref<512xf32, #tpu.memory_space<vmem>>, vector<16xf32>,
    %swap3A_970 = vector.shape_cast %swap3A_969 : vector<16xf32> to vector<16xf32>
    %swap3A_971 = vector.shape_cast %div3A_950 : vector<16xf32> to vector<16xf32>
    tpu.vector_store %arg12[%swap3A_968], %swap3A_971 {strides = array<i32>} : memref<512xf32, #tpu.memory_space<vmem>>, vector<16xf32>,
    %swap3A_972 = arith.constant 352 : index
    %swap3A_973 = tpu.vector_load %arg14[%swap3A_972] {strides = array<i32>} : memref<512xf32, #tpu.memory_space<vmem>>, vector<16xf32>,
    %swap3A_974 = vector.shape_cast %swap3A_973 : vector<16xf32> to vector<16xf32>
    %swap3A_975 = vector.shape_cast %add3A_963 : vector<16xf32> to vector<16xf32>
    tpu.vector_store %arg14[%swap3A_972], %swap3A_975 {strides = array<i32>} : memref<512xf32, #tpu.memory_space<vmem>>, vector<16xf32>,
    %mul3A_976 = arith.constant 0.00999999977 : f32
    %mul3A_977 = vector.broadcast %mul3A_976 : f32 to vector<16xf32>
    %mul3A_978 = arith.mulf %scan3A_701#7, %mul3A_977 : vector<16xf32>
    %add3A_979 = arith.addf %mul3A_978, %get3A_2 : vector<16xf32>
    %neg3A_980 = arith.constant 0.000000e+00 : f32
    %neg3A_981 = vector.broadcast %neg3A_980 : f32 to vector<16xf32>
    %neg3A_982 = arith.subf %neg3A_981, %add3A_979 : vector<16xf32>
    %exp3A_983 = math.exp %neg3A_982 : vector<16xf32>
    %add3A_984 = arith.constant 1.000000e+00 : f32
    %add3A_985 = vector.broadcast %add3A_984 : f32 to vector<16xf32>
    %add3A_986 = arith.addf %add3A_985, %exp3A_983 : vector<16xf32>
    %div3A_987 = arith.constant 1.000000e+00 : f32
    %div3A_988 = vector.broadcast %div3A_987 : f32 to vector<16xf32>
    %div3A_989 = arith.divf %div3A_988, %add3A_986 : vector<16xf32>
    %neg3A_990 = arith.constant 0.000000e+00 : f32
    %neg3A_991 = vector.broadcast %neg3A_990 : f32 to vector<16xf32>
    %neg3A_992 = arith.subf %neg3A_991, %scan3A_701#15 : vector<16xf32>
    %exp3A_993 = math.exp %neg3A_992 : vector<16xf32>
    %add3A_994 = arith.constant 1.000000e+00 : f32
    %add3A_995 = vector.broadcast %add3A_994 : f32 to vector<16xf32>
    %add3A_996 = arith.addf %add3A_995, %exp3A_993 : vector<16xf32>
    %div3A_997 = arith.constant 1.000000e+00 : f32
    %div3A_998 = vector.broadcast %div3A_997 : f32 to vector<16xf32>
    %div3A_999 = arith.divf %div3A_998, %add3A_996 : vector<16xf32>
    %add3A_1000 = arith.constant 2.000000e-01 : f32
    %add3A_1001 = vector.broadcast %add3A_1000 : f32 to vector<16xf32>
    %add3A_1002 = arith.addf %div3A_999, %add3A_1001 : vector<16xf32>
    %swap3A_1003 = arith.constant 368 : index
    %swap3A_1004 = tpu.vector_load %arg13[%swap3A_1003] {strides = array<i32>} : memref<512xf32, #tpu.memory_space<vmem>>, vector<16xf32>,
    %swap3A_1005 = vector.shape_cast %swap3A_1004 : vector<16xf32> to vector<16xf32>
    %swap3A_1006 = vector.shape_cast %add3A_979 : vector<16xf32> to vector<16xf32>
    tpu.vector_store %arg13[%swap3A_1003], %swap3A_1006 {strides = array<i32>} : memref<512xf32, #tpu.memory_space<vmem>>, vector<16xf32>,
    %swap3A_1007 = arith.constant 368 : index
    %swap3A_1008 = tpu.vector_load %arg12[%swap3A_1007] {strides = array<i32>} : memref<512xf32, #tpu.memory_space<vmem>>, vector<16xf32>,
    %swap3A_1009 = vector.shape_cast %swap3A_1008 : vector<16xf32> to vector<16xf32>
    %swap3A_1010 = vector.shape_cast %div3A_989 : vector<16xf32> to vector<16xf32>
    tpu.vector_store %arg12[%swap3A_1007], %swap3A_1010 {strides = array<i32>} : memref<512xf32, #tpu.memory_space<vmem>>, vector<16xf32>,
    %swap3A_1011 = arith.constant 368 : index
    %swap3A_1012 = tpu.vector_load %arg14[%swap3A_1011] {strides = array<i32>} : memref<512xf32, #tpu.memory_space<vmem>>, vector<16xf32>,
    %swap3A_1013 = vector.shape_cast %swap3A_1012 : vector<16xf32> to vector<16xf32>
    %swap3A_1014 = vector.shape_cast %add3A_1002 : vector<16xf32> to vector<16xf32>
    tpu.vector_store %arg14[%swap3A_1011], %swap3A_1014 {strides = array<i32>} : memref<512xf32, #tpu.memory_space<vmem>>, vector<16xf32>,
    %dma_wait3A_1015 = arith.constant 0 : i32
    %dma_wait3A_1016 = tpu.memref_slice %arg3[%dma_wait3A_1015] : memref<1000000xi32, #tpu.memory_space<hbm>> -> memref<1000000xi32, #tpu.memory_space<hbm>>
    tpu.wait_indirect_dma semaphore(%arg19 : memref<!tpu.dma_semaphore, #tpu.memory_space<semaphore_mem>>) src(%dma_wait3A_1016 : memref<1000000xi32, #tpu.memory_space<hbm>>) dst(%arg11 : memref<12800xi32, #tpu.memory_space<vmem>>)
    %broadcast_in_dim3A_1017 = arith.constant 0.000000e+00 : f32
    %broadcast_in_dim3A_1018 = vector.broadcast %broadcast_in_dim3A_1017 : f32 to vector<16xf32>
    %scan3A_1019 = arith.constant 0 : i32
    %scan3A_1020 = arith.constant 100 : i32
    %scan3A_1021 = arith.addi %scan3A_1019, %scan3A_1020 : i32
    %scan3A_1022 = arith.constant 1 : i32
    %scan3A_1023:16 = scf.for %scan3A_1339 = %scan3A_1019 to %scan3A_1021 step %scan3A_1022 iter_args(%scan3A_1340 = %broadcast_in_dim3A_1018, %scan3A_1341 = %broadcast_in_dim3A_1018, %scan3A_1342 = %broadcast_in_dim3A_1018, %scan3A_1343 = %broadcast_in_dim3A_1018, %scan3A_1344 = %broadcast_in_dim3A_1018, %scan3A_1345 = %broadcast_in_dim3A_1018, %scan3A_1346 = %broadcast_in_dim3A_1018, %scan3A_1347 = %broadcast_in_dim3A_1018, %scan3A_1348 = %broadcast_in_dim3A_1018, %scan3A_1349 = %broadcast_in_dim3A_1018, %scan3A_1350 = %broadcast_in_dim3A_1018, %scan3A_1351 = %broadcast_in_dim3A_1018, %scan3A_1352 = %broadcast_in_dim3A_1018, %scan3A_1353 = %broadcast_in_dim3A_1018, %scan3A_1354 = %broadcast_in_dim3A_1018, %scan3A_1355 = %broadcast_in_dim3A_1018) -> (vector<16xf32>, vector<16xf32>, vector<16xf32>, vector<16xf32>, vector<16xf32>, vector<16xf32>, vector<16xf32>, vector<16xf32>, vector<16xf32>, vector<16xf32>, vector<16xf32>, vector<16xf32>, vector<16xf32>, vector<16xf32>, vector<16xf32>, vector<16xf32>)  : i32 {
      %mul3A_1356 = arith.constant 128 : i32
      %mul3A_1357 = arith.muli %scan3A_1339, %mul3A_1356 : i32
      %add3A_1358 = arith.constant 0 : i32
      %add3A_1359 = arith.addi %mul3A_1357, %add3A_1358 : i32
      %add3A_1360 = arith.constant 0 : i32
      %add3A_1361 = arith.addi %add3A_1359, %add3A_1360 : i32
      %get3A_1362 = arith.index_cast %add3A_1361 : i32 to index
      %get3A_1363 = tpu.vector_load %arg11[%get3A_1362] {strides = array<i32>} : memref<12800xi32, #tpu.memory_space<vmem>>, vector<16xi32>,
      %get3A_1364 = vector.shape_cast %get3A_1363 : vector<16xi32> to vector<16xi32>
      %and3A = arith.andi %get3A_1364, %broadcast_in_dim3A_3 : vector<16xi32>
      %bitcast_convert_type3A = tpu.bitcast %and3A : vector<16xi32> -> vector<16xf32>
      %shift_left3A = arith.constant 16 : i32
      %shift_left3A_1365 = vector.broadcast %shift_left3A : i32 to vector<16xi32>
      %shift_left3A_1366 = arith.shli %get3A_1364, %shift_left3A_1365 : vector<16xi32>
      %bitcast_convert_type3A_1367 = tpu.bitcast %shift_left3A_1366 : vector<16xi32> -> vector<16xf32>
      %add3A_1368 = arith.addf %scan3A_1340, %bitcast_convert_type3A : vector<16xf32>
      %add3A_1369 = arith.addf %scan3A_1348, %bitcast_convert_type3A_1367 : vector<16xf32>
      %add3A_1370 = arith.constant 16 : i32
      %add3A_1371 = arith.addi %add3A_1359, %add3A_1370 : i32
      %get3A_1372 = arith.index_cast %add3A_1371 : i32 to index
      %get3A_1373 = tpu.vector_load %arg11[%get3A_1372] {strides = array<i32>} : memref<12800xi32, #tpu.memory_space<vmem>>, vector<16xi32>,
      %get3A_1374 = vector.shape_cast %get3A_1373 : vector<16xi32> to vector<16xi32>
      %and3A_1375 = arith.andi %get3A_1374, %broadcast_in_dim3A_3 : vector<16xi32>
      %bitcast_convert_type3A_1376 = tpu.bitcast %and3A_1375 : vector<16xi32> -> vector<16xf32>
      %shift_left3A_1377 = arith.constant 16 : i32
      %shift_left3A_1378 = vector.broadcast %shift_left3A_1377 : i32 to vector<16xi32>
      %shift_left3A_1379 = arith.shli %get3A_1374, %shift_left3A_1378 : vector<16xi32>
      %bitcast_convert_type3A_1380 = tpu.bitcast %shift_left3A_1379 : vector<16xi32> -> vector<16xf32>
      %add3A_1381 = arith.addf %scan3A_1341, %bitcast_convert_type3A_1376 : vector<16xf32>
      %add3A_1382 = arith.addf %scan3A_1349, %bitcast_convert_type3A_1380 : vector<16xf32>
      %add3A_1383 = arith.constant 32 : i32
      %add3A_1384 = arith.addi %add3A_1359, %add3A_1383 : i32
      %get3A_1385 = arith.index_cast %add3A_1384 : i32 to index
      %get3A_1386 = tpu.vector_load %arg11[%get3A_1385] {strides = array<i32>} : memref<12800xi32, #tpu.memory_space<vmem>>, vector<16xi32>,
      %get3A_1387 = vector.shape_cast %get3A_1386 : vector<16xi32> to vector<16xi32>
      %and3A_1388 = arith.andi %get3A_1387, %broadcast_in_dim3A_3 : vector<16xi32>
      %bitcast_convert_type3A_1389 = tpu.bitcast %and3A_1388 : vector<16xi32> -> vector<16xf32>
      %shift_left3A_1390 = arith.constant 16 : i32
      %shift_left3A_1391 = vector.broadcast %shift_left3A_1390 : i32 to vector<16xi32>
      %shift_left3A_1392 = arith.shli %get3A_1387, %shift_left3A_1391 : vector<16xi32>
      %bitcast_convert_type3A_1393 = tpu.bitcast %shift_left3A_1392 : vector<16xi32> -> vector<16xf32>
      %add3A_1394 = arith.addf %scan3A_1342, %bitcast_convert_type3A_1389 : vector<16xf32>
      %add3A_1395 = arith.addf %scan3A_1350, %bitcast_convert_type3A_1393 : vector<16xf32>
      %add3A_1396 = arith.constant 48 : i32
      %add3A_1397 = arith.addi %add3A_1359, %add3A_1396 : i32
      %get3A_1398 = arith.index_cast %add3A_1397 : i32 to index
      %get3A_1399 = tpu.vector_load %arg11[%get3A_1398] {strides = array<i32>} : memref<12800xi32, #tpu.memory_space<vmem>>, vector<16xi32>,
      %get3A_1400 = vector.shape_cast %get3A_1399 : vector<16xi32> to vector<16xi32>
      %and3A_1401 = arith.andi %get3A_1400, %broadcast_in_dim3A_3 : vector<16xi32>
      %bitcast_convert_type3A_1402 = tpu.bitcast %and3A_1401 : vector<16xi32> -> vector<16xf32>
      %shift_left3A_1403 = arith.constant 16 : i32
      %shift_left3A_1404 = vector.broadcast %shift_left3A_1403 : i32 to vector<16xi32>
      %shift_left3A_1405 = arith.shli %get3A_1400, %shift_left3A_1404 : vector<16xi32>
      %bitcast_convert_type3A_1406 = tpu.bitcast %shift_left3A_1405 : vector<16xi32> -> vector<16xf32>
      %add3A_1407 = arith.addf %scan3A_1343, %bitcast_convert_type3A_1402 : vector<16xf32>
      %add3A_1408 = arith.addf %scan3A_1351, %bitcast_convert_type3A_1406 : vector<16xf32>
      %add3A_1409 = arith.constant 64 : i32
      %add3A_1410 = arith.addi %add3A_1359, %add3A_1409 : i32
      %get3A_1411 = arith.index_cast %add3A_1410 : i32 to index
      %get3A_1412 = tpu.vector_load %arg11[%get3A_1411] {strides = array<i32>} : memref<12800xi32, #tpu.memory_space<vmem>>, vector<16xi32>,
      %get3A_1413 = vector.shape_cast %get3A_1412 : vector<16xi32> to vector<16xi32>
      %and3A_1414 = arith.andi %get3A_1413, %broadcast_in_dim3A_3 : vector<16xi32>
      %bitcast_convert_type3A_1415 = tpu.bitcast %and3A_1414 : vector<16xi32> -> vector<16xf32>
      %shift_left3A_1416 = arith.constant 16 : i32
      %shift_left3A_1417 = vector.broadcast %shift_left3A_1416 : i32 to vector<16xi32>
      %shift_left3A_1418 = arith.shli %get3A_1413, %shift_left3A_1417 : vector<16xi32>
      %bitcast_convert_type3A_1419 = tpu.bitcast %shift_left3A_1418 : vector<16xi32> -> vector<16xf32>
      %add3A_1420 = arith.addf %scan3A_1344, %bitcast_convert_type3A_1415 : vector<16xf32>
      %add3A_1421 = arith.addf %scan3A_1352, %bitcast_convert_type3A_1419 : vector<16xf32>
      %add3A_1422 = arith.constant 80 : i32
      %add3A_1423 = arith.addi %add3A_1359, %add3A_1422 : i32
      %get3A_1424 = arith.index_cast %add3A_1423 : i32 to index
      %get3A_1425 = tpu.vector_load %arg11[%get3A_1424] {strides = array<i32>} : memref<12800xi32, #tpu.memory_space<vmem>>, vector<16xi32>,
      %get3A_1426 = vector.shape_cast %get3A_1425 : vector<16xi32> to vector<16xi32>
      %and3A_1427 = arith.andi %get3A_1426, %broadcast_in_dim3A_3 : vector<16xi32>
      %bitcast_convert_type3A_1428 = tpu.bitcast %and3A_1427 : vector<16xi32> -> vector<16xf32>
      %shift_left3A_1429 = arith.constant 16 : i32
      %shift_left3A_1430 = vector.broadcast %shift_left3A_1429 : i32 to vector<16xi32>
      %shift_left3A_1431 = arith.shli %get3A_1426, %shift_left3A_1430 : vector<16xi32>
      %bitcast_convert_type3A_1432 = tpu.bitcast %shift_left3A_1431 : vector<16xi32> -> vector<16xf32>
      %add3A_1433 = arith.addf %scan3A_1345, %bitcast_convert_type3A_1428 : vector<16xf32>
      %add3A_1434 = arith.addf %scan3A_1353, %bitcast_convert_type3A_1432 : vector<16xf32>
      %add3A_1435 = arith.constant 96 : i32
      %add3A_1436 = arith.addi %add3A_1359, %add3A_1435 : i32
      %get3A_1437 = arith.index_cast %add3A_1436 : i32 to index
      %get3A_1438 = tpu.vector_load %arg11[%get3A_1437] {strides = array<i32>} : memref<12800xi32, #tpu.memory_space<vmem>>, vector<16xi32>,
      %get3A_1439 = vector.shape_cast %get3A_1438 : vector<16xi32> to vector<16xi32>
      %and3A_1440 = arith.andi %get3A_1439, %broadcast_in_dim3A_3 : vector<16xi32>
      %bitcast_convert_type3A_1441 = tpu.bitcast %and3A_1440 : vector<16xi32> -> vector<16xf32>
      %shift_left3A_1442 = arith.constant 16 : i32
      %shift_left3A_1443 = vector.broadcast %shift_left3A_1442 : i32 to vector<16xi32>
      %shift_left3A_1444 = arith.shli %get3A_1439, %shift_left3A_1443 : vector<16xi32>
      %bitcast_convert_type3A_1445 = tpu.bitcast %shift_left3A_1444 : vector<16xi32> -> vector<16xf32>
      %add3A_1446 = arith.addf %scan3A_1346, %bitcast_convert_type3A_1441 : vector<16xf32>
      %add3A_1447 = arith.addf %scan3A_1354, %bitcast_convert_type3A_1445 : vector<16xf32>
      %add3A_1448 = arith.constant 112 : i32
      %add3A_1449 = arith.addi %add3A_1359, %add3A_1448 : i32
      %get3A_1450 = arith.index_cast %add3A_1449 : i32 to index
      %get3A_1451 = tpu.vector_load %arg11[%get3A_1450] {strides = array<i32>} : memref<12800xi32, #tpu.memory_space<vmem>>, vector<16xi32>,
      %get3A_1452 = vector.shape_cast %get3A_1451 : vector<16xi32> to vector<16xi32>
      %and3A_1453 = arith.andi %get3A_1452, %broadcast_in_dim3A_3 : vector<16xi32>
      %bitcast_convert_type3A_1454 = tpu.bitcast %and3A_1453 : vector<16xi32> -> vector<16xf32>
      %shift_left3A_1455 = arith.constant 16 : i32
      %shift_left3A_1456 = vector.broadcast %shift_left3A_1455 : i32 to vector<16xi32>
      %shift_left3A_1457 = arith.shli %get3A_1452, %shift_left3A_1456 : vector<16xi32>
      %bitcast_convert_type3A_1458 = tpu.bitcast %shift_left3A_1457 : vector<16xi32> -> vector<16xf32>
      %add3A_1459 = arith.addf %scan3A_1347, %bitcast_convert_type3A_1454 : vector<16xf32>
      %add3A_1460 = arith.addf %scan3A_1355, %bitcast_convert_type3A_1458 : vector<16xf32>
      scf.yield %add3A_1368, %add3A_1381, %add3A_1394, %add3A_1407, %add3A_1420, %add3A_1433, %add3A_1446, %add3A_1459, %add3A_1369, %add3A_1382, %add3A_1395, %add3A_1408, %add3A_1421, %add3A_1434, %add3A_1447, %add3A_1460 : vector<16xf32>, vector<16xf32>, vector<16xf32>, vector<16xf32>, vector<16xf32>, vector<16xf32>, vector<16xf32>, vector<16xf32>, vector<16xf32>, vector<16xf32>, vector<16xf32>, vector<16xf32>, vector<16xf32>, vector<16xf32>, vector<16xf32>, vector<16xf32>
    }
    %scan3A_1024 = arith.constant 100 : i32
    %mul3A_1025 = arith.constant 0.00999999977 : f32
    %mul3A_1026 = vector.broadcast %mul3A_1025 : f32 to vector<16xf32>
    %mul3A_1027 = arith.mulf %scan3A_1023#0, %mul3A_1026 : vector<16xf32>
    %add3A_1028 = arith.addf %mul3A_1027, %get3A_2 : vector<16xf32>
    %neg3A_1029 = arith.constant 0.000000e+00 : f32
    %neg3A_1030 = vector.broadcast %neg3A_1029 : f32 to vector<16xf32>
    %neg3A_1031 = arith.subf %neg3A_1030, %add3A_1028 : vector<16xf32>
    %exp3A_1032 = math.exp %neg3A_1031 : vector<16xf32>
    %add3A_1033 = arith.constant 1.000000e+00 : f32
    %add3A_1034 = vector.broadcast %add3A_1033 : f32 to vector<16xf32>
    %add3A_1035 = arith.addf %add3A_1034, %exp3A_1032 : vector<16xf32>
    %div3A_1036 = arith.constant 1.000000e+00 : f32
    %div3A_1037 = vector.broadcast %div3A_1036 : f32 to vector<16xf32>
    %div3A_1038 = arith.divf %div3A_1037, %add3A_1035 : vector<16xf32>
    %neg3A_1039 = arith.constant 0.000000e+00 : f32
    %neg3A_1040 = vector.broadcast %neg3A_1039 : f32 to vector<16xf32>
    %neg3A_1041 = arith.subf %neg3A_1040, %scan3A_1023#8 : vector<16xf32>
    %exp3A_1042 = math.exp %neg3A_1041 : vector<16xf32>
    %add3A_1043 = arith.constant 1.000000e+00 : f32
    %add3A_1044 = vector.broadcast %add3A_1043 : f32 to vector<16xf32>
    %add3A_1045 = arith.addf %add3A_1044, %exp3A_1042 : vector<16xf32>
    %div3A_1046 = arith.constant 1.000000e+00 : f32
    %div3A_1047 = vector.broadcast %div3A_1046 : f32 to vector<16xf32>
    %div3A_1048 = arith.divf %div3A_1047, %add3A_1045 : vector<16xf32>
    %add3A_1049 = arith.constant 2.000000e-01 : f32
    %add3A_1050 = vector.broadcast %add3A_1049 : f32 to vector<16xf32>
    %add3A_1051 = arith.addf %div3A_1048, %add3A_1050 : vector<16xf32>
    %swap3A_1052 = arith.constant 384 : index
    %swap3A_1053 = tpu.vector_load %arg13[%swap3A_1052] {strides = array<i32>} : memref<512xf32, #tpu.memory_space<vmem>>, vector<16xf32>,
    %swap3A_1054 = vector.shape_cast %swap3A_1053 : vector<16xf32> to vector<16xf32>
    %swap3A_1055 = vector.shape_cast %add3A_1028 : vector<16xf32> to vector<16xf32>
    tpu.vector_store %arg13[%swap3A_1052], %swap3A_1055 {strides = array<i32>} : memref<512xf32, #tpu.memory_space<vmem>>, vector<16xf32>,
    %swap3A_1056 = arith.constant 384 : index
    %swap3A_1057 = tpu.vector_load %arg12[%swap3A_1056] {strides = array<i32>} : memref<512xf32, #tpu.memory_space<vmem>>, vector<16xf32>,
    %swap3A_1058 = vector.shape_cast %swap3A_1057 : vector<16xf32> to vector<16xf32>
    %swap3A_1059 = vector.shape_cast %div3A_1038 : vector<16xf32> to vector<16xf32>
    tpu.vector_store %arg12[%swap3A_1056], %swap3A_1059 {strides = array<i32>} : memref<512xf32, #tpu.memory_space<vmem>>, vector<16xf32>,
    %swap3A_1060 = arith.constant 384 : index
    %swap3A_1061 = tpu.vector_load %arg14[%swap3A_1060] {strides = array<i32>} : memref<512xf32, #tpu.memory_space<vmem>>, vector<16xf32>,
    %swap3A_1062 = vector.shape_cast %swap3A_1061 : vector<16xf32> to vector<16xf32>
    %swap3A_1063 = vector.shape_cast %add3A_1051 : vector<16xf32> to vector<16xf32>
    tpu.vector_store %arg14[%swap3A_1060], %swap3A_1063 {strides = array<i32>} : memref<512xf32, #tpu.memory_space<vmem>>, vector<16xf32>,
    %mul3A_1064 = arith.constant 0.00999999977 : f32
    %mul3A_1065 = vector.broadcast %mul3A_1064 : f32 to vector<16xf32>
    %mul3A_1066 = arith.mulf %scan3A_1023#1, %mul3A_1065 : vector<16xf32>
    %add3A_1067 = arith.addf %mul3A_1066, %get3A_2 : vector<16xf32>
    %neg3A_1068 = arith.constant 0.000000e+00 : f32
    %neg3A_1069 = vector.broadcast %neg3A_1068 : f32 to vector<16xf32>
    %neg3A_1070 = arith.subf %neg3A_1069, %add3A_1067 : vector<16xf32>
    %exp3A_1071 = math.exp %neg3A_1070 : vector<16xf32>
    %add3A_1072 = arith.constant 1.000000e+00 : f32
    %add3A_1073 = vector.broadcast %add3A_1072 : f32 to vector<16xf32>
    %add3A_1074 = arith.addf %add3A_1073, %exp3A_1071 : vector<16xf32>
    %div3A_1075 = arith.constant 1.000000e+00 : f32
    %div3A_1076 = vector.broadcast %div3A_1075 : f32 to vector<16xf32>
    %div3A_1077 = arith.divf %div3A_1076, %add3A_1074 : vector<16xf32>
    %neg3A_1078 = arith.constant 0.000000e+00 : f32
    %neg3A_1079 = vector.broadcast %neg3A_1078 : f32 to vector<16xf32>
    %neg3A_1080 = arith.subf %neg3A_1079, %scan3A_1023#9 : vector<16xf32>
    %exp3A_1081 = math.exp %neg3A_1080 : vector<16xf32>
    %add3A_1082 = arith.constant 1.000000e+00 : f32
    %add3A_1083 = vector.broadcast %add3A_1082 : f32 to vector<16xf32>
    %add3A_1084 = arith.addf %add3A_1083, %exp3A_1081 : vector<16xf32>
    %div3A_1085 = arith.constant 1.000000e+00 : f32
    %div3A_1086 = vector.broadcast %div3A_1085 : f32 to vector<16xf32>
    %div3A_1087 = arith.divf %div3A_1086, %add3A_1084 : vector<16xf32>
    %add3A_1088 = arith.constant 2.000000e-01 : f32
    %add3A_1089 = vector.broadcast %add3A_1088 : f32 to vector<16xf32>
    %add3A_1090 = arith.addf %div3A_1087, %add3A_1089 : vector<16xf32>
    %swap3A_1091 = arith.constant 400 : index
    %swap3A_1092 = tpu.vector_load %arg13[%swap3A_1091] {strides = array<i32>} : memref<512xf32, #tpu.memory_space<vmem>>, vector<16xf32>,
    %swap3A_1093 = vector.shape_cast %swap3A_1092 : vector<16xf32> to vector<16xf32>
    %swap3A_1094 = vector.shape_cast %add3A_1067 : vector<16xf32> to vector<16xf32>
    tpu.vector_store %arg13[%swap3A_1091], %swap3A_1094 {strides = array<i32>} : memref<512xf32, #tpu.memory_space<vmem>>, vector<16xf32>,
    %swap3A_1095 = arith.constant 400 : index
    %swap3A_1096 = tpu.vector_load %arg12[%swap3A_1095] {strides = array<i32>} : memref<512xf32, #tpu.memory_space<vmem>>, vector<16xf32>,
    %swap3A_1097 = vector.shape_cast %swap3A_1096 : vector<16xf32> to vector<16xf32>
    %swap3A_1098 = vector.shape_cast %div3A_1077 : vector<16xf32> to vector<16xf32>
    tpu.vector_store %arg12[%swap3A_1095], %swap3A_1098 {strides = array<i32>} : memref<512xf32, #tpu.memory_space<vmem>>, vector<16xf32>,
    %swap3A_1099 = arith.constant 400 : index
    %swap3A_1100 = tpu.vector_load %arg14[%swap3A_1099] {strides = array<i32>} : memref<512xf32, #tpu.memory_space<vmem>>, vector<16xf32>,
    %swap3A_1101 = vector.shape_cast %swap3A_1100 : vector<16xf32> to vector<16xf32>
    %swap3A_1102 = vector.shape_cast %add3A_1090 : vector<16xf32> to vector<16xf32>
    tpu.vector_store %arg14[%swap3A_1099], %swap3A_1102 {strides = array<i32>} : memref<512xf32, #tpu.memory_space<vmem>>, vector<16xf32>,
    %mul3A_1103 = arith.constant 0.00999999977 : f32
    %mul3A_1104 = vector.broadcast %mul3A_1103 : f32 to vector<16xf32>
    %mul3A_1105 = arith.mulf %scan3A_1023#2, %mul3A_1104 : vector<16xf32>
    %add3A_1106 = arith.addf %mul3A_1105, %get3A_2 : vector<16xf32>
    %neg3A_1107 = arith.constant 0.000000e+00 : f32
    %neg3A_1108 = vector.broadcast %neg3A_1107 : f32 to vector<16xf32>
    %neg3A_1109 = arith.subf %neg3A_1108, %add3A_1106 : vector<16xf32>
    %exp3A_1110 = math.exp %neg3A_1109 : vector<16xf32>
    %add3A_1111 = arith.constant 1.000000e+00 : f32
    %add3A_1112 = vector.broadcast %add3A_1111 : f32 to vector<16xf32>
    %add3A_1113 = arith.addf %add3A_1112, %exp3A_1110 : vector<16xf32>
    %div3A_1114 = arith.constant 1.000000e+00 : f32
    %div3A_1115 = vector.broadcast %div3A_1114 : f32 to vector<16xf32>
    %div3A_1116 = arith.divf %div3A_1115, %add3A_1113 : vector<16xf32>
    %neg3A_1117 = arith.constant 0.000000e+00 : f32
    %neg3A_1118 = vector.broadcast %neg3A_1117 : f32 to vector<16xf32>
    %neg3A_1119 = arith.subf %neg3A_1118, %scan3A_1023#10 : vector<16xf32>
    %exp3A_1120 = math.exp %neg3A_1119 : vector<16xf32>
    %add3A_1121 = arith.constant 1.000000e+00 : f32
    %add3A_1122 = vector.broadcast %add3A_1121 : f32 to vector<16xf32>
    %add3A_1123 = arith.addf %add3A_1122, %exp3A_1120 : vector<16xf32>
    %div3A_1124 = arith.constant 1.000000e+00 : f32
    %div3A_1125 = vector.broadcast %div3A_1124 : f32 to vector<16xf32>
    %div3A_1126 = arith.divf %div3A_1125, %add3A_1123 : vector<16xf32>
    %add3A_1127 = arith.constant 2.000000e-01 : f32
    %add3A_1128 = vector.broadcast %add3A_1127 : f32 to vector<16xf32>
    %add3A_1129 = arith.addf %div3A_1126, %add3A_1128 : vector<16xf32>
    %swap3A_1130 = arith.constant 416 : index
    %swap3A_1131 = tpu.vector_load %arg13[%swap3A_1130] {strides = array<i32>} : memref<512xf32, #tpu.memory_space<vmem>>, vector<16xf32>,
    %swap3A_1132 = vector.shape_cast %swap3A_1131 : vector<16xf32> to vector<16xf32>
    %swap3A_1133 = vector.shape_cast %add3A_1106 : vector<16xf32> to vector<16xf32>
    tpu.vector_store %arg13[%swap3A_1130], %swap3A_1133 {strides = array<i32>} : memref<512xf32, #tpu.memory_space<vmem>>, vector<16xf32>,
    %swap3A_1134 = arith.constant 416 : index
    %swap3A_1135 = tpu.vector_load %arg12[%swap3A_1134] {strides = array<i32>} : memref<512xf32, #tpu.memory_space<vmem>>, vector<16xf32>,
    %swap3A_1136 = vector.shape_cast %swap3A_1135 : vector<16xf32> to vector<16xf32>
    %swap3A_1137 = vector.shape_cast %div3A_1116 : vector<16xf32> to vector<16xf32>
    tpu.vector_store %arg12[%swap3A_1134], %swap3A_1137 {strides = array<i32>} : memref<512xf32, #tpu.memory_space<vmem>>, vector<16xf32>,
    %swap3A_1138 = arith.constant 416 : index
    %swap3A_1139 = tpu.vector_load %arg14[%swap3A_1138] {strides = array<i32>} : memref<512xf32, #tpu.memory_space<vmem>>, vector<16xf32>,
    %swap3A_1140 = vector.shape_cast %swap3A_1139 : vector<16xf32> to vector<16xf32>
    %swap3A_1141 = vector.shape_cast %add3A_1129 : vector<16xf32> to vector<16xf32>
    tpu.vector_store %arg14[%swap3A_1138], %swap3A_1141 {strides = array<i32>} : memref<512xf32, #tpu.memory_space<vmem>>, vector<16xf32>,
    %mul3A_1142 = arith.constant 0.00999999977 : f32
    %mul3A_1143 = vector.broadcast %mul3A_1142 : f32 to vector<16xf32>
    %mul3A_1144 = arith.mulf %scan3A_1023#3, %mul3A_1143 : vector<16xf32>
    %add3A_1145 = arith.addf %mul3A_1144, %get3A_2 : vector<16xf32>
    %neg3A_1146 = arith.constant 0.000000e+00 : f32
    %neg3A_1147 = vector.broadcast %neg3A_1146 : f32 to vector<16xf32>
    %neg3A_1148 = arith.subf %neg3A_1147, %add3A_1145 : vector<16xf32>
    %exp3A_1149 = math.exp %neg3A_1148 : vector<16xf32>
    %add3A_1150 = arith.constant 1.000000e+00 : f32
    %add3A_1151 = vector.broadcast %add3A_1150 : f32 to vector<16xf32>
    %add3A_1152 = arith.addf %add3A_1151, %exp3A_1149 : vector<16xf32>
    %div3A_1153 = arith.constant 1.000000e+00 : f32
    %div3A_1154 = vector.broadcast %div3A_1153 : f32 to vector<16xf32>
    %div3A_1155 = arith.divf %div3A_1154, %add3A_1152 : vector<16xf32>
    %neg3A_1156 = arith.constant 0.000000e+00 : f32
    %neg3A_1157 = vector.broadcast %neg3A_1156 : f32 to vector<16xf32>
    %neg3A_1158 = arith.subf %neg3A_1157, %scan3A_1023#11 : vector<16xf32>
    %exp3A_1159 = math.exp %neg3A_1158 : vector<16xf32>
    %add3A_1160 = arith.constant 1.000000e+00 : f32
    %add3A_1161 = vector.broadcast %add3A_1160 : f32 to vector<16xf32>
    %add3A_1162 = arith.addf %add3A_1161, %exp3A_1159 : vector<16xf32>
    %div3A_1163 = arith.constant 1.000000e+00 : f32
    %div3A_1164 = vector.broadcast %div3A_1163 : f32 to vector<16xf32>
    %div3A_1165 = arith.divf %div3A_1164, %add3A_1162 : vector<16xf32>
    %add3A_1166 = arith.constant 2.000000e-01 : f32
    %add3A_1167 = vector.broadcast %add3A_1166 : f32 to vector<16xf32>
    %add3A_1168 = arith.addf %div3A_1165, %add3A_1167 : vector<16xf32>
    %swap3A_1169 = arith.constant 432 : index
    %swap3A_1170 = tpu.vector_load %arg13[%swap3A_1169] {strides = array<i32>} : memref<512xf32, #tpu.memory_space<vmem>>, vector<16xf32>,
    %swap3A_1171 = vector.shape_cast %swap3A_1170 : vector<16xf32> to vector<16xf32>
    %swap3A_1172 = vector.shape_cast %add3A_1145 : vector<16xf32> to vector<16xf32>
    tpu.vector_store %arg13[%swap3A_1169], %swap3A_1172 {strides = array<i32>} : memref<512xf32, #tpu.memory_space<vmem>>, vector<16xf32>,
    %swap3A_1173 = arith.constant 432 : index
    %swap3A_1174 = tpu.vector_load %arg12[%swap3A_1173] {strides = array<i32>} : memref<512xf32, #tpu.memory_space<vmem>>, vector<16xf32>,
    %swap3A_1175 = vector.shape_cast %swap3A_1174 : vector<16xf32> to vector<16xf32>
    %swap3A_1176 = vector.shape_cast %div3A_1155 : vector<16xf32> to vector<16xf32>
    tpu.vector_store %arg12[%swap3A_1173], %swap3A_1176 {strides = array<i32>} : memref<512xf32, #tpu.memory_space<vmem>>, vector<16xf32>,
    %swap3A_1177 = arith.constant 432 : index
    %swap3A_1178 = tpu.vector_load %arg14[%swap3A_1177] {strides = array<i32>} : memref<512xf32, #tpu.memory_space<vmem>>, vector<16xf32>,
    %swap3A_1179 = vector.shape_cast %swap3A_1178 : vector<16xf32> to vector<16xf32>
    %swap3A_1180 = vector.shape_cast %add3A_1168 : vector<16xf32> to vector<16xf32>
    tpu.vector_store %arg14[%swap3A_1177], %swap3A_1180 {strides = array<i32>} : memref<512xf32, #tpu.memory_space<vmem>>, vector<16xf32>,
    %mul3A_1181 = arith.constant 0.00999999977 : f32
    %mul3A_1182 = vector.broadcast %mul3A_1181 : f32 to vector<16xf32>
    %mul3A_1183 = arith.mulf %scan3A_1023#4, %mul3A_1182 : vector<16xf32>
    %add3A_1184 = arith.addf %mul3A_1183, %get3A_2 : vector<16xf32>
    %neg3A_1185 = arith.constant 0.000000e+00 : f32
    %neg3A_1186 = vector.broadcast %neg3A_1185 : f32 to vector<16xf32>
    %neg3A_1187 = arith.subf %neg3A_1186, %add3A_1184 : vector<16xf32>
    %exp3A_1188 = math.exp %neg3A_1187 : vector<16xf32>
    %add3A_1189 = arith.constant 1.000000e+00 : f32
    %add3A_1190 = vector.broadcast %add3A_1189 : f32 to vector<16xf32>
    %add3A_1191 = arith.addf %add3A_1190, %exp3A_1188 : vector<16xf32>
    %div3A_1192 = arith.constant 1.000000e+00 : f32
    %div3A_1193 = vector.broadcast %div3A_1192 : f32 to vector<16xf32>
    %div3A_1194 = arith.divf %div3A_1193, %add3A_1191 : vector<16xf32>
    %neg3A_1195 = arith.constant 0.000000e+00 : f32
    %neg3A_1196 = vector.broadcast %neg3A_1195 : f32 to vector<16xf32>
    %neg3A_1197 = arith.subf %neg3A_1196, %scan3A_1023#12 : vector<16xf32>
    %exp3A_1198 = math.exp %neg3A_1197 : vector<16xf32>
    %add3A_1199 = arith.constant 1.000000e+00 : f32
    %add3A_1200 = vector.broadcast %add3A_1199 : f32 to vector<16xf32>
    %add3A_1201 = arith.addf %add3A_1200, %exp3A_1198 : vector<16xf32>
    %div3A_1202 = arith.constant 1.000000e+00 : f32
    %div3A_1203 = vector.broadcast %div3A_1202 : f32 to vector<16xf32>
    %div3A_1204 = arith.divf %div3A_1203, %add3A_1201 : vector<16xf32>
    %add3A_1205 = arith.constant 2.000000e-01 : f32
    %add3A_1206 = vector.broadcast %add3A_1205 : f32 to vector<16xf32>
    %add3A_1207 = arith.addf %div3A_1204, %add3A_1206 : vector<16xf32>
    %swap3A_1208 = arith.constant 448 : index
    %swap3A_1209 = tpu.vector_load %arg13[%swap3A_1208] {strides = array<i32>} : memref<512xf32, #tpu.memory_space<vmem>>, vector<16xf32>,
    %swap3A_1210 = vector.shape_cast %swap3A_1209 : vector<16xf32> to vector<16xf32>
    %swap3A_1211 = vector.shape_cast %add3A_1184 : vector<16xf32> to vector<16xf32>
    tpu.vector_store %arg13[%swap3A_1208], %swap3A_1211 {strides = array<i32>} : memref<512xf32, #tpu.memory_space<vmem>>, vector<16xf32>,
    %swap3A_1212 = arith.constant 448 : index
    %swap3A_1213 = tpu.vector_load %arg12[%swap3A_1212] {strides = array<i32>} : memref<512xf32, #tpu.memory_space<vmem>>, vector<16xf32>,
    %swap3A_1214 = vector.shape_cast %swap3A_1213 : vector<16xf32> to vector<16xf32>
    %swap3A_1215 = vector.shape_cast %div3A_1194 : vector<16xf32> to vector<16xf32>
    tpu.vector_store %arg12[%swap3A_1212], %swap3A_1215 {strides = array<i32>} : memref<512xf32, #tpu.memory_space<vmem>>, vector<16xf32>,
    %swap3A_1216 = arith.constant 448 : index
    %swap3A_1217 = tpu.vector_load %arg14[%swap3A_1216] {strides = array<i32>} : memref<512xf32, #tpu.memory_space<vmem>>, vector<16xf32>,
    %swap3A_1218 = vector.shape_cast %swap3A_1217 : vector<16xf32> to vector<16xf32>
    %swap3A_1219 = vector.shape_cast %add3A_1207 : vector<16xf32> to vector<16xf32>
    tpu.vector_store %arg14[%swap3A_1216], %swap3A_1219 {strides = array<i32>} : memref<512xf32, #tpu.memory_space<vmem>>, vector<16xf32>,
    %mul3A_1220 = arith.constant 0.00999999977 : f32
    %mul3A_1221 = vector.broadcast %mul3A_1220 : f32 to vector<16xf32>
    %mul3A_1222 = arith.mulf %scan3A_1023#5, %mul3A_1221 : vector<16xf32>
    %add3A_1223 = arith.addf %mul3A_1222, %get3A_2 : vector<16xf32>
    %neg3A_1224 = arith.constant 0.000000e+00 : f32
    %neg3A_1225 = vector.broadcast %neg3A_1224 : f32 to vector<16xf32>
    %neg3A_1226 = arith.subf %neg3A_1225, %add3A_1223 : vector<16xf32>
    %exp3A_1227 = math.exp %neg3A_1226 : vector<16xf32>
    %add3A_1228 = arith.constant 1.000000e+00 : f32
    %add3A_1229 = vector.broadcast %add3A_1228 : f32 to vector<16xf32>
    %add3A_1230 = arith.addf %add3A_1229, %exp3A_1227 : vector<16xf32>
    %div3A_1231 = arith.constant 1.000000e+00 : f32
    %div3A_1232 = vector.broadcast %div3A_1231 : f32 to vector<16xf32>
    %div3A_1233 = arith.divf %div3A_1232, %add3A_1230 : vector<16xf32>
    %neg3A_1234 = arith.constant 0.000000e+00 : f32
    %neg3A_1235 = vector.broadcast %neg3A_1234 : f32 to vector<16xf32>
    %neg3A_1236 = arith.subf %neg3A_1235, %scan3A_1023#13 : vector<16xf32>
    %exp3A_1237 = math.exp %neg3A_1236 : vector<16xf32>
    %add3A_1238 = arith.constant 1.000000e+00 : f32
    %add3A_1239 = vector.broadcast %add3A_1238 : f32 to vector<16xf32>
    %add3A_1240 = arith.addf %add3A_1239, %exp3A_1237 : vector<16xf32>
    %div3A_1241 = arith.constant 1.000000e+00 : f32
    %div3A_1242 = vector.broadcast %div3A_1241 : f32 to vector<16xf32>
    %div3A_1243 = arith.divf %div3A_1242, %add3A_1240 : vector<16xf32>
    %add3A_1244 = arith.constant 2.000000e-01 : f32
    %add3A_1245 = vector.broadcast %add3A_1244 : f32 to vector<16xf32>
    %add3A_1246 = arith.addf %div3A_1243, %add3A_1245 : vector<16xf32>
    %swap3A_1247 = arith.constant 464 : index
    %swap3A_1248 = tpu.vector_load %arg13[%swap3A_1247] {strides = array<i32>} : memref<512xf32, #tpu.memory_space<vmem>>, vector<16xf32>,
    %swap3A_1249 = vector.shape_cast %swap3A_1248 : vector<16xf32> to vector<16xf32>
    %swap3A_1250 = vector.shape_cast %add3A_1223 : vector<16xf32> to vector<16xf32>
    tpu.vector_store %arg13[%swap3A_1247], %swap3A_1250 {strides = array<i32>} : memref<512xf32, #tpu.memory_space<vmem>>, vector<16xf32>,
    %swap3A_1251 = arith.constant 464 : index
    %swap3A_1252 = tpu.vector_load %arg12[%swap3A_1251] {strides = array<i32>} : memref<512xf32, #tpu.memory_space<vmem>>, vector<16xf32>,
    %swap3A_1253 = vector.shape_cast %swap3A_1252 : vector<16xf32> to vector<16xf32>
    %swap3A_1254 = vector.shape_cast %div3A_1233 : vector<16xf32> to vector<16xf32>
    tpu.vector_store %arg12[%swap3A_1251], %swap3A_1254 {strides = array<i32>} : memref<512xf32, #tpu.memory_space<vmem>>, vector<16xf32>,
    %swap3A_1255 = arith.constant 464 : index
    %swap3A_1256 = tpu.vector_load %arg14[%swap3A_1255] {strides = array<i32>} : memref<512xf32, #tpu.memory_space<vmem>>, vector<16xf32>,
    %swap3A_1257 = vector.shape_cast %swap3A_1256 : vector<16xf32> to vector<16xf32>
    %swap3A_1258 = vector.shape_cast %add3A_1246 : vector<16xf32> to vector<16xf32>
    tpu.vector_store %arg14[%swap3A_1255], %swap3A_1258 {strides = array<i32>} : memref<512xf32, #tpu.memory_space<vmem>>, vector<16xf32>,
    %mul3A_1259 = arith.constant 0.00999999977 : f32
    %mul3A_1260 = vector.broadcast %mul3A_1259 : f32 to vector<16xf32>
    %mul3A_1261 = arith.mulf %scan3A_1023#6, %mul3A_1260 : vector<16xf32>
    %add3A_1262 = arith.addf %mul3A_1261, %get3A_2 : vector<16xf32>
    %neg3A_1263 = arith.constant 0.000000e+00 : f32
    %neg3A_1264 = vector.broadcast %neg3A_1263 : f32 to vector<16xf32>
    %neg3A_1265 = arith.subf %neg3A_1264, %add3A_1262 : vector<16xf32>
    %exp3A_1266 = math.exp %neg3A_1265 : vector<16xf32>
    %add3A_1267 = arith.constant 1.000000e+00 : f32
    %add3A_1268 = vector.broadcast %add3A_1267 : f32 to vector<16xf32>
    %add3A_1269 = arith.addf %add3A_1268, %exp3A_1266 : vector<16xf32>
    %div3A_1270 = arith.constant 1.000000e+00 : f32
    %div3A_1271 = vector.broadcast %div3A_1270 : f32 to vector<16xf32>
    %div3A_1272 = arith.divf %div3A_1271, %add3A_1269 : vector<16xf32>
    %neg3A_1273 = arith.constant 0.000000e+00 : f32
    %neg3A_1274 = vector.broadcast %neg3A_1273 : f32 to vector<16xf32>
    %neg3A_1275 = arith.subf %neg3A_1274, %scan3A_1023#14 : vector<16xf32>
    %exp3A_1276 = math.exp %neg3A_1275 : vector<16xf32>
    %add3A_1277 = arith.constant 1.000000e+00 : f32
    %add3A_1278 = vector.broadcast %add3A_1277 : f32 to vector<16xf32>
    %add3A_1279 = arith.addf %add3A_1278, %exp3A_1276 : vector<16xf32>
    %div3A_1280 = arith.constant 1.000000e+00 : f32
    %div3A_1281 = vector.broadcast %div3A_1280 : f32 to vector<16xf32>
    %div3A_1282 = arith.divf %div3A_1281, %add3A_1279 : vector<16xf32>
    %add3A_1283 = arith.constant 2.000000e-01 : f32
    %add3A_1284 = vector.broadcast %add3A_1283 : f32 to vector<16xf32>
    %add3A_1285 = arith.addf %div3A_1282, %add3A_1284 : vector<16xf32>
    %swap3A_1286 = arith.constant 480 : index
    %swap3A_1287 = tpu.vector_load %arg13[%swap3A_1286] {strides = array<i32>} : memref<512xf32, #tpu.memory_space<vmem>>, vector<16xf32>,
    %swap3A_1288 = vector.shape_cast %swap3A_1287 : vector<16xf32> to vector<16xf32>
    %swap3A_1289 = vector.shape_cast %add3A_1262 : vector<16xf32> to vector<16xf32>
    tpu.vector_store %arg13[%swap3A_1286], %swap3A_1289 {strides = array<i32>} : memref<512xf32, #tpu.memory_space<vmem>>, vector<16xf32>,
    %swap3A_1290 = arith.constant 480 : index
    %swap3A_1291 = tpu.vector_load %arg12[%swap3A_1290] {strides = array<i32>} : memref<512xf32, #tpu.memory_space<vmem>>, vector<16xf32>,
    %swap3A_1292 = vector.shape_cast %swap3A_1291 : vector<16xf32> to vector<16xf32>
    %swap3A_1293 = vector.shape_cast %div3A_1272 : vector<16xf32> to vector<16xf32>
    tpu.vector_store %arg12[%swap3A_1290], %swap3A_1293 {strides = array<i32>} : memref<512xf32, #tpu.memory_space<vmem>>, vector<16xf32>,
    %swap3A_1294 = arith.constant 480 : index
    %swap3A_1295 = tpu.vector_load %arg14[%swap3A_1294] {strides = array<i32>} : memref<512xf32, #tpu.memory_space<vmem>>, vector<16xf32>,
    %swap3A_1296 = vector.shape_cast %swap3A_1295 : vector<16xf32> to vector<16xf32>
    %swap3A_1297 = vector.shape_cast %add3A_1285 : vector<16xf32> to vector<16xf32>
    tpu.vector_store %arg14[%swap3A_1294], %swap3A_1297 {strides = array<i32>} : memref<512xf32, #tpu.memory_space<vmem>>, vector<16xf32>,
    %mul3A_1298 = arith.constant 0.00999999977 : f32
    %mul3A_1299 = vector.broadcast %mul3A_1298 : f32 to vector<16xf32>
    %mul3A_1300 = arith.mulf %scan3A_1023#7, %mul3A_1299 : vector<16xf32>
    %add3A_1301 = arith.addf %mul3A_1300, %get3A_2 : vector<16xf32>
    %neg3A_1302 = arith.constant 0.000000e+00 : f32
    %neg3A_1303 = vector.broadcast %neg3A_1302 : f32 to vector<16xf32>
    %neg3A_1304 = arith.subf %neg3A_1303, %add3A_1301 : vector<16xf32>
    %exp3A_1305 = math.exp %neg3A_1304 : vector<16xf32>
    %add3A_1306 = arith.constant 1.000000e+00 : f32
    %add3A_1307 = vector.broadcast %add3A_1306 : f32 to vector<16xf32>
    %add3A_1308 = arith.addf %add3A_1307, %exp3A_1305 : vector<16xf32>
    %div3A_1309 = arith.constant 1.000000e+00 : f32
    %div3A_1310 = vector.broadcast %div3A_1309 : f32 to vector<16xf32>
    %div3A_1311 = arith.divf %div3A_1310, %add3A_1308 : vector<16xf32>
    %neg3A_1312 = arith.constant 0.000000e+00 : f32
    %neg3A_1313 = vector.broadcast %neg3A_1312 : f32 to vector<16xf32>
    %neg3A_1314 = arith.subf %neg3A_1313, %scan3A_1023#15 : vector<16xf32>
    %exp3A_1315 = math.exp %neg3A_1314 : vector<16xf32>
    %add3A_1316 = arith.constant 1.000000e+00 : f32
    %add3A_1317 = vector.broadcast %add3A_1316 : f32 to vector<16xf32>
    %add3A_1318 = arith.addf %add3A_1317, %exp3A_1315 : vector<16xf32>
    %div3A_1319 = arith.constant 1.000000e+00 : f32
    %div3A_1320 = vector.broadcast %div3A_1319 : f32 to vector<16xf32>
    %div3A_1321 = arith.divf %div3A_1320, %add3A_1318 : vector<16xf32>
    %add3A_1322 = arith.constant 2.000000e-01 : f32
    %add3A_1323 = vector.broadcast %add3A_1322 : f32 to vector<16xf32>
    %add3A_1324 = arith.addf %div3A_1321, %add3A_1323 : vector<16xf32>
    %swap3A_1325 = arith.constant 496 : index
    %swap3A_1326 = tpu.vector_load %arg13[%swap3A_1325] {strides = array<i32>} : memref<512xf32, #tpu.memory_space<vmem>>, vector<16xf32>,
    %swap3A_1327 = vector.shape_cast %swap3A_1326 : vector<16xf32> to vector<16xf32>
    %swap3A_1328 = vector.shape_cast %add3A_1301 : vector<16xf32> to vector<16xf32>
    tpu.vector_store %arg13[%swap3A_1325], %swap3A_1328 {strides = array<i32>} : memref<512xf32, #tpu.memory_space<vmem>>, vector<16xf32>,
    %swap3A_1329 = arith.constant 496 : index
    %swap3A_1330 = tpu.vector_load %arg12[%swap3A_1329] {strides = array<i32>} : memref<512xf32, #tpu.memory_space<vmem>>, vector<16xf32>,
    %swap3A_1331 = vector.shape_cast %swap3A_1330 : vector<16xf32> to vector<16xf32>
    %swap3A_1332 = vector.shape_cast %div3A_1311 : vector<16xf32> to vector<16xf32>
    tpu.vector_store %arg12[%swap3A_1329], %swap3A_1332 {strides = array<i32>} : memref<512xf32, #tpu.memory_space<vmem>>, vector<16xf32>,
    %swap3A_1333 = arith.constant 496 : index
    %swap3A_1334 = tpu.vector_load %arg14[%swap3A_1333] {strides = array<i32>} : memref<512xf32, #tpu.memory_space<vmem>>, vector<16xf32>,
    %swap3A_1335 = vector.shape_cast %swap3A_1334 : vector<16xf32> to vector<16xf32>
    %swap3A_1336 = vector.shape_cast %add3A_1324 : vector<16xf32> to vector<16xf32>
    tpu.vector_store %arg14[%swap3A_1333], %swap3A_1336 {strides = array<i32>} : memref<512xf32, #tpu.memory_space<vmem>>, vector<16xf32>,
    %mul3A_1337 = arith.constant 512 : i32
    %mul3A_1338 = arith.muli %add3A, %mul3A_1337 : i32
    "tpu.region"() ({
      %run_scoped3A = tpu.sem_alloc : memref<!tpu.dma_semaphore, #tpu.memory_space<semaphore_mem>>
      %dma_start3A_1339 = tpu.memref_slice %arg5[%mul3A_1338] : memref<16384xf32, #tpu.memory_space<hbm>> -> memref<512xf32, #tpu.memory_space<hbm>>
      %dma_start3A_1340 = tpu.memref_slice %arg5[%mul3A_1338] : memref<16384xf32, #tpu.memory_space<hbm>> -> memref<512xf32, #tpu.memory_space<hbm>>
      tpu.enqueue_dma source(%arg12 : memref<512xf32, #tpu.memory_space<vmem>>) target(%dma_start3A_1340 : memref<512xf32, #tpu.memory_space<hbm>>) target_semaphore(%run_scoped3A : memref<!tpu.dma_semaphore, #tpu.memory_space<semaphore_mem>>)
      %dma_wait3A_1341 = tpu.memref_slice %arg5[%mul3A_1338] : memref<16384xf32, #tpu.memory_space<hbm>> -> memref<512xf32, #tpu.memory_space<hbm>>
      %dma_wait3A_1342 = tpu.memref_slice %arg5[%mul3A_1338] : memref<16384xf32, #tpu.memory_space<hbm>> -> memref<512xf32, #tpu.memory_space<hbm>>
      tpu.wait_dma2 semaphore(%run_scoped3A : memref<!tpu.dma_semaphore, #tpu.memory_space<semaphore_mem>>) src(%arg12 : memref<512xf32, #tpu.memory_space<vmem>>) dst(%dma_wait3A_1342 : memref<512xf32, #tpu.memory_space<hbm>>)
      tpu.yield
    }) : () -> ()
    "tpu.region"() ({
      %run_scoped3A = tpu.sem_alloc : memref<!tpu.dma_semaphore, #tpu.memory_space<semaphore_mem>>
      %dma_start3A_1339 = tpu.memref_slice %arg6[%mul3A_1338] : memref<16384xf32, #tpu.memory_space<hbm>> -> memref<512xf32, #tpu.memory_space<hbm>>
      %dma_start3A_1340 = tpu.memref_slice %arg6[%mul3A_1338] : memref<16384xf32, #tpu.memory_space<hbm>> -> memref<512xf32, #tpu.memory_space<hbm>>
      tpu.enqueue_dma source(%arg13 : memref<512xf32, #tpu.memory_space<vmem>>) target(%dma_start3A_1340 : memref<512xf32, #tpu.memory_space<hbm>>) target_semaphore(%run_scoped3A : memref<!tpu.dma_semaphore, #tpu.memory_space<semaphore_mem>>)
      %dma_wait3A_1341 = tpu.memref_slice %arg6[%mul3A_1338] : memref<16384xf32, #tpu.memory_space<hbm>> -> memref<512xf32, #tpu.memory_space<hbm>>
      %dma_wait3A_1342 = tpu.memref_slice %arg6[%mul3A_1338] : memref<16384xf32, #tpu.memory_space<hbm>> -> memref<512xf32, #tpu.memory_space<hbm>>
      tpu.wait_dma2 semaphore(%run_scoped3A : memref<!tpu.dma_semaphore, #tpu.memory_space<semaphore_mem>>) src(%arg13 : memref<512xf32, #tpu.memory_space<vmem>>) dst(%dma_wait3A_1342 : memref<512xf32, #tpu.memory_space<hbm>>)
      tpu.yield
    }) : () -> ()
    "tpu.region"() ({
      %run_scoped3A = tpu.sem_alloc : memref<!tpu.dma_semaphore, #tpu.memory_space<semaphore_mem>>
      %dma_start3A_1339 = tpu.memref_slice %arg7[%mul3A_1338] : memref<16384xf32, #tpu.memory_space<hbm>> -> memref<512xf32, #tpu.memory_space<hbm>>
      %dma_start3A_1340 = tpu.memref_slice %arg7[%mul3A_1338] : memref<16384xf32, #tpu.memory_space<hbm>> -> memref<512xf32, #tpu.memory_space<hbm>>
      tpu.enqueue_dma source(%arg14 : memref<512xf32, #tpu.memory_space<vmem>>) target(%dma_start3A_1340 : memref<512xf32, #tpu.memory_space<hbm>>) target_semaphore(%run_scoped3A : memref<!tpu.dma_semaphore, #tpu.memory_space<semaphore_mem>>)
      %dma_wait3A_1341 = tpu.memref_slice %arg7[%mul3A_1338] : memref<16384xf32, #tpu.memory_space<hbm>> -> memref<512xf32, #tpu.memory_space<hbm>>
      %dma_wait3A_1342 = tpu.memref_slice %arg7[%mul3A_1338] : memref<16384xf32, #tpu.memory_space<hbm>> -> memref<512xf32, #tpu.memory_space<hbm>>
      tpu.wait_dma2 semaphore(%run_scoped3A : memref<!tpu.dma_semaphore, #tpu.memory_space<semaphore_mem>>) src(%arg14 : memref<512xf32, #tpu.memory_space<vmem>>) dst(%dma_wait3A_1342 : memref<512xf32, #tpu.memory_space<hbm>>)
      tpu.yield
    }) : () -> ()
    return
  }
}

module attributes {stable_mosaic.version = 14 : i64} {
  func.func @_norm_body(%arg0: memref<128x128xf32, #tpu.memory_space<vmem>>, %arg1: memref<128x128xf32, #tpu.memory_space<vmem>>) attributes {dimension_semantics = [], scalar_prefetch = 0 : i64, scratch_operands = 0 : i64, tpu.core_type = #tpu.core_type<tc>} {
    %get3A = arith.constant 0 : index
    %get3A_0 = arith.constant 0 : index
    %get3A_1 = vector.load %arg0[%get3A, %get3A_0] : memref<128x128xf32, #tpu.memory_space<vmem>>, vector<128x128xf32>
    %reduce_sum3A = vector.shape_cast %get3A_1 : vector<128x128xf32> to vector<1x128x128xf32>
    %reduce_sum3A_2 = arith.constant dense<0.000000e+00> : vector<1xf32>
    %reduce_sum3A_3 = vector.multi_reduction <add>, %reduce_sum3A, %reduce_sum3A_2 [1, 2] : vector<1x128x128xf32> to vector<1xf32>
    %reduce_sum3A_4 = vector.shape_cast %reduce_sum3A_3 : vector<1xf32> to vector<1x1x1xf32>
    %reduce_sum3A_5 = vector.extract %reduce_sum3A_4[0, 0, 0] : f32 from vector<1x1x1xf32>
    %div3A = arith.constant 1.638400e+04 : f32
    %div3A_6 = arith.divf %div3A, %reduce_sum3A_5 : f32
    %mul3A = vector.broadcast %div3A_6 : f32 to vector<128x128xf32>
    %mul3A_7 = arith.mulf %get3A_1, %mul3A : vector<128x128xf32>
    %swap3A = arith.constant 0 : index
    %swap3A_8 = arith.constant 0 : index
    %swap3A_9 = vector.load %arg1[%swap3A, %swap3A_8] : memref<128x128xf32, #tpu.memory_space<vmem>>, vector<128x128xf32>
    tpu.vector_store %arg1[%swap3A, %swap3A_8], %mul3A_7 {strides = array<i32>} : memref<128x128xf32, #tpu.memory_space<vmem>>, vector<128x128xf32>,
    return
  }
}

</mosaic_0001>

<sc_bundles>
// kernel: kernel.4.cloned.1.call-start
scs
__scs_entry_jumppad:
0x0: {  	(pc) =	sbr.rel $0x88, $3  }
0x1: {  	(tag) =	ssettag $0x0;
	lr =	simm.s32 $0x1  }
0x2: {  	[smem:$0x3F9D] =	sst lr;
	_ =	strace $0xD0000000  }
0x3: {  	_ = 	snop  }
0x4: {  	_ = 	snop  }
0x5: {  	_ = 	snop  }
0x6: {  	_ = 	snop  }
0x7: {  	_ = 	snop  }
__scs_overlays_trampoline_lowered:
0x8: {  	[smem:$0x3FAC] =	sst s0  }
0x9: {  	[smem:$0x3FAD] =	sst s1  }
0xa: {  	[smem:$0x3FAE] =	sst s2  }
0xb: {  	[smem:$0x3FAF] =	sst s3  }
0xc: {  	[smem:$0x3FB0] =	sst s4  }
0xd: {  	[smem:$0x3FB1] =	sst s5  }
0xe: {  	[smem:$0x3FB2] =	sst s6  }
0xf: {  	[smem:$0x3FB3] =	sst s7  }
0x10: {  	[smem:$0x3FB4] =	sst s8  }
0x11: {  	[smem:$0x3FB5] =	sst s9;
	s0 =	simm.s32 @!p0 $0x0  }
0x12: {  	s1 =	sld [smem:$0x3F9B];
	s0 =	simm.s32 @p0 $0x1  }
0x13: {  	[smem:$0x3FB6] =	sst s0;
	s0 =	simm.s32 @!p1 $0x0  }
0x14: {  	s2 =	sld [smem:$0x3F9A];
	s0 =	simm.s32 @p1 $0x1  }
0x15: {  	[smem:$0x3FB7] =	sst s0;
	s0 =	simm.s32 @!p2 $0x0  }
0x16: {  	s3 =	sld [smem:$0x3FDB];
	s0 =	simm.s32 @p2 $0x1  }
0x17: {  	s4 =	simm.s32 $0x1BF5;
	[smem:$0x3FB9] =	sst s0  }
0x18: {  	s0 =	sld [smem:$0x3F9C];
	_ =	swait.ge [sflag:s4], $0x0  }
0x19: {  	s7 =	sld [smem:$0x3F9D]  }
0x1a: {  	s8 =	sadd.s32 $0xFFFFE003, lr  }
0x1b: {  	s9 =	sadd.s32 $0xFFFFFEF7, lr;
	s5 =	simm.s32 $0xFFFFFFFF;
	p2 =	slt.u32 s8, $0xFFFFF086  }
0x1c: {  	p1 =	slt.u32 s9, $0xF7A;
	s5 =	simm.s32 @!p2 $0x0  }
0x1d: {  	s5 =	simm.s32 @p1 $0x1;
	p0 =	seq.s32 s7, s2  }
0x1e: {  	s7 =	smul.u32 @!p0 $0xF7A, s2;
	p2 =	seq.s32 @!p0 s5, $0x0  }
0x1f: {  	s9 =	smul.u32 $0xF7A, s1;
	s8 =	simm.s32 @!p0 $0x1BF5;
	p2 =	por !p2, p0  }
0x20: {  	[sflag:s8] =	ssyncset.s32 @!p0 $0xFFFFF086;
	s6 =	sadd.s32 @!p0 s3, s7;
	s7 =	simm.s32 @!p0 $0x108  }
0x21: {  	s3 =	sadd.s32 s3, s9;
	s6 =	sadd.s32 @!p0 $0x88, s6;
	s7 =	simm.s32 @p2 $0x1082  }
0x22: {  	[simem:s7], [sflag:s8] =	dma.local @!p0 [hbm:s6], $0xF7A  }
0x23: {  	s9 =	sor.u32 $0xD0000000, s2;
	s6 =	simm.s32 $0x108;
	_ =	swait.ge @!p0 [sflag:s8], $0x0  }
0x24: {  	s3 =	sadd.s32 $0x88, s3;
	s6 =	simm.s32 @!p1 $0x1082;
	[sflag:s4] =	ssyncset.s32 $0xFFFFF086  }
0x25: {  	[simem:s6], [sflag:s4] =	dma.local [hbm:s3], $0xF7A  }
0x26: {  	[smem:$0x3F9D] =	sst s1;
	(tag) =	ssettag s2;
	_ =	strace s9  }
0x27: {  	s1 =	sld [smem:$0x3FAD]  }
0x28: {  	s2 =	sld [smem:$0x3FAE]  }
0x29: {  	s4 =	sld [smem:$0x3FB0]  }
0x2a: {  	p0 =	seq.s32 s5, $0x0;
	s5 =	sld [smem:$0x3FB1]  }
0x2b: {  	s6 =	sld [smem:$0x3FB2]  }
0x2c: {  	s7 =	sld [smem:$0x3FB3]  }
0x2d: {  	s3 =	simm.s32 $0x108;
	s8 =	sld [smem:$0x3FB4]  }
0x2e: {  	s3 =	simm.s32 @!p0 $0x1082;
	s9 =	sld [smem:$0x3FB5]  }
0x2f: {  	lr =	sadd.s32 s0, s3;
	s0 =	sld [smem:$0x3FAC]  }
0x30: {  	s3 =	sld [smem:$0x3FAF]  }
0x31: {  	[smem:$0x3FB8] =	sst s10  }
0x32: {  	s10 =	sld [smem:$0x3FB6];
	_ =	sdelay $0x3  }
0x33: {  	p0 =	seq.s32 s10, $0x1;
	s10 =	sld [smem:$0x3FB8];
	_ =	sdelay $0x3  }
0x34: {  	[smem:$0x3FB8] =	sst s10  }
0x35: {  	s10 =	sld [smem:$0x3FB7];
	_ =	sdelay $0x3  }
0x36: {  	p1 =	seq.s32 s10, $0x1;
	s10 =	sld [smem:$0x3FB8];
	_ =	sdelay $0x3  }
0x37: {  	[smem:$0x3FB8] =	sst s10  }
0x38: {  	s10 =	sld [smem:$0x3FB9]  }
0x39: {  	_ = 	snop;
	(pc) =	sbr.ind lr, $3  }
0x3a: {  	_ = 	snop  }
0x3b: {  	_ = 	snop  }
0x3c: {  	p2 =	seq.s32 s10, $0x1;
	s10 =	sld [smem:$0x3FB8]  }
0x3d: {  	_ =	shalt  }
0x3e: {  	_ =	shalt  }
0x3f: {  	_ =	shalt  }
0x40: {  	_ =	shalt  }
0x41: {  	_ =	shalt  }
0x42: {  	_ =	shalt  }
0x43: {  	_ =	shalt  }
0x44: {  	_ =	shalt  }
0x45: {  	_ =	shalt  }
0x46: {  	_ =	shalt  }
0x47: {  	_ =	shalt  }
0x48: {  	_ =	shalt  }
0x49: {  	_ =	shalt  }
0x4a: {  	_ =	shalt  }
0x4b: {  	_ =	shalt  }
0x4c: {  	_ =	shalt  }
0x4d: {  	_ =	shalt  }
0x4e: {  	_ =	shalt  }
0x4f: {  	_ =	shalt  }
0x50: {  	_ =	shalt  }
0x51: {  	_ =	shalt  }
0x52: {  	_ =	shalt  }
0x53: {  	_ =	shalt  }
0x54: {  	_ =	shalt  }
0x55: {  	_ =	shalt  }
0x56: {  	_ =	shalt  }
0x57: {  	_ =	shalt  }
0x58: {  	_ =	shalt  }
0x59: {  	_ =	shalt  }
0x5a: {  	_ =	shalt  }
0x5b: {  	_ =	shalt  }
0x5c: {  	_ =	shalt  }
0x5d: {  	_ =	shalt  }
0x5e: {  	_ =	shalt  }
0x5f: {  	_ =	shalt  }
0x60: {  	_ =	shalt  }
0x61: {  	_ =	shalt  }
0x62: {  	_ =	shalt  }
0x63: {  	_ =	shalt  }
0x64: {  	_ =	shalt  }
0x65: {  	_ =	shalt  }
0x66: {  	_ =	shalt  }
0x67: {  	_ =	shalt  }
0x68: {  	_ =	shalt  }
0x69: {  	_ =	shalt  }
0x6a: {  	_ =	shalt  }
0x6b: {  	_ =	shalt  }
0x6c: {  	_ =	shalt  }
0x6d: {  	_ =	shalt  }
0x6e: {  	_ =	shalt  }
0x6f: {  	_ =	shalt  }
0x70: {  	_ =	shalt  }
0x71: {  	_ =	shalt  }
0x72: {  	_ =	shalt  }
0x73: {  	_ =	shalt  }
0x74: {  	_ =	shalt  }
0x75: {  	_ =	shalt  }
0x76: {  	_ =	shalt  }
0x77: {  	_ =	shalt  }
0x78: {  	_ =	shalt  }
0x79: {  	_ =	shalt  }
0x7a: {  	_ =	shalt  }
0x7b: {  	_ =	shalt  }
0x7c: {  	_ =	shalt  }
0x7d: {  	_ =	shalt  }
0x7e: {  	_ =	shalt  }
0x7f: {  	_ =	shalt  }
0x80: {  	_ =	shalt  }
0x81: {  	_ =	shalt  }
0x82: {  	_ =	shalt  }
0x83: {  	_ =	shalt  }
0x84: {  	_ =	shalt  }
0x85: {  	_ =	shalt  }
0x86: {  	_ =	shalt  }
0x87: {  	_ =	shalt  }
.Lfunc_end0:
.L_simem_size_0:
called_computation_lowered:
.L_overlay_start_0:
0x88: {  	s2 =	sld [smem:$0x3FD9]  }
0x89: {  	s3 =	sld [smem:$0x3FFE];
	_ =	sdelay $0x1  }
0x8a: {  	s1 =	srdreg.scid  }
0x8b: {  	s0 =	sand.u32 $0x1, s1  }
0x8c: {  	s14 =	sshll.u32 s0, $0xA;
	s2 =	sadd.s32 s3, s2  }
0x8d: {  	s2 =	sadd.s32 s2, s14  }
0x8e: {  	[smem:$0x3FC4] =	sst s2  }
0x8f: {  	_ = 	snop  }
0x90: {  	s2 =	sld [smem:$0x3FD0];
	_ =	sdelay $0x2  }
0x91: {  	s15 =	simm.s32 $0xA;
	s4 =	simm.s32 $0x10  }
0x92: {  	[smem:s4], [sflag:s15] =	dma.local [hbm:s2], $0x1  }
0x93: {  	_ =	swait.eq [sflag:s15], $0x1  }
0x94: {  	s16 =	sld [smem:$0x10];
	[sflag:s15] =	ssyncset.done $0x0  }
0x95: {  	s17 =	sld [smem:$0x11];
	[sflag:s15] =	ssyncadd.s32 $0xFFFFFFFF  }
0x96: {  	s18 =	sld [smem:$0x12];
	(tm) =	ssettm $0x1  }
0x97: {  	s5 =	sld [smem:$0x3FFB];
	_ =	sdelay $0x3  }
0x98: {  	_ =	strace s5  }
0x99: {  	s5 =	sld [smem:$0x3FFC];
	_ =	sdelay $0x3  }
0x9a: {  	_ =	strace s5  }
0x9b: {  	s5 =	sld [smem:$0x3FFD];
	_ =	sdelay $0x3  }
0x9c: {  	_ =	strace s5  }
0x9d: {  	_ =	strace $0x8FFFFFFF  }
0x9e: {  	s19 =	sld [smem:$0x3FDB];
	_ =	sdelay $0x1  }
0x9f: {  	s6 =	simm.s32 $_scs_section_size  }
0xa0: {  	s7 =	simm.s32 $_size__tile_overlayer_lowered;
	s8 =	simm.s32 $_tile_overlayer_lowered  }
0xa1: {  	s22 =	simm.s32 $0x1BFF;
	s21 =	sshll.u32 s8, $0x1;
	s5 =	sadd.s32 s6, s19  }
0xa2: {  	s9 =	simm.s32 $0x0;
	s20 =	sshll.u32 s7, $0x1;
	s7 =	sadd.s32 s21, s5  }
0xa3: {  	[timem:s9], [sflag:s22] =	dma.local [hbm:s7], s20  }
0xa4: {  	_ =	swait.ge [sflag:s22], s20  }
0xa5: {  	s6 =	ssub.s32 $0x0, s20;
	[sflag:s22] =	ssyncset.done $0x0  }
0xa6: {  	[sflag:s22] =	ssyncadd.s32 s6;
	_ =	sdelay $0x1  }
0xa7: {  	s23 =	simm.s32 $0x1B8B  }
0xa8: {  	_ =	swait.ge [sflag:s23], $0x1  }
0xa9: {  	[sflag:s23] =	ssyncset.done $0x0  }
0xaa: {  	s25 =	simm.s32 $0x1B8E;
	s24 =	sld [smem:$0x3FFE];
	[sflag:s23] =	ssyncadd.s32 $0xFFFFFFFF  }
0xab: {  	s26 =	simm.s32 $execute0_lowered;
	[smem:$0x3FD2] =	sst s25  }
0xac: {  	s7 =	sshll.u32 s26, $0x1;
	_ =	strace $0x80000046;
	[dreg:$0x1] =	wrdreg $0xFFFFFFFF  }
0xad: {  	s28 =	simm.s32 $_size_execute0_lowered;
	s5 =	sadd.s32 s5, s7;
	[dreg:$0x0] =	wrdreg $0x0  }
0xae: {  	s7 =	sshll.u32 s28, $0x1;
	[dreg:$0x2] =	wrdreg s5  }
0xaf: {  	[dreg:$0x3] =	wrdreg s7  }
0xb0: {  	[dreg:$0x4] =	wrdreg $0xC0  }
0xb1: {  	_ =	task [dreg:s9], $0x5FFFF  }
0xb2: {  	[dreg:$0x1] =	wrdreg $0xFFFFFFFF  }
0xb3: {  	[dreg:$0x0] =	wrdreg $0x60  }
0xb4: {  	[dreg:$0x2] =	wrdreg s24  }
0xb5: {  	[dreg:$0x3] =	wrdreg s16  }
0xb6: {  	[dreg:$0x4] =	wrdreg s17  }
0xb7: {  	[dreg:$0x5] =	wrdreg s18  }
0xb8: {  	[dreg:$0x6] =	wrdreg $0x9  }
0xb9: {  	_ =	task.clear_ibuf [dreg:s9], $0x7FFFF;
	_ =	strace $0x90000046  }
0xba: {  	s29 =	simm.s32 $0x9;
	_ =	strace $0x80000048  }
0xbb: {  	_ =	swait.ge [sflag:s29], $0x1  }
0xbc: {  	[sflag:s29] =	ssyncadd.s32 $0xFFFFFFFF  }
0xbd: {  	_ =	strace $0x90000048  }
0xbe: {  	_ =	sfence  }
0xbf: {  	s30 =	sld [smem:$0x0];
	_ =	sdelay $0x2  }
0xc0: {  	s31 =	sshll.u32 s1, $0xD;
	s1 =	sshrl.u32 s1, $0x2  }
0xc1: {  	s3 =	sand.u32 $0x4000, s31;
	s1 =	sadd.s32 s1, s30  }
0xc2: {  	s0 =	sor.u32 s3, s0;
	s1 =	sshll.u32 s1, $0x11  }
0xc3: {  	s0 =	sor.u32 s1, s0  }
0xc4: {  	s0 =	sadd.s32 $0x8F2B, s0  }
0xc5: {  	[sflag:s0] =	ssyncadd.remote.s32 $0x1  }
0xc6: {  	_ =	sfence.sel $0xFFFF  }
0xc7: {  	[dreg:$0x0] =	wrdreg $0xFFFFFFFF;
	(pc) =	sbr.abs _section_cstart, $3  }
0xc8: {  	[dreg:$0x1] =	wrdreg $0xFFFFFFFF  }
0xc9: {  	_ =	task.clear_ibuf [dreg:s9], $0x2FFFF;
	_ =	strace $0x9FFFFFFF  }
0xca: {  	(tm) =	ssettm $0x7FFFFFFF  }
0xcb: {  	_ =	shalt  }
tec
execute0_lowered:
.L_overlay_start_1:
0x0: {  	(tag) =	ssettag $0x1  }
0x1: {  	s4 =	rddreg [dreg:$0x0]  }
0x2: {  	s9 =	rddreg [dreg:$0x1]  }
0x3: {  	s10 =	rddreg [dreg:$0x2]  }
0x4: {  	s11 =	rddreg [dreg:$0x3]  }
0x5: {  	s0 =	rddreg [dreg:$0x4];
	s3 =	srdreg.scid  }
0x6: {  	s1 =	stileid.u32;
	s2 =	simm.s32 $0x0;
	s15 =	simm.s32 $0x3200  }
0x7: {  	s16 =	simm.s32 $0x6400;
	s17 =	simm.s32 $0x3;
	s18 =	simm.s32 $0x2  }
0x8: {  	s19 =	simm.s32 $0x9600;
	s20 =	simm.s32 $0x4;
	s21 =	simm.s32 $0x1  }
0x9: {  	s22 =	simm.s32 $0xC800;
	s23 =	simm.s32 $0xCA00;
	s24 =	simm.s32 $0xCC00  }
0xa: {  	s25 =	simm.s32 $0x0;
	s5 =	sand.u32 $0x1, s3;
	s30 =	sshll.u32 s1, $0x1  }
0xb: {  	[smem:$0x7FF] =	sst s2;
	s6 =	sadd.s32 $0xE00, s4;
	s3 =	sadd.s32 $0x32E00, s4  }
0xc: {  	s4 =	sadd.s32 $0x51800, s4;
	s8 =	sor.u32 s5, s30;
	s5 =	ssub.s32 $0x2, s5  }
0xd: {  	_ =	strace $0x80000047;
	s7 =	smul.u32 $0xC800, s8;
	s13 =	sshrl.u32 s5, $0x1  }
0xe: {  	s12 =	smul.u32 $0x1900, s8;
	s14 =	sshll.u32 s8, $0x6;
	s13 =	ssub.s32 s5, s13  }
0xf: {  	s9 =	sadd.s32 s9, s14;
	s10 =	sadd.s32 s10, s14;
	s11 =	sadd.s32 s11, s14  }
0x10: {  	s14 =	simm.s32 $0x5;
	s7 =	sshrl.u32 s7, $0x3;
	s5 =	sadd.s32 s6, s12  }
0x11: {  	s12 =	smax.u32 s13, $0x1;
	s13 =	simm.s32 $0xCE00;
	s31 =	sadd.s32 s6, s7  }
0x12: {  	s6 =	sadd.s32 $0x640, s31;
	s7 =	sadd.s32 $0xC80, s31;
	s8 =	sadd.s32 $0x12C0, s31  }
.LBB2_1:
0x13: {  	[tilespmem:s13], [sflag:$0x5] =	stream.linear.gather [hbm4b:s4+s2], $0x80, $0x38;
	[tilespmem:$0xCE80] =	vst v63  }
0x14: {  	_ =	swait.ge [sflag:s14], $0x80  }
0x15: {  	[sflag:s14] =	ssyncset.done $0x0  }
0x16: {  	[sflag:s14] =	ssyncadd.s32 $0xFFFFFF80  }
0x17: {  	v0 =	vld [tilespmem:$0xCE00];
	[tilespmem:s2], [sflag:$0x5] =	stream.linear.gather [hbm4b:s5+s2], $0x3200, $0x38  }
0x18: {  	_ =	swait.ge [sflag:s14], $0x3200  }
0x19: {  	[sflag:s14] =	ssyncset.done $0x0  }
0x1a: {  	[sflag:s14] =	ssyncadd.s32 $0xFFFFCE00  }
0x1b: {  	[tilespmem:s16], [sflag:$0x3] =	stream.indirect.gather [hbm4b:s3+s15], $0x1, s2, s15, $0xb8;
	[tilespmem:$0xCE80] =	vst v63  }
0x1c: {  	_ = 	snop  }
0x1d: {  	[tilespmem:s15], [sflag:$0x2] =	stream.linear.gather [hbm4b:s6+s2], $0x3200, $0x38;
	[tilespmem:$0xCE80] =	vst v63  }
0x1e: {  	_ =	swait.ge [sflag:s17], $0x3200  }
0x1f: {  	[sflag:s17] =	ssyncset.done $0x0  }
0x20: {  	[sflag:s17] =	ssyncadd.s32 $0xFFFFCE00  }
0x21: {  	_ =	swait.ge [sflag:s18], $0x3200  }
0x22: {  	[sflag:s18] =	ssyncset.done $0x0  }
0x23: {  	[sflag:s18] =	ssyncadd.s32 $0xFFFFCE00  }
0x24: {  	[tilespmem:s19], [sflag:$0x4] =	stream.indirect.gather [hbm4b:s3+s15], $0x1, s15, s15, $0xb8;
	[tilespmem:$0xCE80] =	vst v63  }
0x25: {  	s28 =	simm.s32 $0x0  }
0x26: {  	[tilespmem:s2], [sflag:$0x1] =	stream.linear.gather [hbm4b:s7+s2], $0x3200, $0x38;
	[tilespmem:$0xCE80] =	vst v63  }
0x27: {  	v3 =	vld [tilespmem:s28+$0x6440]  }
0x28: {  	v4 =	vld [tilespmem:s28+$0x6470]  }
0x29: {  	v1 =	vimm.f32 $0.0e+00;
	v15 =	vimm.f32 $0.0e+00;
	v2 =	vld [tilespmem:s28+$0x6450]  }
0x2a: {  	v22 =	vimm.f32 $0.0e+00;
	v24 =	vimm.f32 $0.0e+00;
	v18 =	vimm.f32 $0.0e+00;
	v5 =	vld [tilespmem:s28+$0x6460]  }
0x2b: {  	v21 =	vimm.f32 $0.0e+00;
	v11 =	vimm.f32 $0.0e+00;
	v13 =	vimm.f32 $0.0e+00  }
0x2c: {  	v8 =	vimm.f32 $0.0e+00;
	v17 =	vimm.f32 $0.0e+00;
	v16 =	vimm.f32 $0.0e+00;
	v23 =	vld [tilespmem:s28+$0x6410]  }
0x2d: {  	v20 =	vld [tilespmem:s28+$0x6420];
	v6 =	vand.u32 $0xFFFF0000, v3;
	v7 =	vand.u32 $0xFFFF0000, v4;
	v4 =	vshll.u32 v4, $0x10  }
0x2e: {  	v25 =	vld [tilespmem:s28+$0x6400];
	v12 =	vshll.u32 v3, $0x10;
	v3 =	vand.u32 $0xFFFF0000, v2;
	v14 =	vshll.u32 v2, $0x10  }
0x2f: {  	v19 =	vld [tilespmem:s28+$0x6430];
	v2 =	vimm.f32 $0.0e+00;
	v10 =	vadd.f32 v6, v1;
	v6 =	vshll.u32 v5, $0x10  }
0x30: {  	s26 =	simm.s32 $0x200;
	v9 =	vadd.f32 v3, v1;
	v3 =	vadd.f32 v6, v1;
	v6 =	vimm.f32 $0.0e+00  }
.LBB2_2:
0x31: {  	s28 =	sshra.s32 s26, $0x2;
	p0 =	sne.s32 s26, $0xC600;
	s26 =	sadd.s32 $0x200, s26;
	v26 =	vand.u32 $0xFFFF0000, v23;
	v1 =	vadd.f32 v7, v1;
	v2 =	vadd.f32 v4, v2  }
0x32: {  	v4 =	vshll.u32 v23, $0x10;
	v7 =	vshll.u32 v20, $0x10;
	v6 =	vadd.f32 v14, v6;
	v27 =	vld [tilespmem:s28+$0x6450]  }
0x33: {  	v15 =	vadd.f32 v26, v15;
	v14 =	vld [tilespmem:s28+$0x6440];
	v28 =	vand.u32 $0xFFFF0000, v25;
	v23 =	vshll.u32 v25, $0x10  }
0x34: {  	v22 =	vadd.f32 v4, v22;
	v4 =	vand.u32 $0xFFFF0000, v20;
	v26 =	vld [tilespmem:s28+$0x6470];
	v25 =	vand.u32 $0xFFFF0000, v19  }
0x35: {  	v18 =	vadd.f32 v7, v18;
	v24 =	vadd.f32 v23, v24;
	v7 =	vshll.u32 v19, $0x10;
	v29 =	vld [tilespmem:s28+$0x6460]  }
0x36: {  	v11 =	vadd.f32 v12, v11;
	v21 =	vadd.f32 v4, v21;
	v4 =	vand.u32 $0xFFFF0000, v5;
	v23 =	vld [tilespmem:s28+$0x6410]  }
.Ltmp0:
0x37: {  	v13 =	vadd.f32 v28, v13;
	v8 =	vadd.f32 v4, v8;
	v20 =	vld [tilespmem:s28+$0x6420];
	(pc) =	sbr.rel @p0 .LBB2_2-.Ltmp0, $4  }
0x38: {  	v17 =	vadd.f32 v25, v17;
	v16 =	vadd.f32 v7, v16;
	v4 =	vand.u32 $0xFFFF0000, v14  }
0x39: {  	v25 =	vld [tilespmem:s28+$0x6400];
	v10 =	vadd.f32 v4, v10;
	v7 =	vand.u32 $0xFFFF0000, v26;
	v4 =	vshll.u32 v26, $0x10  }
0x3a: {  	v12 =	vshll.u32 v14, $0x10;
	v26 =	vand.u32 $0xFFFF0000, v27;
	v19 =	vld [tilespmem:s28+$0x6430];
	v28 =	vshll.u32 v29, $0x10;
	v5 =	vmovc v29  }
0x3b: {  	v14 =	vshll.u32 v27, $0x10;
	v9 =	vadd.f32 v26, v9;
	v3 =	vadd.f32 v28, v3  }
0x3c: {  	_ =	sdelay $0x1  }
0x3d: {  	v26 =	vand.u32 $0xFFFF0000, v25  }
0x3e: {  	v13 =	vadd.f32 v26, v13;
	_ =	sdelay $0x1  }
0x3f: {  	v13 =	vmul.f32 $9.999999770e-03, v13;
	_ =	sdelay $0x1  }
0x40: {  	v13 =	vadd.f32 v13, v0;
	_ =	sdelay $0x1  }
0x41: {  	v26 =	vsub.f32 $0.0e+00, v13;
	_ =	sdelay $0x1  }
0x42: {  	v26 =	vmul.f32 $1.442695020e+00, v26;
	_ =	sdelay $0x1  }
0x43: {  	(erf) = vpow2.f32 v26;
	_ =	sdelay $0x5  }
0x44: {  	v25 =	vshll.u32 v25, $0x10  }
0x45: {  	v24 =	vadd.f32 v25, v24;
	_ =	sdelay $0x1  }
0x46: {  	v24 =	vsub.f32 $0.0e+00, v24;
	v25 =	vpop (erf)  }
0x47: {  	v25 =	vadd.f32 $1.000000000e+00, v25  }
0x48: {  	v24 =	vmul.f32 $1.442695020e+00, v24  }
0x49: {  	(erf) = vrcp.f32 v25  }
0x4a: {  	(erf) = vpow2.f32 v24;
	_ =	sdelay $0x1  }
0x4b: {  	v24 =	vand.u32 $0xFFFF0000, v23  }
0x4c: {  	v15 =	vadd.f32 v24, v15;
	_ =	sdelay $0x1  }
0x4d: {  	v15 =	vmul.f32 $9.999999770e-03, v15;
	_ =	sdelay $0x1  }
0x4e: {  	v15 =	vadd.f32 v15, v0  }
0x4f: {  	v24 =	vpop (erf)  }
0x50: {  	v26 =	vsub.f32 $0.0e+00, v15;
	v25 =	vpop (erf)  }
0x51: {  	v25 =	vadd.f32 $1.000000000e+00, v25  }
0x52: {  	v26 =	vmul.f32 $1.442695020e+00, v26  }
0x53: {  	(erf) = vrcp.f32 v25  }
0x54: {  	(erf) = vpow2.f32 v26;
	_ =	sdelay $0x4  }
0x55: {  	v23 =	vshll.u32 v23, $0x10;
	_ =	sdelay $0x1  }
0x56: {  	v22 =	vadd.f32 v23, v22  }
0x57: {  	v23 =	vpop (erf)  }
0x58: {  	v22 =	vsub.f32 $0.0e+00, v22;
	v25 =	vpop (erf)  }
0x59: {  	v25 =	vadd.f32 $1.000000000e+00, v25  }
0x5a: {  	v22 =	vmul.f32 $1.442695020e+00, v22  }
0x5b: {  	(erf) = vrcp.f32 v25  }
0x5c: {  	(erf) = vpow2.f32 v22;
	_ =	sdelay $0x1  }
0x5d: {  	v22 =	vand.u32 $0xFFFF0000, v20  }
0x5e: {  	v21 =	vadd.f32 v22, v21;
	_ =	sdelay $0x1  }
0x5f: {  	v21 =	vmul.f32 $9.999999770e-03, v21;
	_ =	sdelay $0x1  }
0x60: {  	v21 =	vadd.f32 v21, v0  }
0x61: {  	v22 =	vpop (erf)  }
0x62: {  	v26 =	vsub.f32 $0.0e+00, v21;
	v25 =	vpop (erf)  }
0x63: {  	v25 =	vadd.f32 $1.000000000e+00, v25  }
0x64: {  	v26 =	vmul.f32 $1.442695020e+00, v26  }
0x65: {  	(erf) = vrcp.f32 v25  }
0x66: {  	(erf) = vpow2.f32 v26;
	_ =	sdelay $0x4  }
0x67: {  	v20 =	vshll.u32 v20, $0x10;
	_ =	sdelay $0x1  }
0x68: {  	v18 =	vadd.f32 v20, v18  }
0x69: {  	v20 =	vpop (erf)  }
0x6a: {  	v18 =	vsub.f32 $0.0e+00, v18;
	v25 =	vpop (erf)  }
0x6b: {  	v25 =	vadd.f32 $1.000000000e+00, v25  }
0x6c: {  	v18 =	vmul.f32 $1.442695020e+00, v18  }
0x6d: {  	(erf) = vrcp.f32 v25  }
0x6e: {  	(erf) = vpow2.f32 v18;
	_ =	sdelay $0x1  }
0x6f: {  	v18 =	vand.u32 $0xFFFF0000, v19  }
0x70: {  	v17 =	vadd.f32 v18, v17;
	_ =	sdelay $0x1  }
0x71: {  	v17 =	vmul.f32 $9.999999770e-03, v17;
	_ =	sdelay $0x1  }
0x72: {  	v17 =	vadd.f32 v17, v0  }
0x73: {  	v18 =	vpop (erf)  }
0x74: {  	v26 =	vsub.f32 $0.0e+00, v17;
	v25 =	vpop (erf)  }
0x75: {  	v25 =	vadd.f32 $1.000000000e+00, v25  }
0x76: {  	v26 =	vmul.f32 $1.442695020e+00, v26  }
0x77: {  	(erf) = vrcp.f32 v25  }
0x78: {  	(erf) = vpow2.f32 v26;
	_ =	sdelay $0x4  }
0x79: {  	v19 =	vshll.u32 v19, $0x10;
	_ =	sdelay $0x1  }
0x7a: {  	v16 =	vadd.f32 v19, v16  }
0x7b: {  	v19 =	vpop (erf)  }
0x7c: {  	v16 =	vsub.f32 $0.0e+00, v16;
	v25 =	vpop (erf)  }
0x7d: {  	v25 =	vadd.f32 $1.000000000e+00, v25  }
0x7e: {  	v16 =	vmul.f32 $1.442695020e+00, v16  }
0x7f: {  	(erf) = vrcp.f32 v25  }
0x80: {  	(erf) = vpow2.f32 v16;
	_ =	sdelay $0x4  }
0x81: {  	v10 =	vmul.f32 $9.999999770e-03, v10;
	_ =	sdelay $0x1  }
0x82: {  	v10 =	vadd.f32 v10, v0  }
0x83: {  	v16 =	vpop (erf)  }
0x84: {  	v26 =	vsub.f32 $0.0e+00, v10;
	v25 =	vpop (erf)  }
0x85: {  	v25 =	vadd.f32 $1.000000000e+00, v25  }
0x86: {  	v26 =	vmul.f32 $1.442695020e+00, v26  }
0x87: {  	(erf) = vrcp.f32 v25  }
0x88: {  	(erf) = vpow2.f32 v26;
	_ =	sdelay $0x6  }
0x89: {  	v11 =	vadd.f32 v12, v11  }
0x8a: {  	v12 =	vpop (erf)  }
0x8b: {  	v11 =	vsub.f32 $0.0e+00, v11;
	v25 =	vpop (erf)  }
0x8c: {  	v25 =	vadd.f32 $1.000000000e+00, v25  }
0x8d: {  	v11 =	vmul.f32 $1.442695020e+00, v11  }
0x8e: {  	(erf) = vrcp.f32 v25  }
0x8f: {  	(erf) = vpow2.f32 v11;
	_ =	sdelay $0x4  }
0x90: {  	v9 =	vmul.f32 $9.999999770e-03, v9;
	_ =	sdelay $0x1  }
0x91: {  	v9 =	vadd.f32 v9, v0  }
0x92: {  	v11 =	vpop (erf)  }
0x93: {  	v26 =	vsub.f32 $0.0e+00, v9;
	v25 =	vpop (erf)  }
0x94: {  	v25 =	vadd.f32 $1.000000000e+00, v25  }
0x95: {  	v26 =	vmul.f32 $1.442695020e+00, v26  }
0x96: {  	(erf) = vrcp.f32 v25  }
0x97: {  	(erf) = vpow2.f32 v26;
	_ =	sdelay $0x6  }
0x98: {  	v6 =	vadd.f32 v14, v6  }
0x99: {  	v14 =	vpop (erf)  }
0x9a: {  	v6 =	vsub.f32 $0.0e+00, v6;
	v25 =	vpop (erf)  }
0x9b: {  	v25 =	vadd.f32 $1.000000000e+00, v25  }
0x9c: {  	v6 =	vmul.f32 $1.442695020e+00, v6  }
0x9d: {  	(erf) = vrcp.f32 v25  }
0x9e: {  	(erf) = vpow2.f32 v6;
	_ =	sdelay $0x1  }
0x9f: {  	v5 =	vand.u32 $0xFFFF0000, v5  }
0xa0: {  	v5 =	vadd.f32 v5, v8;
	_ =	sdelay $0x1  }
0xa1: {  	v5 =	vmul.f32 $9.999999770e-03, v5;
	_ =	sdelay $0x1  }
0xa2: {  	v5 =	vadd.f32 v5, v0  }
0xa3: {  	v6 =	vpop (erf)  }
0xa4: {  	v25 =	vsub.f32 $0.0e+00, v5;
	v8 =	vpop (erf)  }
0xa5: {  	v8 =	vadd.f32 $1.000000000e+00, v8  }
0xa6: {  	v25 =	vmul.f32 $1.442695020e+00, v25  }
0xa7: {  	(erf) = vrcp.f32 v8  }
0xa8: {  	(erf) = vpow2.f32 v25;
	_ =	sdelay $0x7  }
0xa9: {  	v8 =	vpop (erf)  }
0xaa: {  	v3 =	vsub.f32 $0.0e+00, v3;
	v25 =	vpop (erf)  }
0xab: {  	v25 =	vadd.f32 $1.000000000e+00, v25  }
0xac: {  	v3 =	vmul.f32 $1.442695020e+00, v3  }
0xad: {  	(erf) = vrcp.f32 v25  }
0xae: {  	(erf) = vpow2.f32 v3;
	_ =	sdelay $0x2  }
0xaf: {  	v1 =	vadd.f32 v7, v1;
	_ =	sdelay $0x1  }
0xb0: {  	v1 =	vmul.f32 $9.999999770e-03, v1;
	_ =	sdelay $0x1  }
0xb1: {  	v1 =	vadd.f32 v1, v0  }
0xb2: {  	v3 =	vpop (erf)  }
0xb3: {  	v25 =	vsub.f32 $0.0e+00, v1;
	v7 =	vpop (erf)  }
0xb4: {  	v7 =	vadd.f32 $1.000000000e+00, v7  }
0xb5: {  	v25 =	vmul.f32 $1.442695020e+00, v25  }
0xb6: {  	(erf) = vrcp.f32 v7  }
0xb7: {  	(erf) = vpow2.f32 v25;
	_ =	sdelay $0x6  }
0xb8: {  	v2 =	vadd.f32 v4, v2  }
0xb9: {  	v4 =	vpop (erf)  }
0xba: {  	v2 =	vsub.f32 $0.0e+00, v2;
	v7 =	vpop (erf)  }
0xbb: {  	v7 =	vadd.f32 $1.000000000e+00, v7  }
0xbc: {  	v2 =	vmul.f32 $1.442695020e+00, v2  }
0xbd: {  	(erf) = vrcp.f32 v7  }
0xbe: {  	(erf) = vpow2.f32 v2  }
0xbf: {  	[tilespmem:$0xCA40] =	vst v10;
	v2 =	vadd.f32 $2.000000030e-01, v23  }
0xc0: {  	[tilespmem:$0xCA50] =	vst v9  }
0xc1: {  	[tilespmem:$0xCC00] =	vst v2;
	v2 =	vadd.f32 $2.000000030e-01, v20  }
0xc2: {  	[tilespmem:$0xCA70] =	vst v1  }
0xc3: {  	[tilespmem:$0xCC10] =	vst v2;
	v2 =	vadd.f32 $2.000000030e-01, v19  }
0xc4: {  	[tilespmem:$0xCA60] =	vst v5  }
0xc5: {  	[tilespmem:$0xCA00] =	vst v13  }
0xc6: {  	[tilespmem:$0xCA10] =	vst v15;
	v7 =	vpop (erf)  }
0xc7: {  	[tilespmem:$0xCC20] =	vst v2;
	v2 =	vpop (erf)  }
0xc8: {  	[tilespmem:$0xC800] =	vst v24;
	v2 =	vadd.f32 $1.000000000e+00, v2  }
0xc9: {  	[tilespmem:$0xCA20] =	vst v21  }
0xca: {  	[tilespmem:$0xC810] =	vst v22;
	(erf) = vrcp.f32 v2  }
0xcb: {  	[tilespmem:$0xCA30] =	vst v17;
	v2 =	vadd.f32 $2.000000030e-01, v14  }
0xcc: {  	[tilespmem:$0xC820] =	vst v18  }
0xcd: {  	[tilespmem:$0xCC40] =	vst v2;
	v2 =	vadd.f32 $2.000000030e-01, v8  }
0xce: {  	[tilespmem:$0xC830] =	vst v16;
	v12 =	vadd.f32 $2.000000030e-01, v12  }
0xcf: {  	[tilespmem:$0xCC50] =	vst v2;
	v2 =	vadd.f32 $2.000000030e-01, v4  }
0xd0: {  	[tilespmem:$0xCC30] =	vst v12  }
0xd1: {  	[tilespmem:$0xC840] =	vst v11  }
0xd2: {  	[tilespmem:$0xC850] =	vst v6  }
0xd3: {  	[tilespmem:$0xCC60] =	vst v2;
	v2 =	vpop (erf)  }
0xd4: {  	[tilespmem:$0xC860] =	vst v3;
	v2 =	vadd.f32 $2.000000030e-01, v2  }
0xd5: {  	[tilespmem:$0xC870] =	vst v7  }
0xd6: {  	[tilespmem:$0xCC70] =	vst v2  }
0xd7: {  	_ =	swait.ge [sflag:s20], $0x3200  }
0xd8: {  	[sflag:s20] =	ssyncset.done $0x0  }
0xd9: {  	[sflag:s20] =	ssyncadd.s32 $0xFFFFCE00  }
0xda: {  	_ =	swait.ge [sflag:s21], $0x3200  }
0xdb: {  	[sflag:s21] =	ssyncset.done $0x0  }
0xdc: {  	s26 =	simm.s32 $0x0;
	[sflag:s21] =	ssyncadd.s32 $0xFFFFCE00  }
0xdd: {  	[tilespmem:s16], [sflag:$0x3] =	stream.indirect.gather [hbm4b:s3+s15], $0x1, s26, s15, $0xb8;
	[tilespmem:$0xCE80] =	vst v63  }
0xde: {  	s28 =	simm.s32 $0x0  }
0xdf: {  	[tilespmem:s15], [sflag:$0x2] =	stream.linear.gather [hbm4b:s8+s26], $0x3200, $0x38;
	[tilespmem:$0xCE80] =	vst v63  }
0xe0: {  	v3 =	vld [tilespmem:s28+$0x9640]  }
0xe1: {  	v4 =	vld [tilespmem:s28+$0x9670]  }
0xe2: {  	v13 =	vimm.f32 $0.0e+00;
	v15 =	vimm.f32 $0.0e+00;
	v2 =	vld [tilespmem:s28+$0x9650]  }
0xe3: {  	v24 =	vimm.f32 $0.0e+00;
	v21 =	vimm.f32 $0.0e+00;
	v22 =	vimm.f32 $0.0e+00;
	v5 =	vld [tilespmem:s28+$0x9660]  }
0xe4: {  	v17 =	vimm.f32 $0.0e+00;
	v18 =	vimm.f32 $0.0e+00;
	v16 =	vimm.f32 $0.0e+00  }
0xe5: {  	v11 =	vimm.f32 $0.0e+00;
	v1 =	vimm.f32 $0.0e+00;
	v8 =	vimm.f32 $0.0e+00;
	v23 =	vld [tilespmem:s28+$0x9610]  }
0xe6: {  	v20 =	vld [tilespmem:s28+$0x9620];
	v6 =	vand.u32 $0xFFFF0000, v3;
	v7 =	vand.u32 $0xFFFF0000, v4;
	v4 =	vshll.u32 v4, $0x10  }
0xe7: {  	v25 =	vld [tilespmem:s28+$0x9600];
	v12 =	vshll.u32 v3, $0x10;
	v3 =	vand.u32 $0xFFFF0000, v2;
	v14 =	vshll.u32 v2, $0x10  }
0xe8: {  	v19 =	vld [tilespmem:s28+$0x9630];
	v2 =	vimm.f32 $0.0e+00;
	v10 =	vadd.f32 v6, v1;
	v6 =	vshll.u32 v5, $0x10  }
0xe9: {  	s26 =	simm.s32 $0x200;
	v9 =	vadd.f32 v3, v1;
	v3 =	vadd.f32 v6, v1;
	v6 =	vimm.f32 $0.0e+00  }
.LBB2_4:
0xea: {  	s28 =	sshra.s32 s26, $0x2;
	p0 =	sne.s32 s26, $0xC600;
	s26 =	sadd.s32 $0x200, s26;
	v26 =	vand.u32 $0xFFFF0000, v23;
	v1 =	vadd.f32 v7, v1;
	v2 =	vadd.f32 v4, v2  }
0xeb: {  	v4 =	vshll.u32 v23, $0x10;
	v7 =	vshll.u32 v20, $0x10;
	v6 =	vadd.f32 v14, v6;
	v27 =	vld [tilespmem:s28+$0x9650]  }
0xec: {  	v15 =	vadd.f32 v26, v15;
	v14 =	vld [tilespmem:s28+$0x9640];
	v28 =	vand.u32 $0xFFFF0000, v25;
	v23 =	vshll.u32 v25, $0x10  }
0xed: {  	v22 =	vadd.f32 v4, v22;
	v4 =	vand.u32 $0xFFFF0000, v20;
	v26 =	vld [tilespmem:s28+$0x9670];
	v25 =	vand.u32 $0xFFFF0000, v19  }
0xee: {  	v18 =	vadd.f32 v7, v18;
	v24 =	vadd.f32 v23, v24;
	v7 =	vshll.u32 v19, $0x10;
	v29 =	vld [tilespmem:s28+$0x9660]  }
0xef: {  	v11 =	vadd.f32 v12, v11;
	v21 =	vadd.f32 v4, v21;
	v4 =	vand.u32 $0xFFFF0000, v5;
	v23 =	vld [tilespmem:s28+$0x9610]  }
.Ltmp1:
0xf0: {  	v13 =	vadd.f32 v28, v13;
	v8 =	vadd.f32 v4, v8;
	v20 =	vld [tilespmem:s28+$0x9620];
	(pc) =	sbr.rel @p0 .LBB2_4-.Ltmp1, $4  }
0xf1: {  	v17 =	vadd.f32 v25, v17;
	v16 =	vadd.f32 v7, v16;
	v4 =	vand.u32 $0xFFFF0000, v14  }
0xf2: {  	v25 =	vld [tilespmem:s28+$0x9600];
	v10 =	vadd.f32 v4, v10;
	v7 =	vand.u32 $0xFFFF0000, v26;
	v4 =	vshll.u32 v26, $0x10  }
0xf3: {  	v12 =	vshll.u32 v14, $0x10;
	v26 =	vand.u32 $0xFFFF0000, v27;
	v19 =	vld [tilespmem:s28+$0x9630];
	v28 =	vshll.u32 v29, $0x10;
	v5 =	vmovc v29  }
0xf4: {  	v14 =	vshll.u32 v27, $0x10;
	v9 =	vadd.f32 v26, v9;
	v3 =	vadd.f32 v28, v3  }
0xf5: {  	_ =	sdelay $0x1  }
0xf6: {  	v26 =	vand.u32 $0xFFFF0000, v25  }
0xf7: {  	v13 =	vadd.f32 v26, v13;
	_ =	sdelay $0x1  }
0xf8: {  	v13 =	vmul.f32 $9.999999770e-03, v13;
	_ =	sdelay $0x1  }
0xf9: {  	v13 =	vadd.f32 v13, v0;
	_ =	sdelay $0x1  }
0xfa: {  	v26 =	vsub.f32 $0.0e+00, v13;
	_ =	sdelay $0x1  }
0xfb: {  	v26 =	vmul.f32 $1.442695020e+00, v26;
	_ =	sdelay $0x1  }
0xfc: {  	(erf) = vpow2.f32 v26;
	_ =	sdelay $0x5  }
0xfd: {  	v25 =	vshll.u32 v25, $0x10  }
0xfe: {  	v24 =	vadd.f32 v25, v24;
	_ =	sdelay $0x1  }
0xff: {  	v24 =	vsub.f32 $0.0e+00, v24;
	v25 =	vpop (erf)  }
0x100: {  	v25 =	vadd.f32 $1.000000000e+00, v25  }
0x101: {  	v24 =	vmul.f32 $1.442695020e+00, v24  }
0x102: {  	(erf) = vrcp.f32 v25  }
0x103: {  	(erf) = vpow2.f32 v24;
	_ =	sdelay $0x1  }
0x104: {  	v24 =	vand.u32 $0xFFFF0000, v23  }
0x105: {  	v15 =	vadd.f32 v24, v15;
	_ =	sdelay $0x1  }
0x106: {  	v15 =	vmul.f32 $9.999999770e-03, v15;
	_ =	sdelay $0x1  }
0x107: {  	v15 =	vadd.f32 v15, v0  }
0x108: {  	v24 =	vpop (erf)  }
0x109: {  	v26 =	vsub.f32 $0.0e+00, v15;
	v25 =	vpop (erf)  }
0x10a: {  	v25 =	vadd.f32 $1.000000000e+00, v25  }
0x10b: {  	v26 =	vmul.f32 $1.442695020e+00, v26  }
0x10c: {  	(erf) = vrcp.f32 v25  }
0x10d: {  	(erf) = vpow2.f32 v26;
	_ =	sdelay $0x4  }
0x10e: {  	v23 =	vshll.u32 v23, $0x10;
	_ =	sdelay $0x1  }
0x10f: {  	v22 =	vadd.f32 v23, v22  }
0x110: {  	v23 =	vpop (erf)  }
0x111: {  	v22 =	vsub.f32 $0.0e+00, v22;
	v25 =	vpop (erf)  }
0x112: {  	v25 =	vadd.f32 $1.000000000e+00, v25  }
0x113: {  	v22 =	vmul.f32 $1.442695020e+00, v22  }
0x114: {  	(erf) = vrcp.f32 v25  }
0x115: {  	(erf) = vpow2.f32 v22;
	_ =	sdelay $0x1  }
0x116: {  	v22 =	vand.u32 $0xFFFF0000, v20  }
0x117: {  	v21 =	vadd.f32 v22, v21;
	_ =	sdelay $0x1  }
0x118: {  	v21 =	vmul.f32 $9.999999770e-03, v21;
	_ =	sdelay $0x1  }
0x119: {  	v21 =	vadd.f32 v21, v0  }
0x11a: {  	v22 =	vpop (erf)  }
0x11b: {  	v26 =	vsub.f32 $0.0e+00, v21;
	v25 =	vpop (erf)  }
0x11c: {  	v25 =	vadd.f32 $1.000000000e+00, v25  }
0x11d: {  	v26 =	vmul.f32 $1.442695020e+00, v26  }
0x11e: {  	(erf) = vrcp.f32 v25  }
0x11f: {  	(erf) = vpow2.f32 v26;
	_ =	sdelay $0x4  }
0x120: {  	v20 =	vshll.u32 v20, $0x10;
	_ =	sdelay $0x1  }
0x121: {  	v18 =	vadd.f32 v20, v18  }
0x122: {  	v20 =	vpop (erf)  }
0x123: {  	v18 =	vsub.f32 $0.0e+00, v18;
	v25 =	vpop (erf)  }
0x124: {  	v25 =	vadd.f32 $1.000000000e+00, v25  }
0x125: {  	v18 =	vmul.f32 $1.442695020e+00, v18  }
0x126: {  	(erf) = vrcp.f32 v25  }
0x127: {  	(erf) = vpow2.f32 v18;
	_ =	sdelay $0x1  }
0x128: {  	v18 =	vand.u32 $0xFFFF0000, v19  }
0x129: {  	v17 =	vadd.f32 v18, v17;
	_ =	sdelay $0x1  }
0x12a: {  	v17 =	vmul.f32 $9.999999770e-03, v17;
	_ =	sdelay $0x1  }
0x12b: {  	v17 =	vadd.f32 v17, v0  }
0x12c: {  	v18 =	vpop (erf)  }
0x12d: {  	v26 =	vsub.f32 $0.0e+00, v17;
	v25 =	vpop (erf)  }
0x12e: {  	v25 =	vadd.f32 $1.000000000e+00, v25  }
0x12f: {  	v26 =	vmul.f32 $1.442695020e+00, v26  }
0x130: {  	(erf) = vrcp.f32 v25  }
0x131: {  	(erf) = vpow2.f32 v26;
	_ =	sdelay $0x4  }
0x132: {  	v19 =	vshll.u32 v19, $0x10;
	_ =	sdelay $0x1  }
0x133: {  	v16 =	vadd.f32 v19, v16  }
0x134: {  	v19 =	vpop (erf)  }
0x135: {  	v16 =	vsub.f32 $0.0e+00, v16;
	v25 =	vpop (erf)  }
0x136: {  	v25 =	vadd.f32 $1.000000000e+00, v25  }
0x137: {  	v16 =	vmul.f32 $1.442695020e+00, v16  }
0x138: {  	(erf) = vrcp.f32 v25  }
0x139: {  	(erf) = vpow2.f32 v16;
	_ =	sdelay $0x4  }
0x13a: {  	v10 =	vmul.f32 $9.999999770e-03, v10;
	_ =	sdelay $0x1  }
0x13b: {  	v10 =	vadd.f32 v10, v0  }
0x13c: {  	v16 =	vpop (erf)  }
0x13d: {  	v26 =	vsub.f32 $0.0e+00, v10;
	v25 =	vpop (erf)  }
0x13e: {  	v25 =	vadd.f32 $1.000000000e+00, v25  }
0x13f: {  	v26 =	vmul.f32 $1.442695020e+00, v26  }
0x140: {  	(erf) = vrcp.f32 v25  }
0x141: {  	(erf) = vpow2.f32 v26;
	_ =	sdelay $0x6  }
0x142: {  	v11 =	vadd.f32 v12, v11  }
0x143: {  	v12 =	vpop (erf)  }
0x144: {  	v11 =	vsub.f32 $0.0e+00, v11;
	v25 =	vpop (erf)  }
0x145: {  	v25 =	vadd.f32 $1.000000000e+00, v25  }
0x146: {  	v11 =	vmul.f32 $1.442695020e+00, v11  }
0x147: {  	(erf) = vrcp.f32 v25  }
0x148: {  	(erf) = vpow2.f32 v11;
	_ =	sdelay $0x4  }
0x149: {  	v9 =	vmul.f32 $9.999999770e-03, v9;
	_ =	sdelay $0x1  }
0x14a: {  	v9 =	vadd.f32 v9, v0  }
0x14b: {  	v11 =	vpop (erf)  }
0x14c: {  	v26 =	vsub.f32 $0.0e+00, v9;
	v25 =	vpop (erf)  }
0x14d: {  	v25 =	vadd.f32 $1.000000000e+00, v25  }
0x14e: {  	v26 =	vmul.f32 $1.442695020e+00, v26  }
0x14f: {  	(erf) = vrcp.f32 v25  }
0x150: {  	(erf) = vpow2.f32 v26;
	_ =	sdelay $0x6  }
0x151: {  	v6 =	vadd.f32 v14, v6  }
0x152: {  	v14 =	vpop (erf)  }
0x153: {  	v6 =	vsub.f32 $0.0e+00, v6;
	v25 =	vpop (erf)  }
0x154: {  	v25 =	vadd.f32 $1.000000000e+00, v25  }
0x155: {  	v6 =	vmul.f32 $1.442695020e+00, v6  }
0x156: {  	(erf) = vrcp.f32 v25  }
0x157: {  	(erf) = vpow2.f32 v6;
	_ =	sdelay $0x1  }
0x158: {  	v5 =	vand.u32 $0xFFFF0000, v5  }
0x159: {  	v5 =	vadd.f32 v5, v8;
	_ =	sdelay $0x1  }
0x15a: {  	v5 =	vmul.f32 $9.999999770e-03, v5;
	_ =	sdelay $0x1  }
0x15b: {  	v5 =	vadd.f32 v5, v0  }
0x15c: {  	v6 =	vpop (erf)  }
0x15d: {  	v25 =	vsub.f32 $0.0e+00, v5;
	v8 =	vpop (erf)  }
0x15e: {  	v8 =	vadd.f32 $1.000000000e+00, v8  }
0x15f: {  	v25 =	vmul.f32 $1.442695020e+00, v25  }
0x160: {  	(erf) = vrcp.f32 v8  }
0x161: {  	(erf) = vpow2.f32 v25;
	_ =	sdelay $0x7  }
0x162: {  	v8 =	vpop (erf)  }
0x163: {  	v3 =	vsub.f32 $0.0e+00, v3;
	v25 =	vpop (erf)  }
0x164: {  	v25 =	vadd.f32 $1.000000000e+00, v25  }
0x165: {  	v3 =	vmul.f32 $1.442695020e+00, v3  }
0x166: {  	(erf) = vrcp.f32 v25  }
0x167: {  	(erf) = vpow2.f32 v3;
	_ =	sdelay $0x2  }
0x168: {  	v1 =	vadd.f32 v7, v1;
	_ =	sdelay $0x1  }
0x169: {  	v1 =	vmul.f32 $9.999999770e-03, v1;
	_ =	sdelay $0x1  }
0x16a: {  	v1 =	vadd.f32 v1, v0  }
0x16b: {  	v3 =	vpop (erf)  }
0x16c: {  	v25 =	vsub.f32 $0.0e+00, v1;
	v7 =	vpop (erf)  }
0x16d: {  	v7 =	vadd.f32 $1.000000000e+00, v7  }
0x16e: {  	v25 =	vmul.f32 $1.442695020e+00, v25  }
0x16f: {  	(erf) = vrcp.f32 v7  }
0x170: {  	(erf) = vpow2.f32 v25;
	_ =	sdelay $0x6  }
0x171: {  	v2 =	vadd.f32 v4, v2  }
0x172: {  	v4 =	vpop (erf)  }
0x173: {  	v2 =	vsub.f32 $0.0e+00, v2;
	v7 =	vpop (erf)  }
0x174: {  	v7 =	vadd.f32 $1.000000000e+00, v7  }
0x175: {  	v2 =	vmul.f32 $1.442695020e+00, v2  }
0x176: {  	(erf) = vrcp.f32 v7  }
0x177: {  	(erf) = vpow2.f32 v2  }
0x178: {  	[tilespmem:$0xCAC0] =	vst v10;
	v2 =	vadd.f32 $2.000000030e-01, v23  }
0x179: {  	[tilespmem:$0xCAD0] =	vst v9  }
0x17a: {  	[tilespmem:$0xCC80] =	vst v2;
	v2 =	vadd.f32 $2.000000030e-01, v20  }
0x17b: {  	[tilespmem:$0xCAF0] =	vst v1  }
0x17c: {  	[tilespmem:$0xCC90] =	vst v2;
	v2 =	vadd.f32 $2.000000030e-01, v19  }
0x17d: {  	[tilespmem:$0xCAE0] =	vst v5  }
0x17e: {  	[tilespmem:$0xCA80] =	vst v13  }
0x17f: {  	[tilespmem:$0xCA90] =	vst v15;
	v7 =	vpop (erf)  }
0x180: {  	[tilespmem:$0xCCA0] =	vst v2;
	v2 =	vpop (erf)  }
0x181: {  	[tilespmem:$0xC880] =	vst v24;
	v2 =	vadd.f32 $1.000000000e+00, v2  }
0x182: {  	[tilespmem:$0xCAA0] =	vst v21  }
0x183: {  	[tilespmem:$0xC890] =	vst v22;
	(erf) = vrcp.f32 v2  }
0x184: {  	[tilespmem:$0xCAB0] =	vst v17;
	v2 =	vadd.f32 $2.000000030e-01, v14  }
0x185: {  	[tilespmem:$0xC8A0] =	vst v18  }
0x186: {  	[tilespmem:$0xCCC0] =	vst v2;
	v2 =	vadd.f32 $2.000000030e-01, v8  }
0x187: {  	[tilespmem:$0xC8B0] =	vst v16;
	v12 =	vadd.f32 $2.000000030e-01, v12  }
0x188: {  	[tilespmem:$0xCCD0] =	vst v2;
	v2 =	vadd.f32 $2.000000030e-01, v4  }
0x189: {  	[tilespmem:$0xCCB0] =	vst v12  }
0x18a: {  	[tilespmem:$0xC8C0] =	vst v11  }
0x18b: {  	[tilespmem:$0xC8D0] =	vst v6  }
0x18c: {  	[tilespmem:$0xCCE0] =	vst v2;
	v2 =	vpop (erf)  }
0x18d: {  	[tilespmem:$0xC8E0] =	vst v3;
	v2 =	vadd.f32 $2.000000030e-01, v2  }
0x18e: {  	[tilespmem:$0xC8F0] =	vst v7  }
0x18f: {  	[tilespmem:$0xCCF0] =	vst v2  }
0x190: {  	_ =	swait.ge [sflag:s17], $0x3200  }
0x191: {  	[sflag:s17] =	ssyncset.done $0x0  }
0x192: {  	[sflag:s17] =	ssyncadd.s32 $0xFFFFCE00  }
0x193: {  	_ =	swait.ge [sflag:s18], $0x3200  }
0x194: {  	[sflag:s18] =	ssyncset.done $0x0  }
0x195: {  	s28 =	simm.s32 $0x0;
	[sflag:s18] =	ssyncadd.s32 $0xFFFFCE00  }
0x196: {  	[tilespmem:s19], [sflag:$0x4] =	stream.indirect.gather [hbm4b:s3+s15], $0x1, s15, s15, $0xb8;
	[tilespmem:$0xCE80] =	vst v63  }
0x197: {  	v3 =	vld [tilespmem:s28+$0x6440]  }
0x198: {  	v4 =	vld [tilespmem:s28+$0x6470]  }
0x199: {  	v13 =	vimm.f32 $0.0e+00;
	v15 =	vimm.f32 $0.0e+00;
	v2 =	vld [tilespmem:s28+$0x6450]  }
0x19a: {  	v24 =	vimm.f32 $0.0e+00;
	v21 =	vimm.f32 $0.0e+00;
	v22 =	vimm.f32 $0.0e+00;
	v5 =	vld [tilespmem:s28+$0x6460]  }
0x19b: {  	v17 =	vimm.f32 $0.0e+00;
	v18 =	vimm.f32 $0.0e+00;
	v16 =	vimm.f32 $0.0e+00  }
0x19c: {  	v11 =	vimm.f32 $0.0e+00;
	v1 =	vimm.f32 $0.0e+00;
	v8 =	vimm.f32 $0.0e+00;
	v23 =	vld [tilespmem:s28+$0x6410]  }
0x19d: {  	v20 =	vld [tilespmem:s28+$0x6420];
	v6 =	vand.u32 $0xFFFF0000, v3;
	v7 =	vand.u32 $0xFFFF0000, v4;
	v4 =	vshll.u32 v4, $0x10  }
0x19e: {  	v25 =	vld [tilespmem:s28+$0x6400];
	v12 =	vshll.u32 v3, $0x10;
	v3 =	vand.u32 $0xFFFF0000, v2;
	v14 =	vshll.u32 v2, $0x10  }
0x19f: {  	v19 =	vld [tilespmem:s28+$0x6430];
	v2 =	vimm.f32 $0.0e+00;
	v10 =	vadd.f32 v6, v1;
	v6 =	vshll.u32 v5, $0x10  }
0x1a0: {  	s26 =	simm.s32 $0x200;
	v9 =	vadd.f32 v3, v1;
	v3 =	vadd.f32 v6, v1;
	v6 =	vimm.f32 $0.0e+00  }
.LBB2_6:
0x1a1: {  	s28 =	sshra.s32 s26, $0x2;
	p0 =	sne.s32 s26, $0xC600;
	s26 =	sadd.s32 $0x200, s26;
	v26 =	vand.u32 $0xFFFF0000, v23;
	v1 =	vadd.f32 v7, v1;
	v2 =	vadd.f32 v4, v2  }
0x1a2: {  	v4 =	vshll.u32 v23, $0x10;
	v7 =	vshll.u32 v20, $0x10;
	v6 =	vadd.f32 v14, v6;
	v27 =	vld [tilespmem:s28+$0x6450]  }
0x1a3: {  	v15 =	vadd.f32 v26, v15;
	v14 =	vld [tilespmem:s28+$0x6440];
	v28 =	vand.u32 $0xFFFF0000, v25;
	v23 =	vshll.u32 v25, $0x10  }
0x1a4: {  	v22 =	vadd.f32 v4, v22;
	v4 =	vand.u32 $0xFFFF0000, v20;
	v26 =	vld [tilespmem:s28+$0x6470];
	v25 =	vand.u32 $0xFFFF0000, v19  }
0x1a5: {  	v18 =	vadd.f32 v7, v18;
	v24 =	vadd.f32 v23, v24;
	v7 =	vshll.u32 v19, $0x10;
	v29 =	vld [tilespmem:s28+$0x6460]  }
0x1a6: {  	v11 =	vadd.f32 v12, v11;
	v21 =	vadd.f32 v4, v21;
	v4 =	vand.u32 $0xFFFF0000, v5;
	v23 =	vld [tilespmem:s28+$0x6410]  }
.Ltmp2:
0x1a7: {  	v13 =	vadd.f32 v28, v13;
	v8 =	vadd.f32 v4, v8;
	v20 =	vld [tilespmem:s28+$0x6420];
	(pc) =	sbr.rel @p0 .LBB2_6-.Ltmp2, $4  }
0x1a8: {  	v17 =	vadd.f32 v25, v17;
	v16 =	vadd.f32 v7, v16;
	v4 =	vand.u32 $0xFFFF0000, v14  }
0x1a9: {  	v25 =	vld [tilespmem:s28+$0x6400];
	v10 =	vadd.f32 v4, v10;
	v7 =	vand.u32 $0xFFFF0000, v26;
	v4 =	vshll.u32 v26, $0x10  }
0x1aa: {  	v12 =	vshll.u32 v14, $0x10;
	v26 =	vand.u32 $0xFFFF0000, v27;
	v19 =	vld [tilespmem:s28+$0x6430];
	v28 =	vshll.u32 v29, $0x10;
	v5 =	vmovc v29  }
0x1ab: {  	v14 =	vshll.u32 v27, $0x10;
	v9 =	vadd.f32 v26, v9;
	v3 =	vadd.f32 v28, v3  }
0x1ac: {  	_ =	sdelay $0x1  }
0x1ad: {  	v26 =	vand.u32 $0xFFFF0000, v25  }
0x1ae: {  	v13 =	vadd.f32 v26, v13;
	_ =	sdelay $0x1  }
0x1af: {  	v13 =	vmul.f32 $9.999999770e-03, v13;
	_ =	sdelay $0x1  }
0x1b0: {  	v13 =	vadd.f32 v13, v0;
	_ =	sdelay $0x1  }
0x1b1: {  	v26 =	vsub.f32 $0.0e+00, v13;
	_ =	sdelay $0x1  }
0x1b2: {  	v26 =	vmul.f32 $1.442695020e+00, v26;
	_ =	sdelay $0x1  }
0x1b3: {  	(erf) = vpow2.f32 v26;
	_ =	sdelay $0x5  }
0x1b4: {  	v25 =	vshll.u32 v25, $0x10  }
0x1b5: {  	v24 =	vadd.f32 v25, v24;
	_ =	sdelay $0x1  }
0x1b6: {  	v24 =	vsub.f32 $0.0e+00, v24;
	v25 =	vpop (erf)  }
0x1b7: {  	v25 =	vadd.f32 $1.000000000e+00, v25  }
0x1b8: {  	v24 =	vmul.f32 $1.442695020e+00, v24  }
0x1b9: {  	(erf) = vrcp.f32 v25  }
0x1ba: {  	(erf) = vpow2.f32 v24;
	_ =	sdelay $0x1  }
0x1bb: {  	v24 =	vand.u32 $0xFFFF0000, v23  }
0x1bc: {  	v15 =	vadd.f32 v24, v15;
	_ =	sdelay $0x1  }
0x1bd: {  	v15 =	vmul.f32 $9.999999770e-03, v15;
	_ =	sdelay $0x1  }
0x1be: {  	v15 =	vadd.f32 v15, v0  }
0x1bf: {  	v24 =	vpop (erf)  }
0x1c0: {  	v26 =	vsub.f32 $0.0e+00, v15;
	v25 =	vpop (erf)  }
0x1c1: {  	v25 =	vadd.f32 $1.000000000e+00, v25  }
0x1c2: {  	v26 =	vmul.f32 $1.442695020e+00, v26  }
0x1c3: {  	(erf) = vrcp.f32 v25  }
0x1c4: {  	(erf) = vpow2.f32 v26;
	_ =	sdelay $0x4  }
0x1c5: {  	v23 =	vshll.u32 v23, $0x10;
	_ =	sdelay $0x1  }
0x1c6: {  	v22 =	vadd.f32 v23, v22  }
0x1c7: {  	v23 =	vpop (erf)  }
0x1c8: {  	v22 =	vsub.f32 $0.0e+00, v22;
	v25 =	vpop (erf)  }
0x1c9: {  	v25 =	vadd.f32 $1.000000000e+00, v25  }
0x1ca: {  	v22 =	vmul.f32 $1.442695020e+00, v22  }
0x1cb: {  	(erf) = vrcp.f32 v25  }
0x1cc: {  	(erf) = vpow2.f32 v22;
	_ =	sdelay $0x1  }
0x1cd: {  	v22 =	vand.u32 $0xFFFF0000, v20  }
0x1ce: {  	v21 =	vadd.f32 v22, v21;
	_ =	sdelay $0x1  }
0x1cf: {  	v21 =	vmul.f32 $9.999999770e-03, v21;
	_ =	sdelay $0x1  }
0x1d0: {  	v21 =	vadd.f32 v21, v0  }
0x1d1: {  	v22 =	vpop (erf)  }
0x1d2: {  	v26 =	vsub.f32 $0.0e+00, v21;
	v25 =	vpop (erf)  }
0x1d3: {  	v25 =	vadd.f32 $1.000000000e+00, v25  }
0x1d4: {  	v26 =	vmul.f32 $1.442695020e+00, v26  }
0x1d5: {  	(erf) = vrcp.f32 v25  }
0x1d6: {  	(erf) = vpow2.f32 v26;
	_ =	sdelay $0x4  }
0x1d7: {  	v20 =	vshll.u32 v20, $0x10;
	_ =	sdelay $0x1  }
0x1d8: {  	v18 =	vadd.f32 v20, v18  }
0x1d9: {  	v20 =	vpop (erf)  }
0x1da: {  	v18 =	vsub.f32 $0.0e+00, v18;
	v25 =	vpop (erf)  }
0x1db: {  	v25 =	vadd.f32 $1.000000000e+00, v25  }
0x1dc: {  	v18 =	vmul.f32 $1.442695020e+00, v18  }
0x1dd: {  	(erf) = vrcp.f32 v25  }
0x1de: {  	(erf) = vpow2.f32 v18;
	_ =	sdelay $0x1  }
0x1df: {  	v18 =	vand.u32 $0xFFFF0000, v19  }
0x1e0: {  	v17 =	vadd.f32 v18, v17;
	_ =	sdelay $0x1  }
0x1e1: {  	v17 =	vmul.f32 $9.999999770e-03, v17;
	_ =	sdelay $0x1  }
0x1e2: {  	v17 =	vadd.f32 v17, v0  }
0x1e3: {  	v18 =	vpop (erf)  }
0x1e4: {  	v26 =	vsub.f32 $0.0e+00, v17;
	v25 =	vpop (erf)  }
0x1e5: {  	v25 =	vadd.f32 $1.000000000e+00, v25  }
0x1e6: {  	v26 =	vmul.f32 $1.442695020e+00, v26  }
0x1e7: {  	(erf) = vrcp.f32 v25  }
0x1e8: {  	(erf) = vpow2.f32 v26;
	_ =	sdelay $0x4  }
0x1e9: {  	v19 =	vshll.u32 v19, $0x10;
	_ =	sdelay $0x1  }
0x1ea: {  	v16 =	vadd.f32 v19, v16  }
0x1eb: {  	v19 =	vpop (erf)  }
0x1ec: {  	v16 =	vsub.f32 $0.0e+00, v16;
	v25 =	vpop (erf)  }
0x1ed: {  	v25 =	vadd.f32 $1.000000000e+00, v25  }
0x1ee: {  	v16 =	vmul.f32 $1.442695020e+00, v16  }
0x1ef: {  	(erf) = vrcp.f32 v25  }
0x1f0: {  	(erf) = vpow2.f32 v16;
	_ =	sdelay $0x4  }
0x1f1: {  	v10 =	vmul.f32 $9.999999770e-03, v10;
	_ =	sdelay $0x1  }
0x1f2: {  	v10 =	vadd.f32 v10, v0  }
0x1f3: {  	v16 =	vpop (erf)  }
0x1f4: {  	v26 =	vsub.f32 $0.0e+00, v10;
	v25 =	vpop (erf)  }
0x1f5: {  	v25 =	vadd.f32 $1.000000000e+00, v25  }
0x1f6: {  	v26 =	vmul.f32 $1.442695020e+00, v26  }
0x1f7: {  	(erf) = vrcp.f32 v25  }
0x1f8: {  	(erf) = vpow2.f32 v26;
	_ =	sdelay $0x6  }
0x1f9: {  	v11 =	vadd.f32 v12, v11  }
0x1fa: {  	v12 =	vpop (erf)  }
0x1fb: {  	v11 =	vsub.f32 $0.0e+00, v11;
	v25 =	vpop (erf)  }
0x1fc: {  	v25 =	vadd.f32 $1.000000000e+00, v25  }
0x1fd: {  	v11 =	vmul.f32 $1.442695020e+00, v11  }
0x1fe: {  	(erf) = vrcp.f32 v25  }
0x1ff: {  	(erf) = vpow2.f32 v11;
	_ =	sdelay $0x4  }
0x200: {  	v9 =	vmul.f32 $9.999999770e-03, v9;
	_ =	sdelay $0x1  }
0x201: {  	v9 =	vadd.f32 v9, v0  }
0x202: {  	v11 =	vpop (erf)  }
0x203: {  	v26 =	vsub.f32 $0.0e+00, v9;
	v25 =	vpop (erf)  }
0x204: {  	v25 =	vadd.f32 $1.000000000e+00, v25  }
0x205: {  	v26 =	vmul.f32 $1.442695020e+00, v26  }
0x206: {  	(erf) = vrcp.f32 v25  }
0x207: {  	(erf) = vpow2.f32 v26;
	_ =	sdelay $0x6  }
0x208: {  	v6 =	vadd.f32 v14, v6  }
0x209: {  	v14 =	vpop (erf)  }
0x20a: {  	v6 =	vsub.f32 $0.0e+00, v6;
	v25 =	vpop (erf)  }
0x20b: {  	v25 =	vadd.f32 $1.000000000e+00, v25  }
0x20c: {  	v6 =	vmul.f32 $1.442695020e+00, v6  }
0x20d: {  	(erf) = vrcp.f32 v25  }
0x20e: {  	(erf) = vpow2.f32 v6;
	_ =	sdelay $0x1  }
0x20f: {  	v5 =	vand.u32 $0xFFFF0000, v5  }
0x210: {  	v5 =	vadd.f32 v5, v8;
	_ =	sdelay $0x1  }
0x211: {  	v5 =	vmul.f32 $9.999999770e-03, v5;
	_ =	sdelay $0x1  }
0x212: {  	v5 =	vadd.f32 v5, v0  }
0x213: {  	v6 =	vpop (erf)  }
0x214: {  	v25 =	vsub.f32 $0.0e+00, v5;
	v8 =	vpop (erf)  }
0x215: {  	v8 =	vadd.f32 $1.000000000e+00, v8  }
0x216: {  	v25 =	vmul.f32 $1.442695020e+00, v25  }
0x217: {  	(erf) = vrcp.f32 v8  }
0x218: {  	(erf) = vpow2.f32 v25;
	_ =	sdelay $0x7  }
0x219: {  	v8 =	vpop (erf)  }
0x21a: {  	v3 =	vsub.f32 $0.0e+00, v3;
	v25 =	vpop (erf)  }
0x21b: {  	v25 =	vadd.f32 $1.000000000e+00, v25  }
0x21c: {  	v3 =	vmul.f32 $1.442695020e+00, v3  }
0x21d: {  	(erf) = vrcp.f32 v25  }
0x21e: {  	(erf) = vpow2.f32 v3;
	_ =	sdelay $0x2  }
0x21f: {  	v1 =	vadd.f32 v7, v1;
	_ =	sdelay $0x1  }
0x220: {  	v1 =	vmul.f32 $9.999999770e-03, v1;
	_ =	sdelay $0x1  }
0x221: {  	v1 =	vadd.f32 v1, v0  }
0x222: {  	v3 =	vpop (erf)  }
0x223: {  	v25 =	vsub.f32 $0.0e+00, v1;
	v7 =	vpop (erf)  }
0x224: {  	v7 =	vadd.f32 $1.000000000e+00, v7  }
0x225: {  	v25 =	vmul.f32 $1.442695020e+00, v25  }
0x226: {  	(erf) = vrcp.f32 v7  }
0x227: {  	(erf) = vpow2.f32 v25;
	_ =	sdelay $0x6  }
0x228: {  	v2 =	vadd.f32 v4, v2  }
0x229: {  	v4 =	vpop (erf)  }
0x22a: {  	v2 =	vsub.f32 $0.0e+00, v2;
	v7 =	vpop (erf)  }
0x22b: {  	v7 =	vadd.f32 $1.000000000e+00, v7  }
0x22c: {  	v2 =	vmul.f32 $1.442695020e+00, v2  }
0x22d: {  	(erf) = vrcp.f32 v7  }
0x22e: {  	(erf) = vpow2.f32 v2  }
0x22f: {  	[tilespmem:$0xCB40] =	vst v10;
	v2 =	vadd.f32 $2.000000030e-01, v23  }
0x230: {  	[tilespmem:$0xCB50] =	vst v9  }
0x231: {  	[tilespmem:$0xCD00] =	vst v2;
	v2 =	vadd.f32 $2.000000030e-01, v20  }
0x232: {  	[tilespmem:$0xCB70] =	vst v1  }
0x233: {  	[tilespmem:$0xCD10] =	vst v2;
	v2 =	vadd.f32 $2.000000030e-01, v19  }
0x234: {  	[tilespmem:$0xCB60] =	vst v5  }
0x235: {  	[tilespmem:$0xCB00] =	vst v13  }
0x236: {  	[tilespmem:$0xCB10] =	vst v15;
	v7 =	vpop (erf)  }
0x237: {  	[tilespmem:$0xCD20] =	vst v2;
	v2 =	vpop (erf)  }
0x238: {  	[tilespmem:$0xC900] =	vst v24;
	v2 =	vadd.f32 $1.000000000e+00, v2  }
0x239: {  	[tilespmem:$0xCB20] =	vst v21  }
0x23a: {  	[tilespmem:$0xC910] =	vst v22;
	(erf) = vrcp.f32 v2  }
0x23b: {  	[tilespmem:$0xCB30] =	vst v17;
	v2 =	vadd.f32 $2.000000030e-01, v14  }
0x23c: {  	[tilespmem:$0xC920] =	vst v18  }
0x23d: {  	[tilespmem:$0xCD40] =	vst v2;
	v2 =	vadd.f32 $2.000000030e-01, v8  }
0x23e: {  	[tilespmem:$0xC930] =	vst v16;
	v12 =	vadd.f32 $2.000000030e-01, v12  }
0x23f: {  	[tilespmem:$0xCD50] =	vst v2;
	v2 =	vadd.f32 $2.000000030e-01, v4  }
0x240: {  	[tilespmem:$0xCD30] =	vst v12  }
0x241: {  	[tilespmem:$0xC940] =	vst v11  }
0x242: {  	[tilespmem:$0xC950] =	vst v6  }
0x243: {  	[tilespmem:$0xCD60] =	vst v2;
	v2 =	vpop (erf)  }
0x244: {  	[tilespmem:$0xC960] =	vst v3;
	v2 =	vadd.f32 $2.000000030e-01, v2  }
0x245: {  	[tilespmem:$0xC970] =	vst v7  }
0x246: {  	[tilespmem:$0xCD70] =	vst v2  }
0x247: {  	_ =	swait.ge [sflag:s20], $0x3200  }
0x248: {  	[sflag:s20] =	ssyncset.done $0x0  }
0x249: {  	s28 =	simm.s32 $0x0;
	[sflag:s20] =	ssyncadd.s32 $0xFFFFCE00  }
0x24a: {  	v3 =	vld [tilespmem:s28+$0x9640]  }
0x24b: {  	v4 =	vld [tilespmem:s28+$0x9670]  }
0x24c: {  	v13 =	vimm.f32 $0.0e+00;
	v15 =	vimm.f32 $0.0e+00;
	v2 =	vld [tilespmem:s28+$0x9650]  }
0x24d: {  	v24 =	vimm.f32 $0.0e+00;
	v21 =	vimm.f32 $0.0e+00;
	v22 =	vimm.f32 $0.0e+00;
	v5 =	vld [tilespmem:s28+$0x9660]  }
0x24e: {  	v17 =	vimm.f32 $0.0e+00;
	v18 =	vimm.f32 $0.0e+00;
	v16 =	vimm.f32 $0.0e+00  }
0x24f: {  	v11 =	vimm.f32 $0.0e+00;
	v1 =	vimm.f32 $0.0e+00;
	v8 =	vimm.f32 $0.0e+00;
	v23 =	vld [tilespmem:s28+$0x9610]  }
0x250: {  	v20 =	vld [tilespmem:s28+$0x9620];
	v6 =	vand.u32 $0xFFFF0000, v3;
	v7 =	vand.u32 $0xFFFF0000, v4;
	v4 =	vshll.u32 v4, $0x10  }
0x251: {  	v25 =	vld [tilespmem:s28+$0x9600];
	v12 =	vshll.u32 v3, $0x10;
	v3 =	vand.u32 $0xFFFF0000, v2;
	v14 =	vshll.u32 v2, $0x10  }
0x252: {  	v19 =	vld [tilespmem:s28+$0x9630];
	v2 =	vimm.f32 $0.0e+00;
	v10 =	vadd.f32 v6, v1;
	v6 =	vshll.u32 v5, $0x10  }
0x253: {  	s26 =	simm.s32 $0x200;
	v9 =	vadd.f32 v3, v1;
	v3 =	vadd.f32 v6, v1;
	v6 =	vimm.f32 $0.0e+00  }
.LBB2_8:
0x254: {  	s28 =	sshra.s32 s26, $0x2;
	p0 =	sne.s32 s26, $0xC600;
	s26 =	sadd.s32 $0x200, s26;
	v26 =	vand.u32 $0xFFFF0000, v23;
	v1 =	vadd.f32 v7, v1;
	v2 =	vadd.f32 v4, v2  }
0x255: {  	v4 =	vshll.u32 v23, $0x10;
	v7 =	vshll.u32 v20, $0x10;
	v6 =	vadd.f32 v14, v6;
	v27 =	vld [tilespmem:s28+$0x9650]  }
0x256: {  	v15 =	vadd.f32 v26, v15;
	v14 =	vld [tilespmem:s28+$0x9640];
	v28 =	vand.u32 $0xFFFF0000, v25;
	v23 =	vshll.u32 v25, $0x10  }
0x257: {  	v22 =	vadd.f32 v4, v22;
	v4 =	vand.u32 $0xFFFF0000, v20;
	v26 =	vld [tilespmem:s28+$0x9670];
	v25 =	vand.u32 $0xFFFF0000, v19  }
0x258: {  	v18 =	vadd.f32 v7, v18;
	v24 =	vadd.f32 v23, v24;
	v7 =	vshll.u32 v19, $0x10;
	v29 =	vld [tilespmem:s28+$0x9660]  }
0x259: {  	v11 =	vadd.f32 v12, v11;
	v21 =	vadd.f32 v4, v21;
	v4 =	vand.u32 $0xFFFF0000, v5;
	v23 =	vld [tilespmem:s28+$0x9610]  }
.Ltmp3:
0x25a: {  	v13 =	vadd.f32 v28, v13;
	v8 =	vadd.f32 v4, v8;
	v20 =	vld [tilespmem:s28+$0x9620];
	(pc) =	sbr.rel @p0 .LBB2_8-.Ltmp3, $4  }
0x25b: {  	v17 =	vadd.f32 v25, v17;
	v16 =	vadd.f32 v7, v16;
	v4 =	vand.u32 $0xFFFF0000, v14  }
0x25c: {  	v25 =	vld [tilespmem:s28+$0x9600];
	v10 =	vadd.f32 v4, v10;
	v7 =	vand.u32 $0xFFFF0000, v26;
	v4 =	vshll.u32 v26, $0x10  }
0x25d: {  	v12 =	vshll.u32 v14, $0x10;
	v26 =	vand.u32 $0xFFFF0000, v27;
	v19 =	vld [tilespmem:s28+$0x9630];
	v28 =	vshll.u32 v29, $0x10;
	v5 =	vmovc v29  }
0x25e: {  	v14 =	vshll.u32 v27, $0x10;
	v9 =	vadd.f32 v26, v9;
	v3 =	vadd.f32 v28, v3  }
0x25f: {  	_ =	sdelay $0x1  }
0x260: {  	v26 =	vand.u32 $0xFFFF0000, v25  }
0x261: {  	v13 =	vadd.f32 v26, v13;
	_ =	sdelay $0x1  }
0x262: {  	v13 =	vmul.f32 $9.999999770e-03, v13;
	_ =	sdelay $0x1  }
0x263: {  	v13 =	vadd.f32 v13, v0;
	_ =	sdelay $0x1  }
0x264: {  	v51 =	vsub.f32 $0.0e+00, v13;
	_ =	sdelay $0x1  }
0x265: {  	v26 =	vmul.f32 $1.442695020e+00, v51;
	_ =	sdelay $0x1  }
0x266: {  	(erf) = vpow2.f32 v26;
	_ =	sdelay $0x5  }
0x267: {  	v52 =	vshll.u32 v25, $0x10  }
0x268: {  	v24 =	vadd.f32 v52, v24;
	_ =	sdelay $0x1  }
0x269: {  	v24 =	vsub.f32 $0.0e+00, v24;
	v53 =	vpop (erf)  }
0x26a: {  	v25 =	vadd.f32 $1.000000000e+00, v53  }
0x26b: {  	v24 =	vmul.f32 $1.442695020e+00, v24  }
0x26c: {  	(erf) = vrcp.f32 v25  }
0x26d: {  	(erf) = vpow2.f32 v24;
	_ =	sdelay $0x1  }
0x26e: {  	v54 =	vand.u32 $0xFFFF0000, v23  }
0x26f: {  	v15 =	vadd.f32 v54, v15;
	_ =	sdelay $0x1  }
0x270: {  	v15 =	vmul.f32 $9.999999770e-03, v15;
	_ =	sdelay $0x1  }
0x271: {  	v15 =	vadd.f32 v15, v0  }
0x272: {  	v24 =	vpop (erf)  }
0x273: {  	v56 =	vsub.f32 $0.0e+00, v15;
	v55 =	vpop (erf)  }
0x274: {  	v25 =	vadd.f32 $1.000000000e+00, v55  }
0x275: {  	v26 =	vmul.f32 $1.442695020e+00, v56  }
0x276: {  	(erf) = vrcp.f32 v25  }
0x277: {  	(erf) = vpow2.f32 v26;
	_ =	sdelay $0x5  }
0x278: {  	v57 =	vshll.u32 v23, $0x10  }
0x279: {  	v22 =	vadd.f32 v57, v22  }
0x27a: {  	v58 =	vpop (erf)  }
0x27b: {  	v22 =	vsub.f32 $0.0e+00, v22;
	v59 =	vpop (erf)  }
0x27c: {  	v25 =	vadd.f32 $1.000000000e+00, v59  }
0x27d: {  	v22 =	vmul.f32 $1.442695020e+00, v22  }
0x27e: {  	(erf) = vrcp.f32 v25  }
0x27f: {  	(erf) = vpow2.f32 v22;
	_ =	sdelay $0x1  }
0x280: {  	v60 =	vand.u32 $0xFFFF0000, v20  }
0x281: {  	v21 =	vadd.f32 v60, v21;
	_ =	sdelay $0x1  }
0x282: {  	v21 =	vmul.f32 $9.999999770e-03, v21;
	_ =	sdelay $0x1  }
0x283: {  	v21 =	vadd.f32 v21, v0  }
0x284: {  	v61 =	vpop (erf)  }
0x285: {  	v63 =	vsub.f32 $0.0e+00, v21;
	v62 =	vpop (erf)  }
0x286: {  	v25 =	vadd.f32 $1.000000000e+00, v62  }
0x287: {  	v26 =	vmul.f32 $1.442695020e+00, v63  }
0x288: {  	(erf) = vrcp.f32 v25  }
0x289: {  	(erf) = vpow2.f32 v26;
	_ =	sdelay $0x5  }
0x28a: {  	v28 =	vshll.u32 v20, $0x10  }
0x28b: {  	v18 =	vadd.f32 v28, v18  }
0x28c: {  	v29 =	vpop (erf)  }
0x28d: {  	v18 =	vsub.f32 $0.0e+00, v18;
	v30 =	vpop (erf)  }
0x28e: {  	v25 =	vadd.f32 $1.000000000e+00, v30  }
0x28f: {  	v18 =	vmul.f32 $1.442695020e+00, v18  }
0x290: {  	(erf) = vrcp.f32 v25  }
0x291: {  	(erf) = vpow2.f32 v18;
	_ =	sdelay $0x1  }
0x292: {  	v31 =	vand.u32 $0xFFFF0000, v19  }
0x293: {  	v17 =	vadd.f32 v31, v17;
	_ =	sdelay $0x1  }
0x294: {  	v17 =	vmul.f32 $9.999999770e-03, v17;
	_ =	sdelay $0x1  }
0x295: {  	v17 =	vadd.f32 v17, v0  }
0x296: {  	v32 =	vpop (erf)  }
0x297: {  	v34 =	vsub.f32 $0.0e+00, v17;
	v33 =	vpop (erf)  }
0x298: {  	v25 =	vadd.f32 $1.000000000e+00, v33  }
0x299: {  	v26 =	vmul.f32 $1.442695020e+00, v34  }
0x29a: {  	(erf) = vrcp.f32 v25  }
0x29b: {  	(erf) = vpow2.f32 v26;
	_ =	sdelay $0x5  }
0x29c: {  	v35 =	vshll.u32 v19, $0x10  }
0x29d: {  	v16 =	vadd.f32 v35, v16  }
0x29e: {  	v36 =	vpop (erf)  }
0x29f: {  	v16 =	vsub.f32 $0.0e+00, v16;
	v37 =	vpop (erf)  }
0x2a0: {  	v25 =	vadd.f32 $1.000000000e+00, v37  }
0x2a1: {  	v16 =	vmul.f32 $1.442695020e+00, v16  }
0x2a2: {  	(erf) = vrcp.f32 v25  }
0x2a3: {  	(erf) = vpow2.f32 v16;
	_ =	sdelay $0x4  }
0x2a4: {  	v10 =	vmul.f32 $9.999999770e-03, v10;
	_ =	sdelay $0x1  }
0x2a5: {  	v10 =	vadd.f32 v10, v0  }
0x2a6: {  	v38 =	vpop (erf)  }
0x2a7: {  	v40 =	vsub.f32 $0.0e+00, v10;
	v39 =	vpop (erf)  }
0x2a8: {  	v25 =	vadd.f32 $1.000000000e+00, v39  }
0x2a9: {  	v26 =	vmul.f32 $1.442695020e+00, v40  }
0x2aa: {  	(erf) = vrcp.f32 v25  }
0x2ab: {  	(erf) = vpow2.f32 v26;
	_ =	sdelay $0x6  }
0x2ac: {  	v11 =	vadd.f32 v12, v11  }
0x2ad: {  	v41 =	vpop (erf)  }
0x2ae: {  	v11 =	vsub.f32 $0.0e+00, v11;
	v42 =	vpop (erf)  }
0x2af: {  	v25 =	vadd.f32 $1.000000000e+00, v42  }
0x2b0: {  	v11 =	vmul.f32 $1.442695020e+00, v11  }
0x2b1: {  	(erf) = vrcp.f32 v25  }
0x2b2: {  	(erf) = vpow2.f32 v11;
	_ =	sdelay $0x4  }
0x2b3: {  	v9 =	vmul.f32 $9.999999770e-03, v9;
	_ =	sdelay $0x1  }
0x2b4: {  	v9 =	vadd.f32 v9, v0  }
0x2b5: {  	v43 =	vpop (erf)  }
0x2b6: {  	v45 =	vsub.f32 $0.0e+00, v9;
	v44 =	vpop (erf)  }
0x2b7: {  	v25 =	vadd.f32 $1.000000000e+00, v44  }
0x2b8: {  	v26 =	vmul.f32 $1.442695020e+00, v45  }
0x2b9: {  	(erf) = vrcp.f32 v25  }
0x2ba: {  	(erf) = vpow2.f32 v26;
	_ =	sdelay $0x6  }
0x2bb: {  	v6 =	vadd.f32 v14, v6  }
0x2bc: {  	v46 =	vpop (erf)  }
0x2bd: {  	v6 =	vsub.f32 $0.0e+00, v6;
	v47 =	vpop (erf)  }
0x2be: {  	v25 =	vadd.f32 $1.000000000e+00, v47  }
0x2bf: {  	v6 =	vmul.f32 $1.442695020e+00, v6  }
0x2c0: {  	(erf) = vrcp.f32 v25  }
0x2c1: {  	(erf) = vpow2.f32 v6;
	_ =	sdelay $0x1  }
0x2c2: {  	v5 =	vand.u32 $0xFFFF0000, v5  }
0x2c3: {  	v5 =	vadd.f32 v5, v8;
	_ =	sdelay $0x1  }
0x2c4: {  	v5 =	vmul.f32 $9.999999770e-03, v5;
	_ =	sdelay $0x1  }
0x2c5: {  	v5 =	vadd.f32 v5, v0  }
0x2c6: {  	v48 =	vpop (erf)  }
0x2c7: {  	v50 =	vsub.f32 $0.0e+00, v5;
	v49 =	vpop (erf)  }
0x2c8: {  	v8 =	vadd.f32 $1.000000000e+00, v49  }
0x2c9: {  	v25 =	vmul.f32 $1.442695020e+00, v50  }
0x2ca: {  	(erf) = vrcp.f32 v8  }
0x2cb: {  	(erf) = vpow2.f32 v25;
	_ =	sdelay $0x7  }
0x2cc: {  	v8 =	vpop (erf)  }
0x2cd: {  	v3 =	vsub.f32 $0.0e+00, v3;
	v25 =	vpop (erf)  }
0x2ce: {  	v25 =	vadd.f32 $1.000000000e+00, v25  }
0x2cf: {  	v3 =	vmul.f32 $1.442695020e+00, v3  }
0x2d0: {  	(erf) = vrcp.f32 v25  }
0x2d1: {  	(erf) = vpow2.f32 v3;
	_ =	sdelay $0x2  }
0x2d2: {  	v1 =	vadd.f32 v7, v1;
	_ =	sdelay $0x1  }
0x2d3: {  	v1 =	vmul.f32 $9.999999770e-03, v1;
	_ =	sdelay $0x1  }
0x2d4: {  	v51 =	vadd.f32 v1, v0  }
0x2d5: {  	v52 =	vpop (erf)  }
0x2d6: {  	v53 =	vsub.f32 $0.0e+00, v51;
	v3 =	vpop (erf)  }
0x2d7: {  	v3 =	vadd.f32 $1.000000000e+00, v3  }
0x2d8: {  	v7 =	vmul.f32 $1.442695020e+00, v53  }
0x2d9: {  	(erf) = vrcp.f32 v3  }
0x2da: {  	(erf) = vpow2.f32 v7;
	_ =	sdelay $0x6  }
0x2db: {  	v2 =	vadd.f32 v4, v2  }
0x2dc: {  	v3 =	vpop (erf)  }
0x2dd: {  	v2 =	vsub.f32 $0.0e+00, v2;
	v54 =	vpop (erf)  }
0x2de: {  	v4 =	vadd.f32 $1.000000000e+00, v54  }
0x2df: {  	v2 =	vmul.f32 $1.442695020e+00, v2  }
0x2e0: {  	(erf) = vrcp.f32 v4  }
0x2e1: {  	(erf) = vpow2.f32 v2  }
0x2e2: {  	[tilespmem:$0xCBC0] =	vst v10  }
0x2e3: {  	[tilespmem:$0xCBD0] =	vst v9  }
0x2e4: {  	[tilespmem:$0xCB90] =	vst v15  }
0x2e5: {  	[tilespmem:$0xCBA0] =	vst v21  }
0x2e6: {  	[tilespmem:$0xCBE0] =	vst v5  }
0x2e7: {  	[tilespmem:$0xCB80] =	vst v13  }
0x2e8: {  	[tilespmem:$0xCBB0] =	vst v17  }
0x2e9: {  	[tilespmem:$0xCBF0] =	vst v51;
	v55 =	vadd.f32 $2.000000030e-01, v58;
	v4 =	vpop (erf)  }
0x2ea: {  	[tilespmem:$0xC980] =	vst v24;
	v58 =	vpop (erf)  }
0x2eb: {  	[tilespmem:$0xCD80] =	vst v55;
	v56 =	vadd.f32 $2.000000030e-01, v29;
	v2 =	vadd.f32 $1.000000000e+00, v58  }
0x2ec: {  	[tilespmem:$0xC990] =	vst v61  }
0x2ed: {  	[tilespmem:$0xCD90] =	vst v56;
	v57 =	vadd.f32 $2.000000030e-01, v36;
	(erf) = vrcp.f32 v2  }
0x2ee: {  	[tilespmem:$0xC9A0] =	vst v32  }
0x2ef: {  	[tilespmem:$0xCDA0] =	vst v57;
	v59 =	vadd.f32 $2.000000030e-01, v41  }
0x2f0: {  	[tilespmem:$0xC9B0] =	vst v38  }
0x2f1: {  	[tilespmem:$0xCDB0] =	vst v59;
	v60 =	vadd.f32 $2.000000030e-01, v46  }
0x2f2: {  	[tilespmem:$0xC9C0] =	vst v43  }
0x2f3: {  	[tilespmem:$0xCDC0] =	vst v60;
	v61 =	vadd.f32 $2.000000030e-01, v8  }
0x2f4: {  	[tilespmem:$0xC9D0] =	vst v48  }
0x2f5: {  	[tilespmem:$0xCDD0] =	vst v61;
	v62 =	vadd.f32 $2.000000030e-01, v3  }
0x2f6: {  	[tilespmem:$0xC9E0] =	vst v52;
	v63 =	vpop (erf)  }
0x2f7: {  	[tilespmem:$0xCDE0] =	vst v62;
	v1 =	vadd.f32 $2.000000030e-01, v63  }
0x2f8: {  	[tilespmem:$0xC9F0] =	vst v4  }
0x2f9: {  	[tilespmem:$0xCDF0] =	vst v1  }
0x2fa: {  	[hbm4b:s9+s2] =	stream.linear.scatter [tilespmem:s22], [sflag:$0x5], $0x200, $0x38;
	[tilespmem:$0xCE80] =	vst v63  }
0x2fb: {  	_ =	swait.ge [sflag:s14], $0x200  }
0x2fc: {  	[sflag:s14] =	ssyncset.done $0x0  }
0x2fd: {  	[sflag:s14] =	ssyncadd.s32 $0xFFFFFE00  }
0x2fe: {  	[hbm4b:s10+s2] =	stream.linear.scatter [tilespmem:s23], [sflag:$0x5], $0x200, $0x38;
	[tilespmem:$0xCE80] =	vst v63  }
0x2ff: {  	s25 =	sadd.s32 $0x1, s25;
	_ =	swait.ge [sflag:s14], $0x200  }
0x300: {  	p0 =	sne.s32 s25, s12;
	[sflag:s14] =	ssyncset.done $0x0  }
.Ltmp4:
0x301: {  	[sflag:s14] =	ssyncadd.s32 $0xFFFFFE00;
	(pc) =	sbr.rel @p0 .LBB2_1-.Ltmp4, $4  }
0x302: {  	[hbm4b:s11+s2] =	stream.linear.scatter [tilespmem:s24], [sflag:$0x5], $0x200, $0x38;
	[tilespmem:$0xCE80] =	vst v63  }
0x303: {  	_ =	swait.ge [sflag:s14], $0x200  }
0x304: {  	[sflag:s14] =	ssyncset.done $0x0  }
0x305: {  	[sflag:s14] =	ssyncadd.s32 $0xFFFFFE00  }
0x306: {  	_ =	sfence.sel $0x180000  }
0x307: {  	[bflag:$0x0] =	sbarrier.arrive $0xFFFF  }
0x308: {  	p0 =	sne.s32 s1, $0x0;
	_ =	strace $0x90000047  }
0x309: {  	s0 =	sadd.s32 @!p0 $0x100000, s0;
	[bflag:$0x2] =	sbarrier.arrive $0xFFFF  }
0x30a: {  	[sflag:s0] =	ssyncadd.tile.s32 @!p0 $0x1;
	_ =	shalt  }
.Lfunc_end2:
_tile_overlayer_lowered:
.L_overlay_start_2:
0x30b: {  	(tag) =	ssettag $0x2  }
0x30c: {  	s0 =	rddreg [dreg:$0x0];
	s2 =	stileid.u32  }
0x30d: {  	s1 =	rddreg [dreg:$0x1];
	p0 =	sne.s32 s2, $0x0  }
0x30e: {  	s3 =	rddreg [dreg:$0x2];
	[bflag:$0x3] =	sbarrier.arrive $0xFFFF;
	s2 =	simm.s32 @!p0 $0x1C05  }
0x30f: {  	[timem:s3], [sflag:s2] =	dma.local @!p0 [hbm:s0], s1  }
0x310: {  	s0 =	simm.s32 @!p0 $0x5  }
0x311: {  	_ =	swait.ge @!p0 [sflag:s0], s1  }
0x312: {  	s1 =	ssub.s32 @!p0 $0x0, s1;
	[sflag:s0] =	ssyncset.done @!p0 $0x0  }
0x313: {  	[sflag:s0] =	ssyncadd.s32 @!p0 s1  }
0x314: {  	[bflag:$0x3] =	sbarrier.arrive $0xFFFF  }
0x315: {  	_ =	shalt  }

</sc_bundles>
